<compile_context>
chip_gen: v7x
topology: tpu7x:2x2x1
jax: 0.10.2.dev20260603
libtpu: 0.0.44.dev20260713+nightly
codegen_flags: <defaults>
</compile_context>

<pallas_src>
import functools

import jax
import jax.numpy as jnp
from jax import lax
from jax.experimental import pallas as pl
from jax.experimental.pallas import tpu as pltpu
from jax.experimental.pallas import tpu_sc as plsc

B = 4
W = 2048
FN = 128
D = 16
NOFF = 2 * D + 1
TAU = 0.1
ALPHA = 0.5
CA = -ALPHA / TAU
CS = -(1.0 - ALPHA) / TAU
LOG2E = 1.4426950408889634
K2 = CS * LOG2E

LANES = 16
NW = 32
SPLIT = 384
WPB = NW // B
CHUNK = SPLIT // WPB
STAGE = CHUNK + 2 * D


def _sc_body(subed_hbm, sub_hbm, out_hbm, subed_v, sub_v, out_v):
    c = lax.axis_index("c")
    s = lax.axis_index("s")
    wid = s * 2 + c
    b = wid // WPB
    t0 = pl.multiple_of((wid % WPB) * CHUNK, 8)
    is_left = (wid % WPB) == 0

    pltpu.sync_copy(subed_hbm.at[b, pl.ds(t0, CHUNK)], subed_v)

    @pl.when(jnp.logical_not(is_left))
    def _():
        pltpu.sync_copy(sub_hbm.at[b, pl.ds(pl.multiple_of(t0 - D, 8), STAGE)],
                        sub_v)

    @pl.when(is_left)
    def _():
        pltpu.sync_copy(sub_hbm.at[b, pl.ds(0, STAGE - D)],
                        sub_v.at[pl.ds(D, STAGE - D)])

    @pl.when(is_left)
    def _():
        for j in range(D):
            for cc in range(FN // LANES):
                sub_v[j, pl.ds(cc * LANES, LANES)] = (
                    sub_v[2 * D - j, pl.ds(cc * LANES, LANES)])

    def flat_body(i, carry):
        r = i >> 3
        f0 = (i & 7) * LANES
        x = subed_v[r, pl.ds(f0, LANES)]
        res0 = x - sub_v[r, pl.ds(f0, LANES)]
        dmin = jnp.abs(res0) + res0 * res0
        for o in range(1, NOFF):
            g = sub_v[r + o, pl.ds(f0, LANES)]
            res = x - g
            dmin = jnp.minimum(dmin, jnp.abs(res) + res * res)
        num = jnp.zeros((LANES,), jnp.float32)
        den = jnp.zeros((LANES,), jnp.float32)
        for o in range(NOFF):
            g = sub_v[r + o, pl.ds(f0, LANES)]
            res = x - g
            a = jnp.abs(res)
            e = jnp.exp(CS * (a + res * res - dmin))
            den = den + e
            num = num + e * res
        out_v[r, pl.ds(f0, LANES)] = num / den
        return carry

    lax.fori_loop(0, CHUNK * (FN // LANES), flat_body, 0)
    pltpu.sync_copy(out_v, out_hbm.at[b, pl.ds(t0, CHUNK)])


_offset_sub_sc = functools.partial(
    pl.kernel,
    out_type=jax.ShapeDtypeStruct((B, SPLIT, FN), jnp.float32),
    mesh=plsc.VectorSubcoreMesh(core_axis_name="c", subcore_axis_name="s"),
    scratch_types=[
        pltpu.VMEM((CHUNK, FN), jnp.float32),
        pltpu.VMEM((STAGE, FN), jnp.float32),
        pltpu.VMEM((CHUNK, FN), jnp.float32),
    ],
)(_sc_body)


def _tc_body(sub_ref, tail_ref, subed_ref, out_ref):
    wh = W - SPLIT
    x = lax.slice(subed_ref[0], (SPLIT, 0), (W, FN))
    pad = jnp.concatenate(
        [lax.slice(sub_ref[0], (SPLIT - D, 0), (W, FN)), tail_ref[0]], axis=0)
    res0 = x - lax.slice(pad, (0, 0), (wh, FN))
    dmin = jnp.abs(res0) + res0 * res0
    for o in range(1, NOFF):
        g = lax.slice(pad, (o, 0), (o + wh, FN))
        res = x - g
        dmin = jnp.minimum(dmin, jnp.abs(res) + res * res)
    num = jnp.zeros_like(x)
    den = jnp.zeros_like(x)
    for o in range(NOFF):
        g = lax.slice(pad, (o, 0), (o + wh, FN))
        res = x - g
        a = jnp.abs(res)
        e = jnp.exp2(K2 * (a + res * res - dmin))
        den = den + e
        num = num + e * res
    out_ref[0] = num / den


def _tc_call(subed, sub, tail):
    return pl.pallas_call(
        _tc_body,
        grid=(B,),
        in_specs=[
            pl.BlockSpec((1, W, FN), lambda b: (b, 0, 0)),
            pl.BlockSpec((1, D, FN), lambda b: (b, 0, 0)),
            pl.BlockSpec((1, W, FN), lambda b: (b, 0, 0)),
        ],
        out_specs=pl.BlockSpec((1, W - SPLIT, FN), lambda b: (b, 0, 0)),
        out_shape=jax.ShapeDtypeStruct((B, W - SPLIT, FN), jnp.float32),
    )(sub, tail, subed)


def kernel(subed, sub):
    out_lo = _offset_sub_sc(subed, sub)
    tail = sub[:, W - 2:W - 2 - D:-1, :]
    out_hi = _tc_call(subed, sub, tail)
    return jnp.concatenate([out_lo, out_hi], axis=1)

# --- scband reference (transcript-rebuilt; emitter-appended) ---
"""Pipeline reference for scband-offset-subtraction-86062554677365 (READ-ONLY COPY).

The authoritative reference and input builder live on the scoring server;
editing this copy changes nothing except your own understanding.
"""

import jax, jax.numpy as jnp
import numpy as np

B = 4
W = 2048   # window_size
FN = 128   # feature_num
D = 16     # delay radius
TAU = 0.1
ALPHA = 0.5


def _delay():
    # matches torch: [0, 1..d, -1..-d]
    return jnp.array([0] + [i for i in range(1, D + 1)] + [-i for i in range(1, D + 1)], dtype=jnp.int32)


def setup_inputs(seed: int = 0) -> dict:
    key = jax.random.key(seed)
    k1, k2 = jax.random.split(key)
    subed = jax.random.normal(k1, (B, W, FN), dtype=jnp.float32)
    sub = jax.random.normal(k2, (B, W, FN), dtype=jnp.float32)
    return {"subed": subed, "sub": sub}


def reference(subed, sub):
    # F.pad(sub, (0,0,d,d), mode='reflect') pads the time axis (dim 1)
    sub_pad = jnp.pad(sub, ((0, 0), (D, D), (0, 0)), mode='reflect')
    delay = _delay()                                   # [2D+1]
    # index[i, o] = i + D + delay[o]  (identical across feature dim in torch code)
    idx = jnp.arange(W, dtype=jnp.int32)[:, None] + D + delay[None, :]   # [W, 2D+1]
    # torch.gather along dim=1 of the repeated tensor reduces to this fancy-index gather
    gathered = sub_pad[:, idx, :]                      # [B, W, 2D+1, FN]
    gathered = jnp.transpose(gathered, (0, 1, 3, 2))   # [B, W, FN, 2D+1]
    res = subed[..., None] - gathered                  # [B, W, FN, 2D+1]
    diff = ALPHA * jnp.abs(res) + (1.0 - ALPHA) * res ** 2
    weights = jax.nn.softmax(-diff / TAU, axis=-1)
    out = (res * weights).sum(axis=-1)                 # [B, W, FN]
    return out

if __name__ == "__main__":
    import jax
    _d = setup_inputs()
    print(jax.jit(kernel)(*tuple(_d.values())))

</pallas_src>

<mosaic_0001>
#map = affine_map<(d0, d1) -> (0, 0, 0)>
module attributes {stable_mosaic.version = 14 : i64} {
  func.func @_sc_body(%arg0: i32, %arg1: i32, %arg2: memref<4x2048x128xf32, #tpu.memory_space<hbm>>, %arg3: memref<4x2048x128xf32, #tpu.memory_space<hbm>>, %arg4: memref<4x384x128xf32, #tpu.memory_space<hbm>>, %arg5: memref<48x128xf32, #tpu.memory_space<vmem>>, %arg6: memref<80x128xf32, #tpu.memory_space<vmem>>, %arg7: memref<48x128xf32, #tpu.memory_space<vmem>>) attributes {dimension_semantics = [#tpu.dimension_semantics<core_parallel>, #tpu.dimension_semantics<subcore_parallel>], iteration_bounds = array<i64: 2, 16>, scalar_prefetch = 0 : i64, scratch_operands = 3 : i64, tpu.core_type = #tpu.core_type<sc_vector_subcore>, window_params = [{transform_indices = #map}, {transform_indices = #map}, {transform_indices = #map}]} {
    %mul3A = arith.constant 2 : i32
    %mul3A_0 = arith.muli %arg1, %mul3A : i32
    %add3A = arith.addi %mul3A_0, %arg0 : i32
    %jit3A = arith.constant 8 : i32
    %div3A = arith.divsi %add3A, %jit3A : i32
    %sign3A = arith.constant 0 : i32
    %sign3A_1 = arith.cmpi sgt, %add3A, %sign3A : i32
    %sign3A_2 = arith.extui %sign3A_1 : i1 to i32
    %sign3A_3 = arith.constant 0 : i32
    %sign3A_4 = arith.cmpi slt, %add3A, %sign3A_3 : i32
    %sign3A_5 = arith.extui %sign3A_4 : i1 to i32
    %sign3A_6 = arith.subi %sign3A_2, %sign3A_5 : i32
    %sign3A_7 = arith.constant 0 : i32
    %sign3A_8 = arith.cmpi sgt, %jit3A, %sign3A_7 : i32
    %sign3A_9 = arith.extui %sign3A_8 : i1 to i32
    %sign3A_10 = arith.constant 0 : i32
    %sign3A_11 = arith.cmpi slt, %jit3A, %sign3A_10 : i32
    %sign3A_12 = arith.extui %sign3A_11 : i1 to i32
    %sign3A_13 = arith.subi %sign3A_9, %sign3A_12 : i32
    %ne3A = arith.cmpi ne, %sign3A_6, %sign3A_13 : i32
    %rem3A = arith.remsi %add3A, %jit3A : i32
    %ne3A_14 = arith.constant 0 : i32
    %ne3A_15 = arith.cmpi ne, %rem3A, %ne3A_14 : i32
    %and3A = arith.andi %ne3A, %ne3A_15 : i1
    %sub3A = arith.constant 1 : i32
    %sub3A_16 = arith.subi %div3A, %sub3A : i32
    %select_n3A = arith.select %and3A, %sub3A_16, %div3A : i32
    %jit3A_17 = arith.constant 8 : i32
    %eq3A = arith.constant 0 : i32
    %eq3A_18 = arith.cmpi eq, %jit3A_17, %eq3A : i32
    %jit3A_19 = arith.constant 1 : i32
    %select_n3A_20 = arith.select %eq3A_18, %jit3A_19, %jit3A_17 : i32
    %rem3A_21 = arith.remsi %add3A, %select_n3A_20 : i32
    %ne3A_22 = arith.constant 0 : i32
    %ne3A_23 = arith.cmpi ne, %rem3A_21, %ne3A_22 : i32
    %lt3A = arith.constant 0 : i32
    %lt3A_24 = arith.cmpi slt, %rem3A_21, %lt3A : i32
    %lt3A_25 = arith.constant 0 : i32
    %lt3A_26 = arith.cmpi slt, %select_n3A_20, %lt3A_25 : i32
    %ne3A_27 = arith.xori %lt3A_24, %lt3A_26 : i1
    %and3A_28 = arith.andi %ne3A_27, %ne3A_23 : i1
    %add3A_29 = arith.addi %rem3A_21, %select_n3A_20 : i32
    %select_n3A_30 = arith.select %and3A_28, %add3A_29, %rem3A_21 : i32
    %mul3A_31 = arith.constant 48 : i32
    %mul3A_32 = arith.muli %select_n3A_30, %mul3A_31 : i32
    %multiple_of3A = tpu.assume_multiple %mul3A_32, 8 : i32
    %jit3A_33 = arith.constant 8 : i32
    %eq3A_34 = arith.constant 0 : i32
    %eq3A_35 = arith.cmpi eq, %jit3A_33, %eq3A_34 : i32
    %jit3A_36 = arith.constant 1 : i32
    %select_n3A_37 = arith.select %eq3A_35, %jit3A_36, %jit3A_33 : i32
    %rem3A_38 = arith.remsi %add3A, %select_n3A_37 : i32
    %ne3A_39 = arith.constant 0 : i32
    %ne3A_40 = arith.cmpi ne, %rem3A_38, %ne3A_39 : i32
    %lt3A_41 = arith.constant 0 : i32
    %lt3A_42 = arith.cmpi slt, %rem3A_38, %lt3A_41 : i32
    %lt3A_43 = arith.constant 0 : i32
    %lt3A_44 = arith.cmpi slt, %select_n3A_37, %lt3A_43 : i32
    %ne3A_45 = arith.xori %lt3A_42, %lt3A_44 : i1
    %and3A_46 = arith.andi %ne3A_45, %ne3A_40 : i1
    %add3A_47 = arith.addi %rem3A_38, %select_n3A_37 : i32
    %select_n3A_48 = arith.select %and3A_46, %add3A_47, %rem3A_38 : i32
    %eq3A_49 = arith.constant 0 : i32
    %eq3A_50 = arith.cmpi eq, %select_n3A_48, %eq3A_49 : i32
    "tpu.region"() ({
      %run_scoped3A = tpu.sem_alloc : memref<!tpu.dma_semaphore, #tpu.memory_space<semaphore_mem>>
      %dma_start3A = arith.constant 0 : i32
      %dma_start3A_64 = tpu.memref_slice %arg2[%select_n3A, %multiple_of3A, %dma_start3A] : memref<4x2048x128xf32, #tpu.memory_space<hbm>> -> memref<1x48x128xf32, #tpu.memory_space<hbm>>
      %dma_start3A_65 = tpu.memref_squeeze %dma_start3A_64 : memref<1x48x128xf32, #tpu.memory_space<hbm>> -> memref<48x128xf32, #tpu.memory_space<hbm>>
      %dma_start3A_66 = arith.constant 0 : i32
      %dma_start3A_67 = tpu.memref_slice %arg2[%select_n3A, %multiple_of3A, %dma_start3A_66] : memref<4x2048x128xf32, #tpu.memory_space<hbm>> -> memref<1x48x128xf32, #tpu.memory_space<hbm>>
      %dma_start3A_68 = tpu.memref_squeeze %dma_start3A_67 : memref<1x48x128xf32, #tpu.memory_space<hbm>> -> memref<48x128xf32, #tpu.memory_space<hbm>>
      tpu.enqueue_dma source(%dma_start3A_68 : memref<48x128xf32, #tpu.memory_space<hbm>>) target(%arg5 : memref<48x128xf32, #tpu.memory_space<vmem>>) target_semaphore(%run_scoped3A : memref<!tpu.dma_semaphore, #tpu.memory_space<semaphore_mem>>)
      %dma_wait3A = arith.constant 0 : i32
      %dma_wait3A_69 = tpu.memref_slice %arg2[%select_n3A, %multiple_of3A, %dma_wait3A] : memref<4x2048x128xf32, #tpu.memory_space<hbm>> -> memref<1x48x128xf32, #tpu.memory_space<hbm>>
      %dma_wait3A_70 = tpu.memref_squeeze %dma_wait3A_69 : memref<1x48x128xf32, #tpu.memory_space<hbm>> -> memref<48x128xf32, #tpu.memory_space<hbm>>
      %dma_wait3A_71 = arith.constant 0 : i32
      %dma_wait3A_72 = tpu.memref_slice %arg2[%select_n3A, %multiple_of3A, %dma_wait3A_71] : memref<4x2048x128xf32, #tpu.memory_space<hbm>> -> memref<1x48x128xf32, #tpu.memory_space<hbm>>
      %dma_wait3A_73 = tpu.memref_squeeze %dma_wait3A_72 : memref<1x48x128xf32, #tpu.memory_space<hbm>> -> memref<48x128xf32, #tpu.memory_space<hbm>>
      tpu.wait_dma2 semaphore(%run_scoped3A : memref<!tpu.dma_semaphore, #tpu.memory_space<semaphore_mem>>) src(%dma_wait3A_73 : memref<48x128xf32, #tpu.memory_space<hbm>>) dst(%arg5 : memref<48x128xf32, #tpu.memory_space<vmem>>)
      tpu.yield
    }) : () -> ()
    %not3A = arith.constant true
    %not3A_51 = arith.xori %eq3A_50, %not3A : i1
    %convert_element_type3A = arith.extui %not3A_51 : i1 to i32
    %cond3A = arith.constant 0 : i32
    %cond3A_52 = arith.cmpi ne, %convert_element_type3A, %cond3A : i32
    scf.if %cond3A_52 {
      %sub3A_64 = arith.constant 16 : i32
      %sub3A_65 = arith.subi %multiple_of3A, %sub3A_64 : i32
      %multiple_of3A_66 = tpu.assume_multiple %sub3A_65, 8 : i32
      "tpu.region"() ({
        %run_scoped3A = tpu.sem_alloc : memref<!tpu.dma_semaphore, #tpu.memory_space<semaphore_mem>>
        %dma_start3A = arith.constant 0 : i32
        %dma_start3A_67 = tpu.memref_slice %arg3[%select_n3A, %multiple_of3A_66, %dma_start3A] : memref<4x2048x128xf32, #tpu.memory_space<hbm>> -> memref<1x80x128xf32, #tpu.memory_space<hbm>>
        %dma_start3A_68 = tpu.memref_squeeze %dma_start3A_67 : memref<1x80x128xf32, #tpu.memory_space<hbm>> -> memref<80x128xf32, #tpu.memory_space<hbm>>
        %dma_start3A_69 = arith.constant 0 : i32
        %dma_start3A_70 = tpu.memref_slice %arg3[%select_n3A, %multiple_of3A_66, %dma_start3A_69] : memref<4x2048x128xf32, #tpu.memory_space<hbm>> -> memref<1x80x128xf32, #tpu.memory_space<hbm>>
        %dma_start3A_71 = tpu.memref_squeeze %dma_start3A_70 : memref<1x80x128xf32, #tpu.memory_space<hbm>> -> memref<80x128xf32, #tpu.memory_space<hbm>>
        tpu.enqueue_dma source(%dma_start3A_71 : memref<80x128xf32, #tpu.memory_space<hbm>>) target(%arg6 : memref<80x128xf32, #tpu.memory_space<vmem>>) target_semaphore(%run_scoped3A : memref<!tpu.dma_semaphore, #tpu.memory_space<semaphore_mem>>)
        %dma_wait3A = arith.constant 0 : i32
        %dma_wait3A_72 = tpu.memref_slice %arg3[%select_n3A, %multiple_of3A_66, %dma_wait3A] : memref<4x2048x128xf32, #tpu.memory_space<hbm>> -> memref<1x80x128xf32, #tpu.memory_space<hbm>>
        %dma_wait3A_73 = tpu.memref_squeeze %dma_wait3A_72 : memref<1x80x128xf32, #tpu.memory_space<hbm>> -> memref<80x128xf32, #tpu.memory_space<hbm>>
        %dma_wait3A_74 = arith.constant 0 : i32
        %dma_wait3A_75 = tpu.memref_slice %arg3[%select_n3A, %multiple_of3A_66, %dma_wait3A_74] : memref<4x2048x128xf32, #tpu.memory_space<hbm>> -> memref<1x80x128xf32, #tpu.memory_space<hbm>>
        %dma_wait3A_76 = tpu.memref_squeeze %dma_wait3A_75 : memref<1x80x128xf32, #tpu.memory_space<hbm>> -> memref<80x128xf32, #tpu.memory_space<hbm>>
        tpu.wait_dma2 semaphore(%run_scoped3A : memref<!tpu.dma_semaphore, #tpu.memory_space<semaphore_mem>>) src(%dma_wait3A_76 : memref<80x128xf32, #tpu.memory_space<hbm>>) dst(%arg6 : memref<80x128xf32, #tpu.memory_space<vmem>>)
        tpu.yield
      }) : () -> ()
    } else {
    }
    %convert_element_type3A_53 = arith.extui %eq3A_50 : i1 to i32
    %cond3A_54 = arith.constant 0 : i32
    %cond3A_55 = arith.cmpi ne, %convert_element_type3A_53, %cond3A_54 : i32
    scf.if %cond3A_55 {
      "tpu.region"() ({
        %run_scoped3A = tpu.sem_alloc : memref<!tpu.dma_semaphore, #tpu.memory_space<semaphore_mem>>
        %dma_start3A = arith.constant 16 : i32
        %dma_start3A_64 = arith.constant 0 : i32
        %dma_start3A_65 = tpu.memref_slice %arg6[%dma_start3A, %dma_start3A_64] : memref<80x128xf32, #tpu.memory_space<vmem>> -> memref<64x128xf32, #tpu.memory_space<vmem>>
        %dma_start3A_66 = arith.constant 0 : i32
        %dma_start3A_67 = arith.constant 0 : i32
        %dma_start3A_68 = tpu.memref_slice %arg3[%select_n3A, %dma_start3A_66, %dma_start3A_67] : memref<4x2048x128xf32, #tpu.memory_space<hbm>> -> memref<1x64x128xf32, #tpu.memory_space<hbm>>
        %dma_start3A_69 = tpu.memref_squeeze %dma_start3A_68 : memref<1x64x128xf32, #tpu.memory_space<hbm>> -> memref<64x128xf32, #tpu.memory_space<hbm>>
        %dma_start3A_70 = arith.constant 16 : i32
        %dma_start3A_71 = arith.constant 0 : i32
        %dma_start3A_72 = tpu.memref_slice %arg6[%dma_start3A_70, %dma_start3A_71] : memref<80x128xf32, #tpu.memory_space<vmem>> -> memref<64x128xf32, #tpu.memory_space<vmem>>
        %dma_start3A_73 = arith.constant 0 : i32
        %dma_start3A_74 = arith.constant 0 : i32
        %dma_start3A_75 = tpu.memref_slice %arg3[%select_n3A, %dma_start3A_73, %dma_start3A_74] : memref<4x2048x128xf32, #tpu.memory_space<hbm>> -> memref<1x64x128xf32, #tpu.memory_space<hbm>>
        %dma_start3A_76 = tpu.memref_squeeze %dma_start3A_75 : memref<1x64x128xf32, #tpu.memory_space<hbm>> -> memref<64x128xf32, #tpu.memory_space<hbm>>
        tpu.enqueue_dma source(%dma_start3A_76 : memref<64x128xf32, #tpu.memory_space<hbm>>) target(%dma_start3A_72 : memref<64x128xf32, #tpu.memory_space<vmem>>) target_semaphore(%run_scoped3A : memref<!tpu.dma_semaphore, #tpu.memory_space<semaphore_mem>>)
        %dma_wait3A = arith.constant 16 : i32
        %dma_wait3A_77 = arith.constant 0 : i32
        %dma_wait3A_78 = tpu.memref_slice %arg6[%dma_wait3A, %dma_wait3A_77] : memref<80x128xf32, #tpu.memory_space<vmem>> -> memref<64x128xf32, #tpu.memory_space<vmem>>
        %dma_wait3A_79 = arith.constant 0 : i32
        %dma_wait3A_80 = arith.constant 0 : i32
        %dma_wait3A_81 = tpu.memref_slice %arg3[%select_n3A, %dma_wait3A_79, %dma_wait3A_80] : memref<4x2048x128xf32, #tpu.memory_space<hbm>> -> memref<1x64x128xf32, #tpu.memory_space<hbm>>
        %dma_wait3A_82 = tpu.memref_squeeze %dma_wait3A_81 : memref<1x64x128xf32, #tpu.memory_space<hbm>> -> memref<64x128xf32, #tpu.memory_space<hbm>>
        %dma_wait3A_83 = arith.constant 16 : i32
        %dma_wait3A_84 = arith.constant 0 : i32
        %dma_wait3A_85 = tpu.memref_slice %arg6[%dma_wait3A_83, %dma_wait3A_84] : memref<80x128xf32, #tpu.memory_space<vmem>> -> memref<64x128xf32, #tpu.memory_space<vmem>>
        %dma_wait3A_86 = arith.constant 0 : i32
        %dma_wait3A_87 = arith.constant 0 : i32
        %dma_wait3A_88 = tpu.memref_slice %arg3[%select_n3A, %dma_wait3A_86, %dma_wait3A_87] : memref<4x2048x128xf32, #tpu.memory_space<hbm>> -> memref<1x64x128xf32, #tpu.memory_space<hbm>>
        %dma_wait3A_89 = tpu.memref_squeeze %dma_wait3A_88 : memref<1x64x128xf32, #tpu.memory_space<hbm>> -> memref<64x128xf32, #tpu.memory_space<hbm>>
        tpu.wait_dma2 semaphore(%run_scoped3A : memref<!tpu.dma_semaphore, #tpu.memory_space<semaphore_mem>>) src(%dma_wait3A_89 : memref<64x128xf32, #tpu.memory_space<hbm>>) dst(%dma_wait3A_85 : memref<64x128xf32, #tpu.memory_space<vmem>>)
        tpu.yield
      }) : () -> ()
    } else {
    }
    %convert_element_type3A_56 = arith.extui %eq3A_50 : i1 to i32
    %cond3A_57 = arith.constant 0 : i32
    %cond3A_58 = arith.cmpi ne, %convert_element_type3A_56, %cond3A_57 : i32
    scf.if %cond3A_58 {
      %get3A = arith.constant 32 : i32
      %get3A_64 = arith.index_cast %get3A : i32 to index
      %get3A_65 = arith.constant 0 : index
      %get3A_66 = tpu.vector_load %arg6[%get3A_64, %get3A_65] {strides = array<i32>} : memref<80x128xf32, #tpu.memory_space<vmem>>, vector<1x16xf32>,
      %get3A_67 = vector.shape_cast %get3A_66 : vector<1x16xf32> to vector<16xf32>
      %swap3A = arith.constant 0 : i32
      %swap3A_68 = arith.index_cast %swap3A : i32 to index
      %swap3A_69 = arith.constant 0 : index
      %swap3A_70 = tpu.vector_load %arg6[%swap3A_68, %swap3A_69] {strides = array<i32>} : memref<80x128xf32, #tpu.memory_space<vmem>>, vector<1x16xf32>,
      %swap3A_71 = vector.shape_cast %swap3A_70 : vector<1x16xf32> to vector<16xf32>
      %swap3A_72 = vector.shape_cast %get3A_67 : vector<16xf32> to vector<1x16xf32>
      tpu.vector_store %arg6[%swap3A_68, %swap3A_69], %swap3A_72 {strides = array<i32>} : memref<80x128xf32, #tpu.memory_space<vmem>>, vector<1x16xf32>,
      %get3A_73 = arith.constant 32 : i32
      %get3A_74 = arith.index_cast %get3A_73 : i32 to index
      %get3A_75 = arith.constant 16 : index
      %get3A_76 = tpu.vector_load %arg6[%get3A_74, %get3A_75] {strides = array<i32>} : memref<80x128xf32, #tpu.memory_space<vmem>>, vector<1x16xf32>,
      %get3A_77 = vector.shape_cast %get3A_76 : vector<1x16xf32> to vector<16xf32>
      %swap3A_78 = arith.constant 0 : i32
      %swap3A_79 = arith.index_cast %swap3A_78 : i32 to index
      %swap3A_80 = arith.constant 16 : index
      %swap3A_81 = tpu.vector_load %arg6[%swap3A_79, %swap3A_80] {strides = array<i32>} : memref<80x128xf32, #tpu.memory_space<vmem>>, vector<1x16xf32>,
      %swap3A_82 = vector.shape_cast %swap3A_81 : vector<1x16xf32> to vector<16xf32>
      %swap3A_83 = vector.shape_cast %get3A_77 : vector<16xf32> to vector<1x16xf32>
      tpu.vector_store %arg6[%swap3A_79, %swap3A_80], %swap3A_83 {strides = array<i32>} : memref<80x128xf32, #tpu.memory_space<vmem>>, vector<1x16xf32>,
      %get3A_84 = arith.constant 32 : i32
      %get3A_85 = arith.index_cast %get3A_84 : i32 to index
      %get3A_86 = arith.constant 32 : index
      %get3A_87 = tpu.vector_load %arg6[%get3A_85, %get3A_86] {strides = array<i32>} : memref<80x128xf32, #tpu.memory_space<vmem>>, vector<1x16xf32>,
      %get3A_88 = vector.shape_cast %get3A_87 : vector<1x16xf32> to vector<16xf32>
      %swap3A_89 = arith.constant 0 : i32
      %swap3A_90 = arith.index_cast %swap3A_89 : i32 to index
      %swap3A_91 = arith.constant 32 : index
      %swap3A_92 = tpu.vector_load %arg6[%swap3A_90, %swap3A_91] {strides = array<i32>} : memref<80x128xf32, #tpu.memory_space<vmem>>, vector<1x16xf32>,
      %swap3A_93 = vector.shape_cast %swap3A_92 : vector<1x16xf32> to vector<16xf32>
      %swap3A_94 = vector.shape_cast %get3A_88 : vector<16xf32> to vector<1x16xf32>
      tpu.vector_store %arg6[%swap3A_90, %swap3A_91], %swap3A_94 {strides = array<i32>} : memref<80x128xf32, #tpu.memory_space<vmem>>, vector<1x16xf32>,
      %get3A_95 = arith.constant 32 : i32
      %get3A_96 = arith.index_cast %get3A_95 : i32 to index
      %get3A_97 = arith.constant 48 : index
      %get3A_98 = tpu.vector_load %arg6[%get3A_96, %get3A_97] {strides = array<i32>} : memref<80x128xf32, #tpu.memory_space<vmem>>, vector<1x16xf32>,
      %get3A_99 = vector.shape_cast %get3A_98 : vector<1x16xf32> to vector<16xf32>
      %swap3A_100 = arith.constant 0 : i32
      %swap3A_101 = arith.index_cast %swap3A_100 : i32 to index
      %swap3A_102 = arith.constant 48 : index
      %swap3A_103 = tpu.vector_load %arg6[%swap3A_101, %swap3A_102] {strides = array<i32>} : memref<80x128xf32, #tpu.memory_space<vmem>>, vector<1x16xf32>,
      %swap3A_104 = vector.shape_cast %swap3A_103 : vector<1x16xf32> to vector<16xf32>
      %swap3A_105 = vector.shape_cast %get3A_99 : vector<16xf32> to vector<1x16xf32>
      tpu.vector_store %arg6[%swap3A_101, %swap3A_102], %swap3A_105 {strides = array<i32>} : memref<80x128xf32, #tpu.memory_space<vmem>>, vector<1x16xf32>,
      %get3A_106 = arith.constant 32 : i32
      %get3A_107 = arith.index_cast %get3A_106 : i32 to index
      %get3A_108 = arith.constant 64 : index
      %get3A_109 = tpu.vector_load %arg6[%get3A_107, %get3A_108] {strides = array<i32>} : memref<80x128xf32, #tpu.memory_space<vmem>>, vector<1x16xf32>,
      %get3A_110 = vector.shape_cast %get3A_109 : vector<1x16xf32> to vector<16xf32>
      %swap3A_111 = arith.constant 0 : i32
      %swap3A_112 = arith.index_cast %swap3A_111 : i32 to index
      %swap3A_113 = arith.constant 64 : index
      %swap3A_114 = tpu.vector_load %arg6[%swap3A_112, %swap3A_113] {strides = array<i32>} : memref<80x128xf32, #tpu.memory_space<vmem>>, vector<1x16xf32>,
      %swap3A_115 = vector.shape_cast %swap3A_114 : vector<1x16xf32> to vector<16xf32>
      %swap3A_116 = vector.shape_cast %get3A_110 : vector<16xf32> to vector<1x16xf32>
      tpu.vector_store %arg6[%swap3A_112, %swap3A_113], %swap3A_116 {strides = array<i32>} : memref<80x128xf32, #tpu.memory_space<vmem>>, vector<1x16xf32>,
      %get3A_117 = arith.constant 32 : i32
      %get3A_118 = arith.index_cast %get3A_117 : i32 to index
      %get3A_119 = arith.constant 80 : index
      %get3A_120 = tpu.vector_load %arg6[%get3A_118, %get3A_119] {strides = array<i32>} : memref<80x128xf32, #tpu.memory_space<vmem>>, vector<1x16xf32>,
      %get3A_121 = vector.shape_cast %get3A_120 : vector<1x16xf32> to vector<16xf32>
      %swap3A_122 = arith.constant 0 : i32
      %swap3A_123 = arith.index_cast %swap3A_122 : i32 to index
      %swap3A_124 = arith.constant 80 : index
      %swap3A_125 = tpu.vector_load %arg6[%swap3A_123, %swap3A_124] {strides = array<i32>} : memref<80x128xf32, #tpu.memory_space<vmem>>, vector<1x16xf32>,
      %swap3A_126 = vector.shape_cast %swap3A_125 : vector<1x16xf32> to vector<16xf32>
      %swap3A_127 = vector.shape_cast %get3A_121 : vector<16xf32> to vector<1x16xf32>
      tpu.vector_store %arg6[%swap3A_123, %swap3A_124], %swap3A_127 {strides = array<i32>} : memref<80x128xf32, #tpu.memory_space<vmem>>, vector<1x16xf32>,
      %get3A_128 = arith.constant 32 : i32
      %get3A_129 = arith.index_cast %get3A_128 : i32 to index
      %get3A_130 = arith.constant 96 : index
      %get3A_131 = tpu.vector_load %arg6[%get3A_129, %get3A_130] {strides = array<i32>} : memref<80x128xf32, #tpu.memory_space<vmem>>, vector<1x16xf32>,
      %get3A_132 = vector.shape_cast %get3A_131 : vector<1x16xf32> to vector<16xf32>
      %swap3A_133 = arith.constant 0 : i32
      %swap3A_134 = arith.index_cast %swap3A_133 : i32 to index
      %swap3A_135 = arith.constant 96 : index
      %swap3A_136 = tpu.vector_load %arg6[%swap3A_134, %swap3A_135] {strides = array<i32>} : memref<80x128xf32, #tpu.memory_space<vmem>>, vector<1x16xf32>,
      %swap3A_137 = vector.shape_cast %swap3A_136 : vector<1x16xf32> to vector<16xf32>
      %swap3A_138 = vector.shape_cast %get3A_132 : vector<16xf32> to vector<1x16xf32>
      tpu.vector_store %arg6[%swap3A_134, %swap3A_135], %swap3A_138 {strides = array<i32>} : memref<80x128xf32, #tpu.memory_space<vmem>>, vector<1x16xf32>,
      %get3A_139 = arith.constant 32 : i32
      %get3A_140 = arith.index_cast %get3A_139 : i32 to index
      %get3A_141 = arith.constant 112 : index
      %get3A_142 = tpu.vector_load %arg6[%get3A_140, %get3A_141] {strides = array<i32>} : memref<80x128xf32, #tpu.memory_space<vmem>>, vector<1x16xf32>,
      %get3A_143 = vector.shape_cast %get3A_142 : vector<1x16xf32> to vector<16xf32>
      %swap3A_144 = arith.constant 0 : i32
      %swap3A_145 = arith.index_cast %swap3A_144 : i32 to index
      %swap3A_146 = arith.constant 112 : index
      %swap3A_147 = tpu.vector_load %arg6[%swap3A_145, %swap3A_146] {strides = array<i32>} : memref<80x128xf32, #tpu.memory_space<vmem>>, vector<1x16xf32>,
      %swap3A_148 = vector.shape_cast %swap3A_147 : vector<1x16xf32> to vector<16xf32>
      %swap3A_149 = vector.shape_cast %get3A_143 : vector<16xf32> to vector<1x16xf32>
      tpu.vector_store %arg6[%swap3A_145, %swap3A_146], %swap3A_149 {strides = array<i32>} : memref<80x128xf32, #tpu.memory_space<vmem>>, vector<1x16xf32>,
      %get3A_150 = arith.constant 31 : i32
      %get3A_151 = arith.index_cast %get3A_150 : i32 to index
      %get3A_152 = arith.constant 0 : index
      %get3A_153 = tpu.vector_load %arg6[%get3A_151, %get3A_152] {strides = array<i32>} : memref<80x128xf32, #tpu.memory_space<vmem>>, vector<1x16xf32>,
      %get3A_154 = vector.shape_cast %get3A_153 : vector<1x16xf32> to vector<16xf32>
      %swap3A_155 = arith.constant 1 : i32
      %swap3A_156 = arith.index_cast %swap3A_155 : i32 to index
      %swap3A_157 = arith.constant 0 : index
      %swap3A_158 = tpu.vector_load %arg6[%swap3A_156, %swap3A_157] {strides = array<i32>} : memref<80x128xf32, #tpu.memory_space<vmem>>, vector<1x16xf32>,
      %swap3A_159 = vector.shape_cast %swap3A_158 : vector<1x16xf32> to vector<16xf32>
      %swap3A_160 = vector.shape_cast %get3A_154 : vector<16xf32> to vector<1x16xf32>
      tpu.vector_store %arg6[%swap3A_156, %swap3A_157], %swap3A_160 {strides = array<i32>} : memref<80x128xf32, #tpu.memory_space<vmem>>, vector<1x16xf32>,
      %get3A_161 = arith.constant 31 : i32
      %get3A_162 = arith.index_cast %get3A_161 : i32 to index
      %get3A_163 = arith.constant 16 : index
      %get3A_164 = tpu.vector_load %arg6[%get3A_162, %get3A_163] {strides = array<i32>} : memref<80x128xf32, #tpu.memory_space<vmem>>, vector<1x16xf32>,
      %get3A_165 = vector.shape_cast %get3A_164 : vector<1x16xf32> to vector<16xf32>
      %swap3A_166 = arith.constant 1 : i32
      %swap3A_167 = arith.index_cast %swap3A_166 : i32 to index
      %swap3A_168 = arith.constant 16 : index
      %swap3A_169 = tpu.vector_load %arg6[%swap3A_167, %swap3A_168] {strides = array<i32>} : memref<80x128xf32, #tpu.memory_space<vmem>>, vector<1x16xf32>,
      %swap3A_170 = vector.shape_cast %swap3A_169 : vector<1x16xf32> to vector<16xf32>
      %swap3A_171 = vector.shape_cast %get3A_165 : vector<16xf32> to vector<1x16xf32>
      tpu.vector_store %arg6[%swap3A_167, %swap3A_168], %swap3A_171 {strides = array<i32>} : memref<80x128xf32, #tpu.memory_space<vmem>>, vector<1x16xf32>,
      %get3A_172 = arith.constant 31 : i32
      %get3A_173 = arith.index_cast %get3A_172 : i32 to index
      %get3A_174 = arith.constant 32 : index
      %get3A_175 = tpu.vector_load %arg6[%get3A_173, %get3A_174] {strides = array<i32>} : memref<80x128xf32, #tpu.memory_space<vmem>>, vector<1x16xf32>,
      %get3A_176 = vector.shape_cast %get3A_175 : vector<1x16xf32> to vector<16xf32>
      %swap3A_177 = arith.constant 1 : i32
      %swap3A_178 = arith.index_cast %swap3A_177 : i32 to index
      %swap3A_179 = arith.constant 32 : index
      %swap3A_180 = tpu.vector_load %arg6[%swap3A_178, %swap3A_179] {strides = array<i32>} : memref<80x128xf32, #tpu.memory_space<vmem>>, vector<1x16xf32>,
      %swap3A_181 = vector.shape_cast %swap3A_180 : vector<1x16xf32> to vector<16xf32>
      %swap3A_182 = vector.shape_cast %get3A_176 : vector<16xf32> to vector<1x16xf32>
      tpu.vector_store %arg6[%swap3A_178, %swap3A_179], %swap3A_182 {strides = array<i32>} : memref<80x128xf32, #tpu.memory_space<vmem>>, vector<1x16xf32>,
      %get3A_183 = arith.constant 31 : i32
      %get3A_184 = arith.index_cast %get3A_183 : i32 to index
      %get3A_185 = arith.constant 48 : index
      %get3A_186 = tpu.vector_load %arg6[%get3A_184, %get3A_185] {strides = array<i32>} : memref<80x128xf32, #tpu.memory_space<vmem>>, vector<1x16xf32>,
      %get3A_187 = vector.shape_cast %get3A_186 : vector<1x16xf32> to vector<16xf32>
      %swap3A_188 = arith.constant 1 : i32
      %swap3A_189 = arith.index_cast %swap3A_188 : i32 to index
      %swap3A_190 = arith.constant 48 : index
      %swap3A_191 = tpu.vector_load %arg6[%swap3A_189, %swap3A_190] {strides = array<i32>} : memref<80x128xf32, #tpu.memory_space<vmem>>, vector<1x16xf32>,
      %swap3A_192 = vector.shape_cast %swap3A_191 : vector<1x16xf32> to vector<16xf32>
      %swap3A_193 = vector.shape_cast %get3A_187 : vector<16xf32> to vector<1x16xf32>
      tpu.vector_store %arg6[%swap3A_189, %swap3A_190], %swap3A_193 {strides = array<i32>} : memref<80x128xf32, #tpu.memory_space<vmem>>, vector<1x16xf32>,
      %get3A_194 = arith.constant 31 : i32
      %get3A_195 = arith.index_cast %get3A_194 : i32 to index
      %get3A_196 = arith.constant 64 : index
      %get3A_197 = tpu.vector_load %arg6[%get3A_195, %get3A_196] {strides = array<i32>} : memref<80x128xf32, #tpu.memory_space<vmem>>, vector<1x16xf32>,
      %get3A_198 = vector.shape_cast %get3A_197 : vector<1x16xf32> to vector<16xf32>
      %swap3A_199 = arith.constant 1 : i32
      %swap3A_200 = arith.index_cast %swap3A_199 : i32 to index
      %swap3A_201 = arith.constant 64 : index
      %swap3A_202 = tpu.vector_load %arg6[%swap3A_200, %swap3A_201] {strides = array<i32>} : memref<80x128xf32, #tpu.memory_space<vmem>>, vector<1x16xf32>,
      %swap3A_203 = vector.shape_cast %swap3A_202 : vector<1x16xf32> to vector<16xf32>
      %swap3A_204 = vector.shape_cast %get3A_198 : vector<16xf32> to vector<1x16xf32>
      tpu.vector_store %arg6[%swap3A_200, %swap3A_201], %swap3A_204 {strides = array<i32>} : memref<80x128xf32, #tpu.memory_space<vmem>>, vector<1x16xf32>,
      %get3A_205 = arith.constant 31 : i32
      %get3A_206 = arith.index_cast %get3A_205 : i32 to index
      %get3A_207 = arith.constant 80 : index
      %get3A_208 = tpu.vector_load %arg6[%get3A_206, %get3A_207] {strides = array<i32>} : memref<80x128xf32, #tpu.memory_space<vmem>>, vector<1x16xf32>,
      %get3A_209 = vector.shape_cast %get3A_208 : vector<1x16xf32> to vector<16xf32>
      %swap3A_210 = arith.constant 1 : i32
      %swap3A_211 = arith.index_cast %swap3A_210 : i32 to index
      %swap3A_212 = arith.constant 80 : index
      %swap3A_213 = tpu.vector_load %arg6[%swap3A_211, %swap3A_212] {strides = array<i32>} : memref<80x128xf32, #tpu.memory_space<vmem>>, vector<1x16xf32>,
      %swap3A_214 = vector.shape_cast %swap3A_213 : vector<1x16xf32> to vector<16xf32>
      %swap3A_215 = vector.shape_cast %get3A_209 : vector<16xf32> to vector<1x16xf32>
      tpu.vector_store %arg6[%swap3A_211, %swap3A_212], %swap3A_215 {strides = array<i32>} : memref<80x128xf32, #tpu.memory_space<vmem>>, vector<1x16xf32>,
      %get3A_216 = arith.constant 31 : i32
      %get3A_217 = arith.index_cast %get3A_216 : i32 to index
      %get3A_218 = arith.constant 96 : index
      %get3A_219 = tpu.vector_load %arg6[%get3A_217, %get3A_218] {strides = array<i32>} : memref<80x128xf32, #tpu.memory_space<vmem>>, vector<1x16xf32>,
      %get3A_220 = vector.shape_cast %get3A_219 : vector<1x16xf32> to vector<16xf32>
      %swap3A_221 = arith.constant 1 : i32
      %swap3A_222 = arith.index_cast %swap3A_221 : i32 to index
      %swap3A_223 = arith.constant 96 : index
      %swap3A_224 = tpu.vector_load %arg6[%swap3A_222, %swap3A_223] {strides = array<i32>} : memref<80x128xf32, #tpu.memory_space<vmem>>, vector<1x16xf32>,
      %swap3A_225 = vector.shape_cast %swap3A_224 : vector<1x16xf32> to vector<16xf32>
      %swap3A_226 = vector.shape_cast %get3A_220 : vector<16xf32> to vector<1x16xf32>
      tpu.vector_store %arg6[%swap3A_222, %swap3A_223], %swap3A_226 {strides = array<i32>} : memref<80x128xf32, #tpu.memory_space<vmem>>, vector<1x16xf32>,
      %get3A_227 = arith.constant 31 : i32
      %get3A_228 = arith.index_cast %get3A_227 : i32 to index
      %get3A_229 = arith.constant 112 : index
      %get3A_230 = tpu.vector_load %arg6[%get3A_228, %get3A_229] {strides = array<i32>} : memref<80x128xf32, #tpu.memory_space<vmem>>, vector<1x16xf32>,
      %get3A_231 = vector.shape_cast %get3A_230 : vector<1x16xf32> to vector<16xf32>
      %swap3A_232 = arith.constant 1 : i32
      %swap3A_233 = arith.index_cast %swap3A_232 : i32 to index
      %swap3A_234 = arith.constant 112 : index
      %swap3A_235 = tpu.vector_load %arg6[%swap3A_233, %swap3A_234] {strides = array<i32>} : memref<80x128xf32, #tpu.memory_space<vmem>>, vector<1x16xf32>,
      %swap3A_236 = vector.shape_cast %swap3A_235 : vector<1x16xf32> to vector<16xf32>
      %swap3A_237 = vector.shape_cast %get3A_231 : vector<16xf32> to vector<1x16xf32>
      tpu.vector_store %arg6[%swap3A_233, %swap3A_234], %swap3A_237 {strides = array<i32>} : memref<80x128xf32, #tpu.memory_space<vmem>>, vector<1x16xf32>,
      %get3A_238 = arith.constant 30 : i32
      %get3A_239 = arith.index_cast %get3A_238 : i32 to index
      %get3A_240 = arith.constant 0 : index
      %get3A_241 = tpu.vector_load %arg6[%get3A_239, %get3A_240] {strides = array<i32>} : memref<80x128xf32, #tpu.memory_space<vmem>>, vector<1x16xf32>,
      %get3A_242 = vector.shape_cast %get3A_241 : vector<1x16xf32> to vector<16xf32>
      %swap3A_243 = arith.constant 2 : i32
      %swap3A_244 = arith.index_cast %swap3A_243 : i32 to index
      %swap3A_245 = arith.constant 0 : index
      %swap3A_246 = tpu.vector_load %arg6[%swap3A_244, %swap3A_245] {strides = array<i32>} : memref<80x128xf32, #tpu.memory_space<vmem>>, vector<1x16xf32>,
      %swap3A_247 = vector.shape_cast %swap3A_246 : vector<1x16xf32> to vector<16xf32>
      %swap3A_248 = vector.shape_cast %get3A_242 : vector<16xf32> to vector<1x16xf32>
      tpu.vector_store %arg6[%swap3A_244, %swap3A_245], %swap3A_248 {strides = array<i32>} : memref<80x128xf32, #tpu.memory_space<vmem>>, vector<1x16xf32>,
      %get3A_249 = arith.constant 30 : i32
      %get3A_250 = arith.index_cast %get3A_249 : i32 to index
      %get3A_251 = arith.constant 16 : index
      %get3A_252 = tpu.vector_load %arg6[%get3A_250, %get3A_251] {strides = array<i32>} : memref<80x128xf32, #tpu.memory_space<vmem>>, vector<1x16xf32>,
      %get3A_253 = vector.shape_cast %get3A_252 : vector<1x16xf32> to vector<16xf32>
      %swap3A_254 = arith.constant 2 : i32
      %swap3A_255 = arith.index_cast %swap3A_254 : i32 to index
      %swap3A_256 = arith.constant 16 : index
      %swap3A_257 = tpu.vector_load %arg6[%swap3A_255, %swap3A_256] {strides = array<i32>} : memref<80x128xf32, #tpu.memory_space<vmem>>, vector<1x16xf32>,
      %swap3A_258 = vector.shape_cast %swap3A_257 : vector<1x16xf32> to vector<16xf32>
      %swap3A_259 = vector.shape_cast %get3A_253 : vector<16xf32> to vector<1x16xf32>
      tpu.vector_store %arg6[%swap3A_255, %swap3A_256], %swap3A_259 {strides = array<i32>} : memref<80x128xf32, #tpu.memory_space<vmem>>, vector<1x16xf32>,
      %get3A_260 = arith.constant 30 : i32
      %get3A_261 = arith.index_cast %get3A_260 : i32 to index
      %get3A_262 = arith.constant 32 : index
      %get3A_263 = tpu.vector_load %arg6[%get3A_261, %get3A_262] {strides = array<i32>} : memref<80x128xf32, #tpu.memory_space<vmem>>, vector<1x16xf32>,
      %get3A_264 = vector.shape_cast %get3A_263 : vector<1x16xf32> to vector<16xf32>
      %swap3A_265 = arith.constant 2 : i32
      %swap3A_266 = arith.index_cast %swap3A_265 : i32 to index
      %swap3A_267 = arith.constant 32 : index
      %swap3A_268 = tpu.vector_load %arg6[%swap3A_266, %swap3A_267] {strides = array<i32>} : memref<80x128xf32, #tpu.memory_space<vmem>>, vector<1x16xf32>,
      %swap3A_269 = vector.shape_cast %swap3A_268 : vector<1x16xf32> to vector<16xf32>
      %swap3A_270 = vector.shape_cast %get3A_264 : vector<16xf32> to vector<1x16xf32>
      tpu.vector_store %arg6[%swap3A_266, %swap3A_267], %swap3A_270 {strides = array<i32>} : memref<80x128xf32, #tpu.memory_space<vmem>>, vector<1x16xf32>,
      %get3A_271 = arith.constant 30 : i32
      %get3A_272 = arith.index_cast %get3A_271 : i32 to index
      %get3A_273 = arith.constant 48 : index
      %get3A_274 = tpu.vector_load %arg6[%get3A_272, %get3A_273] {strides = array<i32>} : memref<80x128xf32, #tpu.memory_space<vmem>>, vector<1x16xf32>,
      %get3A_275 = vector.shape_cast %get3A_274 : vector<1x16xf32> to vector<16xf32>
      %swap3A_276 = arith.constant 2 : i32
      %swap3A_277 = arith.index_cast %swap3A_276 : i32 to index
      %swap3A_278 = arith.constant 48 : index
      %swap3A_279 = tpu.vector_load %arg6[%swap3A_277, %swap3A_278] {strides = array<i32>} : memref<80x128xf32, #tpu.memory_space<vmem>>, vector<1x16xf32>,
      %swap3A_280 = vector.shape_cast %swap3A_279 : vector<1x16xf32> to vector<16xf32>
      %swap3A_281 = vector.shape_cast %get3A_275 : vector<16xf32> to vector<1x16xf32>
      tpu.vector_store %arg6[%swap3A_277, %swap3A_278], %swap3A_281 {strides = array<i32>} : memref<80x128xf32, #tpu.memory_space<vmem>>, vector<1x16xf32>,
      %get3A_282 = arith.constant 30 : i32
      %get3A_283 = arith.index_cast %get3A_282 : i32 to index
      %get3A_284 = arith.constant 64 : index
      %get3A_285 = tpu.vector_load %arg6[%get3A_283, %get3A_284] {strides = array<i32>} : memref<80x128xf32, #tpu.memory_space<vmem>>, vector<1x16xf32>,
      %get3A_286 = vector.shape_cast %get3A_285 : vector<1x16xf32> to vector<16xf32>
      %swap3A_287 = arith.constant 2 : i32
      %swap3A_288 = arith.index_cast %swap3A_287 : i32 to index
      %swap3A_289 = arith.constant 64 : index
      %swap3A_290 = tpu.vector_load %arg6[%swap3A_288, %swap3A_289] {strides = array<i32>} : memref<80x128xf32, #tpu.memory_space<vmem>>, vector<1x16xf32>,
      %swap3A_291 = vector.shape_cast %swap3A_290 : vector<1x16xf32> to vector<16xf32>
      %swap3A_292 = vector.shape_cast %get3A_286 : vector<16xf32> to vector<1x16xf32>
      tpu.vector_store %arg6[%swap3A_288, %swap3A_289], %swap3A_292 {strides = array<i32>} : memref<80x128xf32, #tpu.memory_space<vmem>>, vector<1x16xf32>,
      %get3A_293 = arith.constant 30 : i32
      %get3A_294 = arith.index_cast %get3A_293 : i32 to index
      %get3A_295 = arith.constant 80 : index
      %get3A_296 = tpu.vector_load %arg6[%get3A_294, %get3A_295] {strides = array<i32>} : memref<80x128xf32, #tpu.memory_space<vmem>>, vector<1x16xf32>,
      %get3A_297 = vector.shape_cast %get3A_296 : vector<1x16xf32> to vector<16xf32>
      %swap3A_298 = arith.constant 2 : i32
      %swap3A_299 = arith.index_cast %swap3A_298 : i32 to index
      %swap3A_300 = arith.constant 80 : index
      %swap3A_301 = tpu.vector_load %arg6[%swap3A_299, %swap3A_300] {strides = array<i32>} : memref<80x128xf32, #tpu.memory_space<vmem>>, vector<1x16xf32>,
      %swap3A_302 = vector.shape_cast %swap3A_301 : vector<1x16xf32> to vector<16xf32>
      %swap3A_303 = vector.shape_cast %get3A_297 : vector<16xf32> to vector<1x16xf32>
      tpu.vector_store %arg6[%swap3A_299, %swap3A_300], %swap3A_303 {strides = array<i32>} : memref<80x128xf32, #tpu.memory_space<vmem>>, vector<1x16xf32>,
      %get3A_304 = arith.constant 30 : i32
      %get3A_305 = arith.index_cast %get3A_304 : i32 to index
      %get3A_306 = arith.constant 96 : index
      %get3A_307 = tpu.vector_load %arg6[%get3A_305, %get3A_306] {strides = array<i32>} : memref<80x128xf32, #tpu.memory_space<vmem>>, vector<1x16xf32>,
      %get3A_308 = vector.shape_cast %get3A_307 : vector<1x16xf32> to vector<16xf32>
      %swap3A_309 = arith.constant 2 : i32
      %swap3A_310 = arith.index_cast %swap3A_309 : i32 to index
      %swap3A_311 = arith.constant 96 : index
      %swap3A_312 = tpu.vector_load %arg6[%swap3A_310, %swap3A_311] {strides = array<i32>} : memref<80x128xf32, #tpu.memory_space<vmem>>, vector<1x16xf32>,
      %swap3A_313 = vector.shape_cast %swap3A_312 : vector<1x16xf32> to vector<16xf32>
      %swap3A_314 = vector.shape_cast %get3A_308 : vector<16xf32> to vector<1x16xf32>
      tpu.vector_store %arg6[%swap3A_310, %swap3A_311], %swap3A_314 {strides = array<i32>} : memref<80x128xf32, #tpu.memory_space<vmem>>, vector<1x16xf32>,
      %get3A_315 = arith.constant 30 : i32
      %get3A_316 = arith.index_cast %get3A_315 : i32 to index
      %get3A_317 = arith.constant 112 : index
      %get3A_318 = tpu.vector_load %arg6[%get3A_316, %get3A_317] {strides = array<i32>} : memref<80x128xf32, #tpu.memory_space<vmem>>, vector<1x16xf32>,
      %get3A_319 = vector.shape_cast %get3A_318 : vector<1x16xf32> to vector<16xf32>
      %swap3A_320 = arith.constant 2 : i32
      %swap3A_321 = arith.index_cast %swap3A_320 : i32 to index
      %swap3A_322 = arith.constant 112 : index
      %swap3A_323 = tpu.vector_load %arg6[%swap3A_321, %swap3A_322] {strides = array<i32>} : memref<80x128xf32, #tpu.memory_space<vmem>>, vector<1x16xf32>,
      %swap3A_324 = vector.shape_cast %swap3A_323 : vector<1x16xf32> to vector<16xf32>
      %swap3A_325 = vector.shape_cast %get3A_319 : vector<16xf32> to vector<1x16xf32>
      tpu.vector_store %arg6[%swap3A_321, %swap3A_322], %swap3A_325 {strides = array<i32>} : memref<80x128xf32, #tpu.memory_space<vmem>>, vector<1x16xf32>,
      %get3A_326 = arith.constant 29 : i32
      %get3A_327 = arith.index_cast %get3A_326 : i32 to index
      %get3A_328 = arith.constant 0 : index
      %get3A_329 = tpu.vector_load %arg6[%get3A_327, %get3A_328] {strides = array<i32>} : memref<80x128xf32, #tpu.memory_space<vmem>>, vector<1x16xf32>,
      %get3A_330 = vector.shape_cast %get3A_329 : vector<1x16xf32> to vector<16xf32>
      %swap3A_331 = arith.constant 3 : i32
      %swap3A_332 = arith.index_cast %swap3A_331 : i32 to index
      %swap3A_333 = arith.constant 0 : index
      %swap3A_334 = tpu.vector_load %arg6[%swap3A_332, %swap3A_333] {strides = array<i32>} : memref<80x128xf32, #tpu.memory_space<vmem>>, vector<1x16xf32>,
      %swap3A_335 = vector.shape_cast %swap3A_334 : vector<1x16xf32> to vector<16xf32>
      %swap3A_336 = vector.shape_cast %get3A_330 : vector<16xf32> to vector<1x16xf32>
      tpu.vector_store %arg6[%swap3A_332, %swap3A_333], %swap3A_336 {strides = array<i32>} : memref<80x128xf32, #tpu.memory_space<vmem>>, vector<1x16xf32>,
      %get3A_337 = arith.constant 29 : i32
      %get3A_338 = arith.index_cast %get3A_337 : i32 to index
      %get3A_339 = arith.constant 16 : index
      %get3A_340 = tpu.vector_load %arg6[%get3A_338, %get3A_339] {strides = array<i32>} : memref<80x128xf32, #tpu.memory_space<vmem>>, vector<1x16xf32>,
      %get3A_341 = vector.shape_cast %get3A_340 : vector<1x16xf32> to vector<16xf32>
      %swap3A_342 = arith.constant 3 : i32
      %swap3A_343 = arith.index_cast %swap3A_342 : i32 to index
      %swap3A_344 = arith.constant 16 : index
      %swap3A_345 = tpu.vector_load %arg6[%swap3A_343, %swap3A_344] {strides = array<i32>} : memref<80x128xf32, #tpu.memory_space<vmem>>, vector<1x16xf32>,
      %swap3A_346 = vector.shape_cast %swap3A_345 : vector<1x16xf32> to vector<16xf32>
      %swap3A_347 = vector.shape_cast %get3A_341 : vector<16xf32> to vector<1x16xf32>
      tpu.vector_store %arg6[%swap3A_343, %swap3A_344], %swap3A_347 {strides = array<i32>} : memref<80x128xf32, #tpu.memory_space<vmem>>, vector<1x16xf32>,
      %get3A_348 = arith.constant 29 : i32
      %get3A_349 = arith.index_cast %get3A_348 : i32 to index
      %get3A_350 = arith.constant 32 : index
      %get3A_351 = tpu.vector_load %arg6[%get3A_349, %get3A_350] {strides = array<i32>} : memref<80x128xf32, #tpu.memory_space<vmem>>, vector<1x16xf32>,
      %get3A_352 = vector.shape_cast %get3A_351 : vector<1x16xf32> to vector<16xf32>
      %swap3A_353 = arith.constant 3 : i32
      %swap3A_354 = arith.index_cast %swap3A_353 : i32 to index
      %swap3A_355 = arith.constant 32 : index
      %swap3A_356 = tpu.vector_load %arg6[%swap3A_354, %swap3A_355] {strides = array<i32>} : memref<80x128xf32, #tpu.memory_space<vmem>>, vector<1x16xf32>,
      %swap3A_357 = vector.shape_cast %swap3A_356 : vector<1x16xf32> to vector<16xf32>
      %swap3A_358 = vector.shape_cast %get3A_352 : vector<16xf32> to vector<1x16xf32>
      tpu.vector_store %arg6[%swap3A_354, %swap3A_355], %swap3A_358 {strides = array<i32>} : memref<80x128xf32, #tpu.memory_space<vmem>>, vector<1x16xf32>,
      %get3A_359 = arith.constant 29 : i32
      %get3A_360 = arith.index_cast %get3A_359 : i32 to index
      %get3A_361 = arith.constant 48 : index
      %get3A_362 = tpu.vector_load %arg6[%get3A_360, %get3A_361] {strides = array<i32>} : memref<80x128xf32, #tpu.memory_space<vmem>>, vector<1x16xf32>,
      %get3A_363 = vector.shape_cast %get3A_362 : vector<1x16xf32> to vector<16xf32>
      %swap3A_364 = arith.constant 3 : i32
      %swap3A_365 = arith.index_cast %swap3A_364 : i32 to index
      %swap3A_366 = arith.constant 48 : index
      %swap3A_367 = tpu.vector_load %arg6[%swap3A_365, %swap3A_366] {strides = array<i32>} : memref<80x128xf32, #tpu.memory_space<vmem>>, vector<1x16xf32>,
      %swap3A_368 = vector.shape_cast %swap3A_367 : vector<1x16xf32> to vector<16xf32>
      %swap3A_369 = vector.shape_cast %get3A_363 : vector<16xf32> to vector<1x16xf32>
      tpu.vector_store %arg6[%swap3A_365, %swap3A_366], %swap3A_369 {strides = array<i32>} : memref<80x128xf32, #tpu.memory_space<vmem>>, vector<1x16xf32>,
      %get3A_370 = arith.constant 29 : i32
      %get3A_371 = arith.index_cast %get3A_370 : i32 to index
      %get3A_372 = arith.constant 64 : index
      %get3A_373 = tpu.vector_load %arg6[%get3A_371, %get3A_372] {strides = array<i32>} : memref<80x128xf32, #tpu.memory_space<vmem>>, vector<1x16xf32>,
      %get3A_374 = vector.shape_cast %get3A_373 : vector<1x16xf32> to vector<16xf32>
      %swap3A_375 = arith.constant 3 : i32
      %swap3A_376 = arith.index_cast %swap3A_375 : i32 to index
      %swap3A_377 = arith.constant 64 : index
      %swap3A_378 = tpu.vector_load %arg6[%swap3A_376, %swap3A_377] {strides = array<i32>} : memref<80x128xf32, #tpu.memory_space<vmem>>, vector<1x16xf32>,
      %swap3A_379 = vector.shape_cast %swap3A_378 : vector<1x16xf32> to vector<16xf32>
      %swap3A_380 = vector.shape_cast %get3A_374 : vector<16xf32> to vector<1x16xf32>
      tpu.vector_store %arg6[%swap3A_376, %swap3A_377], %swap3A_380 {strides = array<i32>} : memref<80x128xf32, #tpu.memory_space<vmem>>, vector<1x16xf32>,
      %get3A_381 = arith.constant 29 : i32
      %get3A_382 = arith.index_cast %get3A_381 : i32 to index
      %get3A_383 = arith.constant 80 : index
      %get3A_384 = tpu.vector_load %arg6[%get3A_382, %get3A_383] {strides = array<i32>} : memref<80x128xf32, #tpu.memory_space<vmem>>, vector<1x16xf32>,
      %get3A_385 = vector.shape_cast %get3A_384 : vector<1x16xf32> to vector<16xf32>
      %swap3A_386 = arith.constant 3 : i32
      %swap3A_387 = arith.index_cast %swap3A_386 : i32 to index
      %swap3A_388 = arith.constant 80 : index
      %swap3A_389 = tpu.vector_load %arg6[%swap3A_387, %swap3A_388] {strides = array<i32>} : memref<80x128xf32, #tpu.memory_space<vmem>>, vector<1x16xf32>,
      %swap3A_390 = vector.shape_cast %swap3A_389 : vector<1x16xf32> to vector<16xf32>
      %swap3A_391 = vector.shape_cast %get3A_385 : vector<16xf32> to vector<1x16xf32>
      tpu.vector_store %arg6[%swap3A_387, %swap3A_388], %swap3A_391 {strides = array<i32>} : memref<80x128xf32, #tpu.memory_space<vmem>>, vector<1x16xf32>,
      %get3A_392 = arith.constant 29 : i32
      %get3A_393 = arith.index_cast %get3A_392 : i32 to index
      %get3A_394 = arith.constant 96 : index
      %get3A_395 = tpu.vector_load %arg6[%get3A_393, %get3A_394] {strides = array<i32>} : memref<80x128xf32, #tpu.memory_space<vmem>>, vector<1x16xf32>,
      %get3A_396 = vector.shape_cast %get3A_395 : vector<1x16xf32> to vector<16xf32>
      %swap3A_397 = arith.constant 3 : i32
      %swap3A_398 = arith.index_cast %swap3A_397 : i32 to index
      %swap3A_399 = arith.constant 96 : index
      %swap3A_400 = tpu.vector_load %arg6[%swap3A_398, %swap3A_399] {strides = array<i32>} : memref<80x128xf32, #tpu.memory_space<vmem>>, vector<1x16xf32>,
      %swap3A_401 = vector.shape_cast %swap3A_400 : vector<1x16xf32> to vector<16xf32>
      %swap3A_402 = vector.shape_cast %get3A_396 : vector<16xf32> to vector<1x16xf32>
      tpu.vector_store %arg6[%swap3A_398, %swap3A_399], %swap3A_402 {strides = array<i32>} : memref<80x128xf32, #tpu.memory_space<vmem>>, vector<1x16xf32>,
      %get3A_403 = arith.constant 29 : i32
      %get3A_404 = arith.index_cast %get3A_403 : i32 to index
      %get3A_405 = arith.constant 112 : index
      %get3A_406 = tpu.vector_load %arg6[%get3A_404, %get3A_405] {strides = array<i32>} : memref<80x128xf32, #tpu.memory_space<vmem>>, vector<1x16xf32>,
      %get3A_407 = vector.shape_cast %get3A_406 : vector<1x16xf32> to vector<16xf32>
      %swap3A_408 = arith.constant 3 : i32
      %swap3A_409 = arith.index_cast %swap3A_408 : i32 to index
      %swap3A_410 = arith.constant 112 : index
      %swap3A_411 = tpu.vector_load %arg6[%swap3A_409, %swap3A_410] {strides = array<i32>} : memref<80x128xf32, #tpu.memory_space<vmem>>, vector<1x16xf32>,
      %swap3A_412 = vector.shape_cast %swap3A_411 : vector<1x16xf32> to vector<16xf32>
      %swap3A_413 = vector.shape_cast %get3A_407 : vector<16xf32> to vector<1x16xf32>
      tpu.vector_store %arg6[%swap3A_409, %swap3A_410], %swap3A_413 {strides = array<i32>} : memref<80x128xf32, #tpu.memory_space<vmem>>, vector<1x16xf32>,
      %get3A_414 = arith.constant 28 : i32
      %get3A_415 = arith.index_cast %get3A_414 : i32 to index
      %get3A_416 = arith.constant 0 : index
      %get3A_417 = tpu.vector_load %arg6[%get3A_415, %get3A_416] {strides = array<i32>} : memref<80x128xf32, #tpu.memory_space<vmem>>, vector<1x16xf32>,
      %get3A_418 = vector.shape_cast %get3A_417 : vector<1x16xf32> to vector<16xf32>
      %swap3A_419 = arith.constant 4 : i32
      %swap3A_420 = arith.index_cast %swap3A_419 : i32 to index
      %swap3A_421 = arith.constant 0 : index
      %swap3A_422 = tpu.vector_load %arg6[%swap3A_420, %swap3A_421] {strides = array<i32>} : memref<80x128xf32, #tpu.memory_space<vmem>>, vector<1x16xf32>,
      %swap3A_423 = vector.shape_cast %swap3A_422 : vector<1x16xf32> to vector<16xf32>
      %swap3A_424 = vector.shape_cast %get3A_418 : vector<16xf32> to vector<1x16xf32>
      tpu.vector_store %arg6[%swap3A_420, %swap3A_421], %swap3A_424 {strides = array<i32>} : memref<80x128xf32, #tpu.memory_space<vmem>>, vector<1x16xf32>,
      %get3A_425 = arith.constant 28 : i32
      %get3A_426 = arith.index_cast %get3A_425 : i32 to index
      %get3A_427 = arith.constant 16 : index
      %get3A_428 = tpu.vector_load %arg6[%get3A_426, %get3A_427] {strides = array<i32>} : memref<80x128xf32, #tpu.memory_space<vmem>>, vector<1x16xf32>,
      %get3A_429 = vector.shape_cast %get3A_428 : vector<1x16xf32> to vector<16xf32>
      %swap3A_430 = arith.constant 4 : i32
      %swap3A_431 = arith.index_cast %swap3A_430 : i32 to index
      %swap3A_432 = arith.constant 16 : index
      %swap3A_433 = tpu.vector_load %arg6[%swap3A_431, %swap3A_432] {strides = array<i32>} : memref<80x128xf32, #tpu.memory_space<vmem>>, vector<1x16xf32>,
      %swap3A_434 = vector.shape_cast %swap3A_433 : vector<1x16xf32> to vector<16xf32>
      %swap3A_435 = vector.shape_cast %get3A_429 : vector<16xf32> to vector<1x16xf32>
      tpu.vector_store %arg6[%swap3A_431, %swap3A_432], %swap3A_435 {strides = array<i32>} : memref<80x128xf32, #tpu.memory_space<vmem>>, vector<1x16xf32>,
      %get3A_436 = arith.constant 28 : i32
      %get3A_437 = arith.index_cast %get3A_436 : i32 to index
      %get3A_438 = arith.constant 32 : index
      %get3A_439 = tpu.vector_load %arg6[%get3A_437, %get3A_438] {strides = array<i32>} : memref<80x128xf32, #tpu.memory_space<vmem>>, vector<1x16xf32>,
      %get3A_440 = vector.shape_cast %get3A_439 : vector<1x16xf32> to vector<16xf32>
      %swap3A_441 = arith.constant 4 : i32
      %swap3A_442 = arith.index_cast %swap3A_441 : i32 to index
      %swap3A_443 = arith.constant 32 : index
      %swap3A_444 = tpu.vector_load %arg6[%swap3A_442, %swap3A_443] {strides = array<i32>} : memref<80x128xf32, #tpu.memory_space<vmem>>, vector<1x16xf32>,
      %swap3A_445 = vector.shape_cast %swap3A_444 : vector<1x16xf32> to vector<16xf32>
      %swap3A_446 = vector.shape_cast %get3A_440 : vector<16xf32> to vector<1x16xf32>
      tpu.vector_store %arg6[%swap3A_442, %swap3A_443], %swap3A_446 {strides = array<i32>} : memref<80x128xf32, #tpu.memory_space<vmem>>, vector<1x16xf32>,
      %get3A_447 = arith.constant 28 : i32
      %get3A_448 = arith.index_cast %get3A_447 : i32 to index
      %get3A_449 = arith.constant 48 : index
      %get3A_450 = tpu.vector_load %arg6[%get3A_448, %get3A_449] {strides = array<i32>} : memref<80x128xf32, #tpu.memory_space<vmem>>, vector<1x16xf32>,
      %get3A_451 = vector.shape_cast %get3A_450 : vector<1x16xf32> to vector<16xf32>
      %swap3A_452 = arith.constant 4 : i32
      %swap3A_453 = arith.index_cast %swap3A_452 : i32 to index
      %swap3A_454 = arith.constant 48 : index
      %swap3A_455 = tpu.vector_load %arg6[%swap3A_453, %swap3A_454] {strides = array<i32>} : memref<80x128xf32, #tpu.memory_space<vmem>>, vector<1x16xf32>,
      %swap3A_456 = vector.shape_cast %swap3A_455 : vector<1x16xf32> to vector<16xf32>
      %swap3A_457 = vector.shape_cast %get3A_451 : vector<16xf32> to vector<1x16xf32>
      tpu.vector_store %arg6[%swap3A_453, %swap3A_454], %swap3A_457 {strides = array<i32>} : memref<80x128xf32, #tpu.memory_space<vmem>>, vector<1x16xf32>,
      %get3A_458 = arith.constant 28 : i32
      %get3A_459 = arith.index_cast %get3A_458 : i32 to index
      %get3A_460 = arith.constant 64 : index
      %get3A_461 = tpu.vector_load %arg6[%get3A_459, %get3A_460] {strides = array<i32>} : memref<80x128xf32, #tpu.memory_space<vmem>>, vector<1x16xf32>,
      %get3A_462 = vector.shape_cast %get3A_461 : vector<1x16xf32> to vector<16xf32>
      %swap3A_463 = arith.constant 4 : i32
      %swap3A_464 = arith.index_cast %swap3A_463 : i32 to index
      %swap3A_465 = arith.constant 64 : index
      %swap3A_466 = tpu.vector_load %arg6[%swap3A_464, %swap3A_465] {strides = array<i32>} : memref<80x128xf32, #tpu.memory_space<vmem>>, vector<1x16xf32>,
      %swap3A_467 = vector.shape_cast %swap3A_466 : vector<1x16xf32> to vector<16xf32>
      %swap3A_468 = vector.shape_cast %get3A_462 : vector<16xf32> to vector<1x16xf32>
      tpu.vector_store %arg6[%swap3A_464, %swap3A_465], %swap3A_468 {strides = array<i32>} : memref<80x128xf32, #tpu.memory_space<vmem>>, vector<1x16xf32>,
      %get3A_469 = arith.constant 28 : i32
      %get3A_470 = arith.index_cast %get3A_469 : i32 to index
      %get3A_471 = arith.constant 80 : index
      %get3A_472 = tpu.vector_load %arg6[%get3A_470, %get3A_471] {strides = array<i32>} : memref<80x128xf32, #tpu.memory_space<vmem>>, vector<1x16xf32>,
      %get3A_473 = vector.shape_cast %get3A_472 : vector<1x16xf32> to vector<16xf32>
      %swap3A_474 = arith.constant 4 : i32
      %swap3A_475 = arith.index_cast %swap3A_474 : i32 to index
      %swap3A_476 = arith.constant 80 : index
      %swap3A_477 = tpu.vector_load %arg6[%swap3A_475, %swap3A_476] {strides = array<i32>} : memref<80x128xf32, #tpu.memory_space<vmem>>, vector<1x16xf32>,
      %swap3A_478 = vector.shape_cast %swap3A_477 : vector<1x16xf32> to vector<16xf32>
      %swap3A_479 = vector.shape_cast %get3A_473 : vector<16xf32> to vector<1x16xf32>
      tpu.vector_store %arg6[%swap3A_475, %swap3A_476], %swap3A_479 {strides = array<i32>} : memref<80x128xf32, #tpu.memory_space<vmem>>, vector<1x16xf32>,
      %get3A_480 = arith.constant 28 : i32
      %get3A_481 = arith.index_cast %get3A_480 : i32 to index
      %get3A_482 = arith.constant 96 : index
      %get3A_483 = tpu.vector_load %arg6[%get3A_481, %get3A_482] {strides = array<i32>} : memref<80x128xf32, #tpu.memory_space<vmem>>, vector<1x16xf32>,
      %get3A_484 = vector.shape_cast %get3A_483 : vector<1x16xf32> to vector<16xf32>
      %swap3A_485 = arith.constant 4 : i32
      %swap3A_486 = arith.index_cast %swap3A_485 : i32 to index
      %swap3A_487 = arith.constant 96 : index
      %swap3A_488 = tpu.vector_load %arg6[%swap3A_486, %swap3A_487] {strides = array<i32>} : memref<80x128xf32, #tpu.memory_space<vmem>>, vector<1x16xf32>,
      %swap3A_489 = vector.shape_cast %swap3A_488 : vector<1x16xf32> to vector<16xf32>
      %swap3A_490 = vector.shape_cast %get3A_484 : vector<16xf32> to vector<1x16xf32>
      tpu.vector_store %arg6[%swap3A_486, %swap3A_487], %swap3A_490 {strides = array<i32>} : memref<80x128xf32, #tpu.memory_space<vmem>>, vector<1x16xf32>,
      %get3A_491 = arith.constant 28 : i32
      %get3A_492 = arith.index_cast %get3A_491 : i32 to index
      %get3A_493 = arith.constant 112 : index
      %get3A_494 = tpu.vector_load %arg6[%get3A_492, %get3A_493] {strides = array<i32>} : memref<80x128xf32, #tpu.memory_space<vmem>>, vector<1x16xf32>,
      %get3A_495 = vector.shape_cast %get3A_494 : vector<1x16xf32> to vector<16xf32>
      %swap3A_496 = arith.constant 4 : i32
      %swap3A_497 = arith.index_cast %swap3A_496 : i32 to index
      %swap3A_498 = arith.constant 112 : index
      %swap3A_499 = tpu.vector_load %arg6[%swap3A_497, %swap3A_498] {strides = array<i32>} : memref<80x128xf32, #tpu.memory_space<vmem>>, vector<1x16xf32>,
      %swap3A_500 = vector.shape_cast %swap3A_499 : vector<1x16xf32> to vector<16xf32>
      %swap3A_501 = vector.shape_cast %get3A_495 : vector<16xf32> to vector<1x16xf32>
      tpu.vector_store %arg6[%swap3A_497, %swap3A_498], %swap3A_501 {strides = array<i32>} : memref<80x128xf32, #tpu.memory_space<vmem>>, vector<1x16xf32>,
      %get3A_502 = arith.constant 27 : i32
      %get3A_503 = arith.index_cast %get3A_502 : i32 to index
      %get3A_504 = arith.constant 0 : index
      %get3A_505 = tpu.vector_load %arg6[%get3A_503, %get3A_504] {strides = array<i32>} : memref<80x128xf32, #tpu.memory_space<vmem>>, vector<1x16xf32>,
      %get3A_506 = vector.shape_cast %get3A_505 : vector<1x16xf32> to vector<16xf32>
      %swap3A_507 = arith.constant 5 : i32
      %swap3A_508 = arith.index_cast %swap3A_507 : i32 to index
      %swap3A_509 = arith.constant 0 : index
      %swap3A_510 = tpu.vector_load %arg6[%swap3A_508, %swap3A_509] {strides = array<i32>} : memref<80x128xf32, #tpu.memory_space<vmem>>, vector<1x16xf32>,
      %swap3A_511 = vector.shape_cast %swap3A_510 : vector<1x16xf32> to vector<16xf32>
      %swap3A_512 = vector.shape_cast %get3A_506 : vector<16xf32> to vector<1x16xf32>
      tpu.vector_store %arg6[%swap3A_508, %swap3A_509], %swap3A_512 {strides = array<i32>} : memref<80x128xf32, #tpu.memory_space<vmem>>, vector<1x16xf32>,
      %get3A_513 = arith.constant 27 : i32
      %get3A_514 = arith.index_cast %get3A_513 : i32 to index
      %get3A_515 = arith.constant 16 : index
      %get3A_516 = tpu.vector_load %arg6[%get3A_514, %get3A_515] {strides = array<i32>} : memref<80x128xf32, #tpu.memory_space<vmem>>, vector<1x16xf32>,
      %get3A_517 = vector.shape_cast %get3A_516 : vector<1x16xf32> to vector<16xf32>
      %swap3A_518 = arith.constant 5 : i32
      %swap3A_519 = arith.index_cast %swap3A_518 : i32 to index
      %swap3A_520 = arith.constant 16 : index
      %swap3A_521 = tpu.vector_load %arg6[%swap3A_519, %swap3A_520] {strides = array<i32>} : memref<80x128xf32, #tpu.memory_space<vmem>>, vector<1x16xf32>,
      %swap3A_522 = vector.shape_cast %swap3A_521 : vector<1x16xf32> to vector<16xf32>
      %swap3A_523 = vector.shape_cast %get3A_517 : vector<16xf32> to vector<1x16xf32>
      tpu.vector_store %arg6[%swap3A_519, %swap3A_520], %swap3A_523 {strides = array<i32>} : memref<80x128xf32, #tpu.memory_space<vmem>>, vector<1x16xf32>,
      %get3A_524 = arith.constant 27 : i32
      %get3A_525 = arith.index_cast %get3A_524 : i32 to index
      %get3A_526 = arith.constant 32 : index
      %get3A_527 = tpu.vector_load %arg6[%get3A_525, %get3A_526] {strides = array<i32>} : memref<80x128xf32, #tpu.memory_space<vmem>>, vector<1x16xf32>,
      %get3A_528 = vector.shape_cast %get3A_527 : vector<1x16xf32> to vector<16xf32>
      %swap3A_529 = arith.constant 5 : i32
      %swap3A_530 = arith.index_cast %swap3A_529 : i32 to index
      %swap3A_531 = arith.constant 32 : index
      %swap3A_532 = tpu.vector_load %arg6[%swap3A_530, %swap3A_531] {strides = array<i32>} : memref<80x128xf32, #tpu.memory_space<vmem>>, vector<1x16xf32>,
      %swap3A_533 = vector.shape_cast %swap3A_532 : vector<1x16xf32> to vector<16xf32>
      %swap3A_534 = vector.shape_cast %get3A_528 : vector<16xf32> to vector<1x16xf32>
      tpu.vector_store %arg6[%swap3A_530, %swap3A_531], %swap3A_534 {strides = array<i32>} : memref<80x128xf32, #tpu.memory_space<vmem>>, vector<1x16xf32>,
      %get3A_535 = arith.constant 27 : i32
      %get3A_536 = arith.index_cast %get3A_535 : i32 to index
      %get3A_537 = arith.constant 48 : index
      %get3A_538 = tpu.vector_load %arg6[%get3A_536, %get3A_537] {strides = array<i32>} : memref<80x128xf32, #tpu.memory_space<vmem>>, vector<1x16xf32>,
      %get3A_539 = vector.shape_cast %get3A_538 : vector<1x16xf32> to vector<16xf32>
      %swap3A_540 = arith.constant 5 : i32
      %swap3A_541 = arith.index_cast %swap3A_540 : i32 to index
      %swap3A_542 = arith.constant 48 : index
      %swap3A_543 = tpu.vector_load %arg6[%swap3A_541, %swap3A_542] {strides = array<i32>} : memref<80x128xf32, #tpu.memory_space<vmem>>, vector<1x16xf32>,
      %swap3A_544 = vector.shape_cast %swap3A_543 : vector<1x16xf32> to vector<16xf32>
      %swap3A_545 = vector.shape_cast %get3A_539 : vector<16xf32> to vector<1x16xf32>
      tpu.vector_store %arg6[%swap3A_541, %swap3A_542], %swap3A_545 {strides = array<i32>} : memref<80x128xf32, #tpu.memory_space<vmem>>, vector<1x16xf32>,
      %get3A_546 = arith.constant 27 : i32
      %get3A_547 = arith.index_cast %get3A_546 : i32 to index
      %get3A_548 = arith.constant 64 : index
      %get3A_549 = tpu.vector_load %arg6[%get3A_547, %get3A_548] {strides = array<i32>} : memref<80x128xf32, #tpu.memory_space<vmem>>, vector<1x16xf32>,
      %get3A_550 = vector.shape_cast %get3A_549 : vector<1x16xf32> to vector<16xf32>
      %swap3A_551 = arith.constant 5 : i32
      %swap3A_552 = arith.index_cast %swap3A_551 : i32 to index
      %swap3A_553 = arith.constant 64 : index
      %swap3A_554 = tpu.vector_load %arg6[%swap3A_552, %swap3A_553] {strides = array<i32>} : memref<80x128xf32, #tpu.memory_space<vmem>>, vector<1x16xf32>,
      %swap3A_555 = vector.shape_cast %swap3A_554 : vector<1x16xf32> to vector<16xf32>
      %swap3A_556 = vector.shape_cast %get3A_550 : vector<16xf32> to vector<1x16xf32>
      tpu.vector_store %arg6[%swap3A_552, %swap3A_553], %swap3A_556 {strides = array<i32>} : memref<80x128xf32, #tpu.memory_space<vmem>>, vector<1x16xf32>,
      %get3A_557 = arith.constant 27 : i32
      %get3A_558 = arith.index_cast %get3A_557 : i32 to index
      %get3A_559 = arith.constant 80 : index
      %get3A_560 = tpu.vector_load %arg6[%get3A_558, %get3A_559] {strides = array<i32>} : memref<80x128xf32, #tpu.memory_space<vmem>>, vector<1x16xf32>,
      %get3A_561 = vector.shape_cast %get3A_560 : vector<1x16xf32> to vector<16xf32>
      %swap3A_562 = arith.constant 5 : i32
      %swap3A_563 = arith.index_cast %swap3A_562 : i32 to index
      %swap3A_564 = arith.constant 80 : index
      %swap3A_565 = tpu.vector_load %arg6[%swap3A_563, %swap3A_564] {strides = array<i32>} : memref<80x128xf32, #tpu.memory_space<vmem>>, vector<1x16xf32>,
      %swap3A_566 = vector.shape_cast %swap3A_565 : vector<1x16xf32> to vector<16xf32>
      %swap3A_567 = vector.shape_cast %get3A_561 : vector<16xf32> to vector<1x16xf32>
      tpu.vector_store %arg6[%swap3A_563, %swap3A_564], %swap3A_567 {strides = array<i32>} : memref<80x128xf32, #tpu.memory_space<vmem>>, vector<1x16xf32>,
      %get3A_568 = arith.constant 27 : i32
      %get3A_569 = arith.index_cast %get3A_568 : i32 to index
      %get3A_570 = arith.constant 96 : index
      %get3A_571 = tpu.vector_load %arg6[%get3A_569, %get3A_570] {strides = array<i32>} : memref<80x128xf32, #tpu.memory_space<vmem>>, vector<1x16xf32>,
      %get3A_572 = vector.shape_cast %get3A_571 : vector<1x16xf32> to vector<16xf32>
      %swap3A_573 = arith.constant 5 : i32
      %swap3A_574 = arith.index_cast %swap3A_573 : i32 to index
      %swap3A_575 = arith.constant 96 : index
      %swap3A_576 = tpu.vector_load %arg6[%swap3A_574, %swap3A_575] {strides = array<i32>} : memref<80x128xf32, #tpu.memory_space<vmem>>, vector<1x16xf32>,
      %swap3A_577 = vector.shape_cast %swap3A_576 : vector<1x16xf32> to vector<16xf32>
      %swap3A_578 = vector.shape_cast %get3A_572 : vector<16xf32> to vector<1x16xf32>
      tpu.vector_store %arg6[%swap3A_574, %swap3A_575], %swap3A_578 {strides = array<i32>} : memref<80x128xf32, #tpu.memory_space<vmem>>, vector<1x16xf32>,
      %get3A_579 = arith.constant 27 : i32
      %get3A_580 = arith.index_cast %get3A_579 : i32 to index
      %get3A_581 = arith.constant 112 : index
      %get3A_582 = tpu.vector_load %arg6[%get3A_580, %get3A_581] {strides = array<i32>} : memref<80x128xf32, #tpu.memory_space<vmem>>, vector<1x16xf32>,
      %get3A_583 = vector.shape_cast %get3A_582 : vector<1x16xf32> to vector<16xf32>
      %swap3A_584 = arith.constant 5 : i32
      %swap3A_585 = arith.index_cast %swap3A_584 : i32 to index
      %swap3A_586 = arith.constant 112 : index
      %swap3A_587 = tpu.vector_load %arg6[%swap3A_585, %swap3A_586] {strides = array<i32>} : memref<80x128xf32, #tpu.memory_space<vmem>>, vector<1x16xf32>,
      %swap3A_588 = vector.shape_cast %swap3A_587 : vector<1x16xf32> to vector<16xf32>
      %swap3A_589 = vector.shape_cast %get3A_583 : vector<16xf32> to vector<1x16xf32>
      tpu.vector_store %arg6[%swap3A_585, %swap3A_586], %swap3A_589 {strides = array<i32>} : memref<80x128xf32, #tpu.memory_space<vmem>>, vector<1x16xf32>,
      %get3A_590 = arith.constant 26 : i32
      %get3A_591 = arith.index_cast %get3A_590 : i32 to index
      %get3A_592 = arith.constant 0 : index
      %get3A_593 = tpu.vector_load %arg6[%get3A_591, %get3A_592] {strides = array<i32>} : memref<80x128xf32, #tpu.memory_space<vmem>>, vector<1x16xf32>,
      %get3A_594 = vector.shape_cast %get3A_593 : vector<1x16xf32> to vector<16xf32>
      %swap3A_595 = arith.constant 6 : i32
      %swap3A_596 = arith.index_cast %swap3A_595 : i32 to index
      %swap3A_597 = arith.constant 0 : index
      %swap3A_598 = tpu.vector_load %arg6[%swap3A_596, %swap3A_597] {strides = array<i32>} : memref<80x128xf32, #tpu.memory_space<vmem>>, vector<1x16xf32>,
      %swap3A_599 = vector.shape_cast %swap3A_598 : vector<1x16xf32> to vector<16xf32>
      %swap3A_600 = vector.shape_cast %get3A_594 : vector<16xf32> to vector<1x16xf32>
      tpu.vector_store %arg6[%swap3A_596, %swap3A_597], %swap3A_600 {strides = array<i32>} : memref<80x128xf32, #tpu.memory_space<vmem>>, vector<1x16xf32>,
      %get3A_601 = arith.constant 26 : i32
      %get3A_602 = arith.index_cast %get3A_601 : i32 to index
      %get3A_603 = arith.constant 16 : index
      %get3A_604 = tpu.vector_load %arg6[%get3A_602, %get3A_603] {strides = array<i32>} : memref<80x128xf32, #tpu.memory_space<vmem>>, vector<1x16xf32>,
      %get3A_605 = vector.shape_cast %get3A_604 : vector<1x16xf32> to vector<16xf32>
      %swap3A_606 = arith.constant 6 : i32
      %swap3A_607 = arith.index_cast %swap3A_606 : i32 to index
      %swap3A_608 = arith.constant 16 : index
      %swap3A_609 = tpu.vector_load %arg6[%swap3A_607, %swap3A_608] {strides = array<i32>} : memref<80x128xf32, #tpu.memory_space<vmem>>, vector<1x16xf32>,
      %swap3A_610 = vector.shape_cast %swap3A_609 : vector<1x16xf32> to vector<16xf32>
      %swap3A_611 = vector.shape_cast %get3A_605 : vector<16xf32> to vector<1x16xf32>
      tpu.vector_store %arg6[%swap3A_607, %swap3A_608], %swap3A_611 {strides = array<i32>} : memref<80x128xf32, #tpu.memory_space<vmem>>, vector<1x16xf32>,
      %get3A_612 = arith.constant 26 : i32
      %get3A_613 = arith.index_cast %get3A_612 : i32 to index
      %get3A_614 = arith.constant 32 : index
      %get3A_615 = tpu.vector_load %arg6[%get3A_613, %get3A_614] {strides = array<i32>} : memref<80x128xf32, #tpu.memory_space<vmem>>, vector<1x16xf32>,
      %get3A_616 = vector.shape_cast %get3A_615 : vector<1x16xf32> to vector<16xf32>
      %swap3A_617 = arith.constant 6 : i32
      %swap3A_618 = arith.index_cast %swap3A_617 : i32 to index
      %swap3A_619 = arith.constant 32 : index
      %swap3A_620 = tpu.vector_load %arg6[%swap3A_618, %swap3A_619] {strides = array<i32>} : memref<80x128xf32, #tpu.memory_space<vmem>>, vector<1x16xf32>,
      %swap3A_621 = vector.shape_cast %swap3A_620 : vector<1x16xf32> to vector<16xf32>
      %swap3A_622 = vector.shape_cast %get3A_616 : vector<16xf32> to vector<1x16xf32>
      tpu.vector_store %arg6[%swap3A_618, %swap3A_619], %swap3A_622 {strides = array<i32>} : memref<80x128xf32, #tpu.memory_space<vmem>>, vector<1x16xf32>,
      %get3A_623 = arith.constant 26 : i32
      %get3A_624 = arith.index_cast %get3A_623 : i32 to index
      %get3A_625 = arith.constant 48 : index
      %get3A_626 = tpu.vector_load %arg6[%get3A_624, %get3A_625] {strides = array<i32>} : memref<80x128xf32, #tpu.memory_space<vmem>>, vector<1x16xf32>,
      %get3A_627 = vector.shape_cast %get3A_626 : vector<1x16xf32> to vector<16xf32>
      %swap3A_628 = arith.constant 6 : i32
      %swap3A_629 = arith.index_cast %swap3A_628 : i32 to index
      %swap3A_630 = arith.constant 48 : index
      %swap3A_631 = tpu.vector_load %arg6[%swap3A_629, %swap3A_630] {strides = array<i32>} : memref<80x128xf32, #tpu.memory_space<vmem>>, vector<1x16xf32>,
      %swap3A_632 = vector.shape_cast %swap3A_631 : vector<1x16xf32> to vector<16xf32>
      %swap3A_633 = vector.shape_cast %get3A_627 : vector<16xf32> to vector<1x16xf32>
      tpu.vector_store %arg6[%swap3A_629, %swap3A_630], %swap3A_633 {strides = array<i32>} : memref<80x128xf32, #tpu.memory_space<vmem>>, vector<1x16xf32>,
      %get3A_634 = arith.constant 26 : i32
      %get3A_635 = arith.index_cast %get3A_634 : i32 to index
      %get3A_636 = arith.constant 64 : index
      %get3A_637 = tpu.vector_load %arg6[%get3A_635, %get3A_636] {strides = array<i32>} : memref<80x128xf32, #tpu.memory_space<vmem>>, vector<1x16xf32>,
      %get3A_638 = vector.shape_cast %get3A_637 : vector<1x16xf32> to vector<16xf32>
      %swap3A_639 = arith.constant 6 : i32
      %swap3A_640 = arith.index_cast %swap3A_639 : i32 to index
      %swap3A_641 = arith.constant 64 : index
      %swap3A_642 = tpu.vector_load %arg6[%swap3A_640, %swap3A_641] {strides = array<i32>} : memref<80x128xf32, #tpu.memory_space<vmem>>, vector<1x16xf32>,
      %swap3A_643 = vector.shape_cast %swap3A_642 : vector<1x16xf32> to vector<16xf32>
      %swap3A_644 = vector.shape_cast %get3A_638 : vector<16xf32> to vector<1x16xf32>
      tpu.vector_store %arg6[%swap3A_640, %swap3A_641], %swap3A_644 {strides = array<i32>} : memref<80x128xf32, #tpu.memory_space<vmem>>, vector<1x16xf32>,
      %get3A_645 = arith.constant 26 : i32
      %get3A_646 = arith.index_cast %get3A_645 : i32 to index
      %get3A_647 = arith.constant 80 : index
      %get3A_648 = tpu.vector_load %arg6[%get3A_646, %get3A_647] {strides = array<i32>} : memref<80x128xf32, #tpu.memory_space<vmem>>, vector<1x16xf32>,
      %get3A_649 = vector.shape_cast %get3A_648 : vector<1x16xf32> to vector<16xf32>
      %swap3A_650 = arith.constant 6 : i32
      %swap3A_651 = arith.index_cast %swap3A_650 : i32 to index
      %swap3A_652 = arith.constant 80 : index
      %swap3A_653 = tpu.vector_load %arg6[%swap3A_651, %swap3A_652] {strides = array<i32>} : memref<80x128xf32, #tpu.memory_space<vmem>>, vector<1x16xf32>,
      %swap3A_654 = vector.shape_cast %swap3A_653 : vector<1x16xf32> to vector<16xf32>
      %swap3A_655 = vector.shape_cast %get3A_649 : vector<16xf32> to vector<1x16xf32>
      tpu.vector_store %arg6[%swap3A_651, %swap3A_652], %swap3A_655 {strides = array<i32>} : memref<80x128xf32, #tpu.memory_space<vmem>>, vector<1x16xf32>,
      %get3A_656 = arith.constant 26 : i32
      %get3A_657 = arith.index_cast %get3A_656 : i32 to index
      %get3A_658 = arith.constant 96 : index
      %get3A_659 = tpu.vector_load %arg6[%get3A_657, %get3A_658] {strides = array<i32>} : memref<80x128xf32, #tpu.memory_space<vmem>>, vector<1x16xf32>,
      %get3A_660 = vector.shape_cast %get3A_659 : vector<1x16xf32> to vector<16xf32>
      %swap3A_661 = arith.constant 6 : i32
      %swap3A_662 = arith.index_cast %swap3A_661 : i32 to index
      %swap3A_663 = arith.constant 96 : index
      %swap3A_664 = tpu.vector_load %arg6[%swap3A_662, %swap3A_663] {strides = array<i32>} : memref<80x128xf32, #tpu.memory_space<vmem>>, vector<1x16xf32>,
      %swap3A_665 = vector.shape_cast %swap3A_664 : vector<1x16xf32> to vector<16xf32>
      %swap3A_666 = vector.shape_cast %get3A_660 : vector<16xf32> to vector<1x16xf32>
      tpu.vector_store %arg6[%swap3A_662, %swap3A_663], %swap3A_666 {strides = array<i32>} : memref<80x128xf32, #tpu.memory_space<vmem>>, vector<1x16xf32>,
      %get3A_667 = arith.constant 26 : i32
      %get3A_668 = arith.index_cast %get3A_667 : i32 to index
      %get3A_669 = arith.constant 112 : index
      %get3A_670 = tpu.vector_load %arg6[%get3A_668, %get3A_669] {strides = array<i32>} : memref<80x128xf32, #tpu.memory_space<vmem>>, vector<1x16xf32>,
      %get3A_671 = vector.shape_cast %get3A_670 : vector<1x16xf32> to vector<16xf32>
      %swap3A_672 = arith.constant 6 : i32
      %swap3A_673 = arith.index_cast %swap3A_672 : i32 to index
      %swap3A_674 = arith.constant 112 : index
      %swap3A_675 = tpu.vector_load %arg6[%swap3A_673, %swap3A_674] {strides = array<i32>} : memref<80x128xf32, #tpu.memory_space<vmem>>, vector<1x16xf32>,
      %swap3A_676 = vector.shape_cast %swap3A_675 : vector<1x16xf32> to vector<16xf32>
      %swap3A_677 = vector.shape_cast %get3A_671 : vector<16xf32> to vector<1x16xf32>
      tpu.vector_store %arg6[%swap3A_673, %swap3A_674], %swap3A_677 {strides = array<i32>} : memref<80x128xf32, #tpu.memory_space<vmem>>, vector<1x16xf32>,
      %get3A_678 = arith.constant 25 : i32
      %get3A_679 = arith.index_cast %get3A_678 : i32 to index
      %get3A_680 = arith.constant 0 : index
      %get3A_681 = tpu.vector_load %arg6[%get3A_679, %get3A_680] {strides = array<i32>} : memref<80x128xf32, #tpu.memory_space<vmem>>, vector<1x16xf32>,
      %get3A_682 = vector.shape_cast %get3A_681 : vector<1x16xf32> to vector<16xf32>
      %swap3A_683 = arith.constant 7 : i32
      %swap3A_684 = arith.index_cast %swap3A_683 : i32 to index
      %swap3A_685 = arith.constant 0 : index
      %swap3A_686 = tpu.vector_load %arg6[%swap3A_684, %swap3A_685] {strides = array<i32>} : memref<80x128xf32, #tpu.memory_space<vmem>>, vector<1x16xf32>,
      %swap3A_687 = vector.shape_cast %swap3A_686 : vector<1x16xf32> to vector<16xf32>
      %swap3A_688 = vector.shape_cast %get3A_682 : vector<16xf32> to vector<1x16xf32>
      tpu.vector_store %arg6[%swap3A_684, %swap3A_685], %swap3A_688 {strides = array<i32>} : memref<80x128xf32, #tpu.memory_space<vmem>>, vector<1x16xf32>,
      %get3A_689 = arith.constant 25 : i32
      %get3A_690 = arith.index_cast %get3A_689 : i32 to index
      %get3A_691 = arith.constant 16 : index
      %get3A_692 = tpu.vector_load %arg6[%get3A_690, %get3A_691] {strides = array<i32>} : memref<80x128xf32, #tpu.memory_space<vmem>>, vector<1x16xf32>,
      %get3A_693 = vector.shape_cast %get3A_692 : vector<1x16xf32> to vector<16xf32>
      %swap3A_694 = arith.constant 7 : i32
      %swap3A_695 = arith.index_cast %swap3A_694 : i32 to index
      %swap3A_696 = arith.constant 16 : index
      %swap3A_697 = tpu.vector_load %arg6[%swap3A_695, %swap3A_696] {strides = array<i32>} : memref<80x128xf32, #tpu.memory_space<vmem>>, vector<1x16xf32>,
      %swap3A_698 = vector.shape_cast %swap3A_697 : vector<1x16xf32> to vector<16xf32>
      %swap3A_699 = vector.shape_cast %get3A_693 : vector<16xf32> to vector<1x16xf32>
      tpu.vector_store %arg6[%swap3A_695, %swap3A_696], %swap3A_699 {strides = array<i32>} : memref<80x128xf32, #tpu.memory_space<vmem>>, vector<1x16xf32>,
      %get3A_700 = arith.constant 25 : i32
      %get3A_701 = arith.index_cast %get3A_700 : i32 to index
      %get3A_702 = arith.constant 32 : index
      %get3A_703 = tpu.vector_load %arg6[%get3A_701, %get3A_702] {strides = array<i32>} : memref<80x128xf32, #tpu.memory_space<vmem>>, vector<1x16xf32>,
      %get3A_704 = vector.shape_cast %get3A_703 : vector<1x16xf32> to vector<16xf32>
      %swap3A_705 = arith.constant 7 : i32
      %swap3A_706 = arith.index_cast %swap3A_705 : i32 to index
      %swap3A_707 = arith.constant 32 : index
      %swap3A_708 = tpu.vector_load %arg6[%swap3A_706, %swap3A_707] {strides = array<i32>} : memref<80x128xf32, #tpu.memory_space<vmem>>, vector<1x16xf32>,
      %swap3A_709 = vector.shape_cast %swap3A_708 : vector<1x16xf32> to vector<16xf32>
      %swap3A_710 = vector.shape_cast %get3A_704 : vector<16xf32> to vector<1x16xf32>
      tpu.vector_store %arg6[%swap3A_706, %swap3A_707], %swap3A_710 {strides = array<i32>} : memref<80x128xf32, #tpu.memory_space<vmem>>, vector<1x16xf32>,
      %get3A_711 = arith.constant 25 : i32
      %get3A_712 = arith.index_cast %get3A_711 : i32 to index
      %get3A_713 = arith.constant 48 : index
      %get3A_714 = tpu.vector_load %arg6[%get3A_712, %get3A_713] {strides = array<i32>} : memref<80x128xf32, #tpu.memory_space<vmem>>, vector<1x16xf32>,
      %get3A_715 = vector.shape_cast %get3A_714 : vector<1x16xf32> to vector<16xf32>
      %swap3A_716 = arith.constant 7 : i32
      %swap3A_717 = arith.index_cast %swap3A_716 : i32 to index
      %swap3A_718 = arith.constant 48 : index
      %swap3A_719 = tpu.vector_load %arg6[%swap3A_717, %swap3A_718] {strides = array<i32>} : memref<80x128xf32, #tpu.memory_space<vmem>>, vector<1x16xf32>,
      %swap3A_720 = vector.shape_cast %swap3A_719 : vector<1x16xf32> to vector<16xf32>
      %swap3A_721 = vector.shape_cast %get3A_715 : vector<16xf32> to vector<1x16xf32>
      tpu.vector_store %arg6[%swap3A_717, %swap3A_718], %swap3A_721 {strides = array<i32>} : memref<80x128xf32, #tpu.memory_space<vmem>>, vector<1x16xf32>,
      %get3A_722 = arith.constant 25 : i32
      %get3A_723 = arith.index_cast %get3A_722 : i32 to index
      %get3A_724 = arith.constant 64 : index
      %get3A_725 = tpu.vector_load %arg6[%get3A_723, %get3A_724] {strides = array<i32>} : memref<80x128xf32, #tpu.memory_space<vmem>>, vector<1x16xf32>,
      %get3A_726 = vector.shape_cast %get3A_725 : vector<1x16xf32> to vector<16xf32>
      %swap3A_727 = arith.constant 7 : i32
      %swap3A_728 = arith.index_cast %swap3A_727 : i32 to index
      %swap3A_729 = arith.constant 64 : index
      %swap3A_730 = tpu.vector_load %arg6[%swap3A_728, %swap3A_729] {strides = array<i32>} : memref<80x128xf32, #tpu.memory_space<vmem>>, vector<1x16xf32>,
      %swap3A_731 = vector.shape_cast %swap3A_730 : vector<1x16xf32> to vector<16xf32>
      %swap3A_732 = vector.shape_cast %get3A_726 : vector<16xf32> to vector<1x16xf32>
      tpu.vector_store %arg6[%swap3A_728, %swap3A_729], %swap3A_732 {strides = array<i32>} : memref<80x128xf32, #tpu.memory_space<vmem>>, vector<1x16xf32>,
      %get3A_733 = arith.constant 25 : i32
      %get3A_734 = arith.index_cast %get3A_733 : i32 to index
      %get3A_735 = arith.constant 80 : index
      %get3A_736 = tpu.vector_load %arg6[%get3A_734, %get3A_735] {strides = array<i32>} : memref<80x128xf32, #tpu.memory_space<vmem>>, vector<1x16xf32>,
      %get3A_737 = vector.shape_cast %get3A_736 : vector<1x16xf32> to vector<16xf32>
      %swap3A_738 = arith.constant 7 : i32
      %swap3A_739 = arith.index_cast %swap3A_738 : i32 to index
      %swap3A_740 = arith.constant 80 : index
      %swap3A_741 = tpu.vector_load %arg6[%swap3A_739, %swap3A_740] {strides = array<i32>} : memref<80x128xf32, #tpu.memory_space<vmem>>, vector<1x16xf32>,
      %swap3A_742 = vector.shape_cast %swap3A_741 : vector<1x16xf32> to vector<16xf32>
      %swap3A_743 = vector.shape_cast %get3A_737 : vector<16xf32> to vector<1x16xf32>
      tpu.vector_store %arg6[%swap3A_739, %swap3A_740], %swap3A_743 {strides = array<i32>} : memref<80x128xf32, #tpu.memory_space<vmem>>, vector<1x16xf32>,
      %get3A_744 = arith.constant 25 : i32
      %get3A_745 = arith.index_cast %get3A_744 : i32 to index
      %get3A_746 = arith.constant 96 : index
      %get3A_747 = tpu.vector_load %arg6[%get3A_745, %get3A_746] {strides = array<i32>} : memref<80x128xf32, #tpu.memory_space<vmem>>, vector<1x16xf32>,
      %get3A_748 = vector.shape_cast %get3A_747 : vector<1x16xf32> to vector<16xf32>
      %swap3A_749 = arith.constant 7 : i32
      %swap3A_750 = arith.index_cast %swap3A_749 : i32 to index
      %swap3A_751 = arith.constant 96 : index
      %swap3A_752 = tpu.vector_load %arg6[%swap3A_750, %swap3A_751] {strides = array<i32>} : memref<80x128xf32, #tpu.memory_space<vmem>>, vector<1x16xf32>,
      %swap3A_753 = vector.shape_cast %swap3A_752 : vector<1x16xf32> to vector<16xf32>
      %swap3A_754 = vector.shape_cast %get3A_748 : vector<16xf32> to vector<1x16xf32>
      tpu.vector_store %arg6[%swap3A_750, %swap3A_751], %swap3A_754 {strides = array<i32>} : memref<80x128xf32, #tpu.memory_space<vmem>>, vector<1x16xf32>,
      %get3A_755 = arith.constant 25 : i32
      %get3A_756 = arith.index_cast %get3A_755 : i32 to index
      %get3A_757 = arith.constant 112 : index
      %get3A_758 = tpu.vector_load %arg6[%get3A_756, %get3A_757] {strides = array<i32>} : memref<80x128xf32, #tpu.memory_space<vmem>>, vector<1x16xf32>,
      %get3A_759 = vector.shape_cast %get3A_758 : vector<1x16xf32> to vector<16xf32>
      %swap3A_760 = arith.constant 7 : i32
      %swap3A_761 = arith.index_cast %swap3A_760 : i32 to index
      %swap3A_762 = arith.constant 112 : index
      %swap3A_763 = tpu.vector_load %arg6[%swap3A_761, %swap3A_762] {strides = array<i32>} : memref<80x128xf32, #tpu.memory_space<vmem>>, vector<1x16xf32>,
      %swap3A_764 = vector.shape_cast %swap3A_763 : vector<1x16xf32> to vector<16xf32>
      %swap3A_765 = vector.shape_cast %get3A_759 : vector<16xf32> to vector<1x16xf32>
      tpu.vector_store %arg6[%swap3A_761, %swap3A_762], %swap3A_765 {strides = array<i32>} : memref<80x128xf32, #tpu.memory_space<vmem>>, vector<1x16xf32>,
      %get3A_766 = arith.constant 24 : i32
      %get3A_767 = arith.index_cast %get3A_766 : i32 to index
      %get3A_768 = arith.constant 0 : index
      %get3A_769 = tpu.vector_load %arg6[%get3A_767, %get3A_768] {strides = array<i32>} : memref<80x128xf32, #tpu.memory_space<vmem>>, vector<1x16xf32>,
      %get3A_770 = vector.shape_cast %get3A_769 : vector<1x16xf32> to vector<16xf32>
      %swap3A_771 = arith.constant 8 : i32
      %swap3A_772 = arith.index_cast %swap3A_771 : i32 to index
      %swap3A_773 = arith.constant 0 : index
      %swap3A_774 = tpu.vector_load %arg6[%swap3A_772, %swap3A_773] {strides = array<i32>} : memref<80x128xf32, #tpu.memory_space<vmem>>, vector<1x16xf32>,
      %swap3A_775 = vector.shape_cast %swap3A_774 : vector<1x16xf32> to vector<16xf32>
      %swap3A_776 = vector.shape_cast %get3A_770 : vector<16xf32> to vector<1x16xf32>
      tpu.vector_store %arg6[%swap3A_772, %swap3A_773], %swap3A_776 {strides = array<i32>} : memref<80x128xf32, #tpu.memory_space<vmem>>, vector<1x16xf32>,
      %get3A_777 = arith.constant 24 : i32
      %get3A_778 = arith.index_cast %get3A_777 : i32 to index
      %get3A_779 = arith.constant 16 : index
      %get3A_780 = tpu.vector_load %arg6[%get3A_778, %get3A_779] {strides = array<i32>} : memref<80x128xf32, #tpu.memory_space<vmem>>, vector<1x16xf32>,
      %get3A_781 = vector.shape_cast %get3A_780 : vector<1x16xf32> to vector<16xf32>
      %swap3A_782 = arith.constant 8 : i32
      %swap3A_783 = arith.index_cast %swap3A_782 : i32 to index
      %swap3A_784 = arith.constant 16 : index
      %swap3A_785 = tpu.vector_load %arg6[%swap3A_783, %swap3A_784] {strides = array<i32>} : memref<80x128xf32, #tpu.memory_space<vmem>>, vector<1x16xf32>,
      %swap3A_786 = vector.shape_cast %swap3A_785 : vector<1x16xf32> to vector<16xf32>
      %swap3A_787 = vector.shape_cast %get3A_781 : vector<16xf32> to vector<1x16xf32>
      tpu.vector_store %arg6[%swap3A_783, %swap3A_784], %swap3A_787 {strides = array<i32>} : memref<80x128xf32, #tpu.memory_space<vmem>>, vector<1x16xf32>,
      %get3A_788 = arith.constant 24 : i32
      %get3A_789 = arith.index_cast %get3A_788 : i32 to index
      %get3A_790 = arith.constant 32 : index
      %get3A_791 = tpu.vector_load %arg6[%get3A_789, %get3A_790] {strides = array<i32>} : memref<80x128xf32, #tpu.memory_space<vmem>>, vector<1x16xf32>,
      %get3A_792 = vector.shape_cast %get3A_791 : vector<1x16xf32> to vector<16xf32>
      %swap3A_793 = arith.constant 8 : i32
      %swap3A_794 = arith.index_cast %swap3A_793 : i32 to index
      %swap3A_795 = arith.constant 32 : index
      %swap3A_796 = tpu.vector_load %arg6[%swap3A_794, %swap3A_795] {strides = array<i32>} : memref<80x128xf32, #tpu.memory_space<vmem>>, vector<1x16xf32>,
      %swap3A_797 = vector.shape_cast %swap3A_796 : vector<1x16xf32> to vector<16xf32>
      %swap3A_798 = vector.shape_cast %get3A_792 : vector<16xf32> to vector<1x16xf32>
      tpu.vector_store %arg6[%swap3A_794, %swap3A_795], %swap3A_798 {strides = array<i32>} : memref<80x128xf32, #tpu.memory_space<vmem>>, vector<1x16xf32>,
      %get3A_799 = arith.constant 24 : i32
      %get3A_800 = arith.index_cast %get3A_799 : i32 to index
      %get3A_801 = arith.constant 48 : index
      %get3A_802 = tpu.vector_load %arg6[%get3A_800, %get3A_801] {strides = array<i32>} : memref<80x128xf32, #tpu.memory_space<vmem>>, vector<1x16xf32>,
      %get3A_803 = vector.shape_cast %get3A_802 : vector<1x16xf32> to vector<16xf32>
      %swap3A_804 = arith.constant 8 : i32
      %swap3A_805 = arith.index_cast %swap3A_804 : i32 to index
      %swap3A_806 = arith.constant 48 : index
      %swap3A_807 = tpu.vector_load %arg6[%swap3A_805, %swap3A_806] {strides = array<i32>} : memref<80x128xf32, #tpu.memory_space<vmem>>, vector<1x16xf32>,
      %swap3A_808 = vector.shape_cast %swap3A_807 : vector<1x16xf32> to vector<16xf32>
      %swap3A_809 = vector.shape_cast %get3A_803 : vector<16xf32> to vector<1x16xf32>
      tpu.vector_store %arg6[%swap3A_805, %swap3A_806], %swap3A_809 {strides = array<i32>} : memref<80x128xf32, #tpu.memory_space<vmem>>, vector<1x16xf32>,
      %get3A_810 = arith.constant 24 : i32
      %get3A_811 = arith.index_cast %get3A_810 : i32 to index
      %get3A_812 = arith.constant 64 : index
      %get3A_813 = tpu.vector_load %arg6[%get3A_811, %get3A_812] {strides = array<i32>} : memref<80x128xf32, #tpu.memory_space<vmem>>, vector<1x16xf32>,
      %get3A_814 = vector.shape_cast %get3A_813 : vector<1x16xf32> to vector<16xf32>
      %swap3A_815 = arith.constant 8 : i32
      %swap3A_816 = arith.index_cast %swap3A_815 : i32 to index
      %swap3A_817 = arith.constant 64 : index
      %swap3A_818 = tpu.vector_load %arg6[%swap3A_816, %swap3A_817] {strides = array<i32>} : memref<80x128xf32, #tpu.memory_space<vmem>>, vector<1x16xf32>,
      %swap3A_819 = vector.shape_cast %swap3A_818 : vector<1x16xf32> to vector<16xf32>
      %swap3A_820 = vector.shape_cast %get3A_814 : vector<16xf32> to vector<1x16xf32>
      tpu.vector_store %arg6[%swap3A_816, %swap3A_817], %swap3A_820 {strides = array<i32>} : memref<80x128xf32, #tpu.memory_space<vmem>>, vector<1x16xf32>,
      %get3A_821 = arith.constant 24 : i32
      %get3A_822 = arith.index_cast %get3A_821 : i32 to index
      %get3A_823 = arith.constant 80 : index
      %get3A_824 = tpu.vector_load %arg6[%get3A_822, %get3A_823] {strides = array<i32>} : memref<80x128xf32, #tpu.memory_space<vmem>>, vector<1x16xf32>,
      %get3A_825 = vector.shape_cast %get3A_824 : vector<1x16xf32> to vector<16xf32>
      %swap3A_826 = arith.constant 8 : i32
      %swap3A_827 = arith.index_cast %swap3A_826 : i32 to index
      %swap3A_828 = arith.constant 80 : index
      %swap3A_829 = tpu.vector_load %arg6[%swap3A_827, %swap3A_828] {strides = array<i32>} : memref<80x128xf32, #tpu.memory_space<vmem>>, vector<1x16xf32>,
      %swap3A_830 = vector.shape_cast %swap3A_829 : vector<1x16xf32> to vector<16xf32>
      %swap3A_831 = vector.shape_cast %get3A_825 : vector<16xf32> to vector<1x16xf32>
      tpu.vector_store %arg6[%swap3A_827, %swap3A_828], %swap3A_831 {strides = array<i32>} : memref<80x128xf32, #tpu.memory_space<vmem>>, vector<1x16xf32>,
      %get3A_832 = arith.constant 24 : i32
      %get3A_833 = arith.index_cast %get3A_832 : i32 to index
      %get3A_834 = arith.constant 96 : index
      %get3A_835 = tpu.vector_load %arg6[%get3A_833, %get3A_834] {strides = array<i32>} : memref<80x128xf32, #tpu.memory_space<vmem>>, vector<1x16xf32>,
      %get3A_836 = vector.shape_cast %get3A_835 : vector<1x16xf32> to vector<16xf32>
      %swap3A_837 = arith.constant 8 : i32
      %swap3A_838 = arith.index_cast %swap3A_837 : i32 to index
      %swap3A_839 = arith.constant 96 : index
      %swap3A_840 = tpu.vector_load %arg6[%swap3A_838, %swap3A_839] {strides = array<i32>} : memref<80x128xf32, #tpu.memory_space<vmem>>, vector<1x16xf32>,
      %swap3A_841 = vector.shape_cast %swap3A_840 : vector<1x16xf32> to vector<16xf32>
      %swap3A_842 = vector.shape_cast %get3A_836 : vector<16xf32> to vector<1x16xf32>
      tpu.vector_store %arg6[%swap3A_838, %swap3A_839], %swap3A_842 {strides = array<i32>} : memref<80x128xf32, #tpu.memory_space<vmem>>, vector<1x16xf32>,
      %get3A_843 = arith.constant 24 : i32
      %get3A_844 = arith.index_cast %get3A_843 : i32 to index
      %get3A_845 = arith.constant 112 : index
      %get3A_846 = tpu.vector_load %arg6[%get3A_844, %get3A_845] {strides = array<i32>} : memref<80x128xf32, #tpu.memory_space<vmem>>, vector<1x16xf32>,
      %get3A_847 = vector.shape_cast %get3A_846 : vector<1x16xf32> to vector<16xf32>
      %swap3A_848 = arith.constant 8 : i32
      %swap3A_849 = arith.index_cast %swap3A_848 : i32 to index
      %swap3A_850 = arith.constant 112 : index
      %swap3A_851 = tpu.vector_load %arg6[%swap3A_849, %swap3A_850] {strides = array<i32>} : memref<80x128xf32, #tpu.memory_space<vmem>>, vector<1x16xf32>,
      %swap3A_852 = vector.shape_cast %swap3A_851 : vector<1x16xf32> to vector<16xf32>
      %swap3A_853 = vector.shape_cast %get3A_847 : vector<16xf32> to vector<1x16xf32>
      tpu.vector_store %arg6[%swap3A_849, %swap3A_850], %swap3A_853 {strides = array<i32>} : memref<80x128xf32, #tpu.memory_space<vmem>>, vector<1x16xf32>,
      %get3A_854 = arith.constant 23 : i32
      %get3A_855 = arith.index_cast %get3A_854 : i32 to index
      %get3A_856 = arith.constant 0 : index
      %get3A_857 = tpu.vector_load %arg6[%get3A_855, %get3A_856] {strides = array<i32>} : memref<80x128xf32, #tpu.memory_space<vmem>>, vector<1x16xf32>,
      %get3A_858 = vector.shape_cast %get3A_857 : vector<1x16xf32> to vector<16xf32>
      %swap3A_859 = arith.constant 9 : i32
      %swap3A_860 = arith.index_cast %swap3A_859 : i32 to index
      %swap3A_861 = arith.constant 0 : index
      %swap3A_862 = tpu.vector_load %arg6[%swap3A_860, %swap3A_861] {strides = array<i32>} : memref<80x128xf32, #tpu.memory_space<vmem>>, vector<1x16xf32>,
      %swap3A_863 = vector.shape_cast %swap3A_862 : vector<1x16xf32> to vector<16xf32>
      %swap3A_864 = vector.shape_cast %get3A_858 : vector<16xf32> to vector<1x16xf32>
      tpu.vector_store %arg6[%swap3A_860, %swap3A_861], %swap3A_864 {strides = array<i32>} : memref<80x128xf32, #tpu.memory_space<vmem>>, vector<1x16xf32>,
      %get3A_865 = arith.constant 23 : i32
      %get3A_866 = arith.index_cast %get3A_865 : i32 to index
      %get3A_867 = arith.constant 16 : index
      %get3A_868 = tpu.vector_load %arg6[%get3A_866, %get3A_867] {strides = array<i32>} : memref<80x128xf32, #tpu.memory_space<vmem>>, vector<1x16xf32>,
      %get3A_869 = vector.shape_cast %get3A_868 : vector<1x16xf32> to vector<16xf32>
      %swap3A_870 = arith.constant 9 : i32
      %swap3A_871 = arith.index_cast %swap3A_870 : i32 to index
      %swap3A_872 = arith.constant 16 : index
      %swap3A_873 = tpu.vector_load %arg6[%swap3A_871, %swap3A_872] {strides = array<i32>} : memref<80x128xf32, #tpu.memory_space<vmem>>, vector<1x16xf32>,
      %swap3A_874 = vector.shape_cast %swap3A_873 : vector<1x16xf32> to vector<16xf32>
      %swap3A_875 = vector.shape_cast %get3A_869 : vector<16xf32> to vector<1x16xf32>
      tpu.vector_store %arg6[%swap3A_871, %swap3A_872], %swap3A_875 {strides = array<i32>} : memref<80x128xf32, #tpu.memory_space<vmem>>, vector<1x16xf32>,
      %get3A_876 = arith.constant 23 : i32
      %get3A_877 = arith.index_cast %get3A_876 : i32 to index
      %get3A_878 = arith.constant 32 : index
      %get3A_879 = tpu.vector_load %arg6[%get3A_877, %get3A_878] {strides = array<i32>} : memref<80x128xf32, #tpu.memory_space<vmem>>, vector<1x16xf32>,
      %get3A_880 = vector.shape_cast %get3A_879 : vector<1x16xf32> to vector<16xf32>
      %swap3A_881 = arith.constant 9 : i32
      %swap3A_882 = arith.index_cast %swap3A_881 : i32 to index
      %swap3A_883 = arith.constant 32 : index
      %swap3A_884 = tpu.vector_load %arg6[%swap3A_882, %swap3A_883] {strides = array<i32>} : memref<80x128xf32, #tpu.memory_space<vmem>>, vector<1x16xf32>,
      %swap3A_885 = vector.shape_cast %swap3A_884 : vector<1x16xf32> to vector<16xf32>
      %swap3A_886 = vector.shape_cast %get3A_880 : vector<16xf32> to vector<1x16xf32>
      tpu.vector_store %arg6[%swap3A_882, %swap3A_883], %swap3A_886 {strides = array<i32>} : memref<80x128xf32, #tpu.memory_space<vmem>>, vector<1x16xf32>,
      %get3A_887 = arith.constant 23 : i32
      %get3A_888 = arith.index_cast %get3A_887 : i32 to index
      %get3A_889 = arith.constant 48 : index
      %get3A_890 = tpu.vector_load %arg6[%get3A_888, %get3A_889] {strides = array<i32>} : memref<80x128xf32, #tpu.memory_space<vmem>>, vector<1x16xf32>,
      %get3A_891 = vector.shape_cast %get3A_890 : vector<1x16xf32> to vector<16xf32>
      %swap3A_892 = arith.constant 9 : i32
      %swap3A_893 = arith.index_cast %swap3A_892 : i32 to index
      %swap3A_894 = arith.constant 48 : index
      %swap3A_895 = tpu.vector_load %arg6[%swap3A_893, %swap3A_894] {strides = array<i32>} : memref<80x128xf32, #tpu.memory_space<vmem>>, vector<1x16xf32>,
      %swap3A_896 = vector.shape_cast %swap3A_895 : vector<1x16xf32> to vector<16xf32>
      %swap3A_897 = vector.shape_cast %get3A_891 : vector<16xf32> to vector<1x16xf32>
      tpu.vector_store %arg6[%swap3A_893, %swap3A_894], %swap3A_897 {strides = array<i32>} : memref<80x128xf32, #tpu.memory_space<vmem>>, vector<1x16xf32>,
      %get3A_898 = arith.constant 23 : i32
      %get3A_899 = arith.index_cast %get3A_898 : i32 to index
      %get3A_900 = arith.constant 64 : index
      %get3A_901 = tpu.vector_load %arg6[%get3A_899, %get3A_900] {strides = array<i32>} : memref<80x128xf32, #tpu.memory_space<vmem>>, vector<1x16xf32>,
      %get3A_902 = vector.shape_cast %get3A_901 : vector<1x16xf32> to vector<16xf32>
      %swap3A_903 = arith.constant 9 : i32
      %swap3A_904 = arith.index_cast %swap3A_903 : i32 to index
      %swap3A_905 = arith.constant 64 : index
      %swap3A_906 = tpu.vector_load %arg6[%swap3A_904, %swap3A_905] {strides = array<i32>} : memref<80x128xf32, #tpu.memory_space<vmem>>, vector<1x16xf32>,
      %swap3A_907 = vector.shape_cast %swap3A_906 : vector<1x16xf32> to vector<16xf32>
      %swap3A_908 = vector.shape_cast %get3A_902 : vector<16xf32> to vector<1x16xf32>
      tpu.vector_store %arg6[%swap3A_904, %swap3A_905], %swap3A_908 {strides = array<i32>} : memref<80x128xf32, #tpu.memory_space<vmem>>, vector<1x16xf32>,
      %get3A_909 = arith.constant 23 : i32
      %get3A_910 = arith.index_cast %get3A_909 : i32 to index
      %get3A_911 = arith.constant 80 : index
      %get3A_912 = tpu.vector_load %arg6[%get3A_910, %get3A_911] {strides = array<i32>} : memref<80x128xf32, #tpu.memory_space<vmem>>, vector<1x16xf32>,
      %get3A_913 = vector.shape_cast %get3A_912 : vector<1x16xf32> to vector<16xf32>
      %swap3A_914 = arith.constant 9 : i32
      %swap3A_915 = arith.index_cast %swap3A_914 : i32 to index
      %swap3A_916 = arith.constant 80 : index
      %swap3A_917 = tpu.vector_load %arg6[%swap3A_915, %swap3A_916] {strides = array<i32>} : memref<80x128xf32, #tpu.memory_space<vmem>>, vector<1x16xf32>,
      %swap3A_918 = vector.shape_cast %swap3A_917 : vector<1x16xf32> to vector<16xf32>
      %swap3A_919 = vector.shape_cast %get3A_913 : vector<16xf32> to vector<1x16xf32>
      tpu.vector_store %arg6[%swap3A_915, %swap3A_916], %swap3A_919 {strides = array<i32>} : memref<80x128xf32, #tpu.memory_space<vmem>>, vector<1x16xf32>,
      %get3A_920 = arith.constant 23 : i32
      %get3A_921 = arith.index_cast %get3A_920 : i32 to index
      %get3A_922 = arith.constant 96 : index
      %get3A_923 = tpu.vector_load %arg6[%get3A_921, %get3A_922] {strides = array<i32>} : memref<80x128xf32, #tpu.memory_space<vmem>>, vector<1x16xf32>,
      %get3A_924 = vector.shape_cast %get3A_923 : vector<1x16xf32> to vector<16xf32>
      %swap3A_925 = arith.constant 9 : i32
      %swap3A_926 = arith.index_cast %swap3A_925 : i32 to index
      %swap3A_927 = arith.constant 96 : index
      %swap3A_928 = tpu.vector_load %arg6[%swap3A_926, %swap3A_927] {strides = array<i32>} : memref<80x128xf32, #tpu.memory_space<vmem>>, vector<1x16xf32>,
      %swap3A_929 = vector.shape_cast %swap3A_928 : vector<1x16xf32> to vector<16xf32>
      %swap3A_930 = vector.shape_cast %get3A_924 : vector<16xf32> to vector<1x16xf32>
      tpu.vector_store %arg6[%swap3A_926, %swap3A_927], %swap3A_930 {strides = array<i32>} : memref<80x128xf32, #tpu.memory_space<vmem>>, vector<1x16xf32>,
      %get3A_931 = arith.constant 23 : i32
      %get3A_932 = arith.index_cast %get3A_931 : i32 to index
      %get3A_933 = arith.constant 112 : index
      %get3A_934 = tpu.vector_load %arg6[%get3A_932, %get3A_933] {strides = array<i32>} : memref<80x128xf32, #tpu.memory_space<vmem>>, vector<1x16xf32>,
      %get3A_935 = vector.shape_cast %get3A_934 : vector<1x16xf32> to vector<16xf32>
      %swap3A_936 = arith.constant 9 : i32
      %swap3A_937 = arith.index_cast %swap3A_936 : i32 to index
      %swap3A_938 = arith.constant 112 : index
      %swap3A_939 = tpu.vector_load %arg6[%swap3A_937, %swap3A_938] {strides = array<i32>} : memref<80x128xf32, #tpu.memory_space<vmem>>, vector<1x16xf32>,
      %swap3A_940 = vector.shape_cast %swap3A_939 : vector<1x16xf32> to vector<16xf32>
      %swap3A_941 = vector.shape_cast %get3A_935 : vector<16xf32> to vector<1x16xf32>
      tpu.vector_store %arg6[%swap3A_937, %swap3A_938], %swap3A_941 {strides = array<i32>} : memref<80x128xf32, #tpu.memory_space<vmem>>, vector<1x16xf32>,
      %get3A_942 = arith.constant 22 : i32
      %get3A_943 = arith.index_cast %get3A_942 : i32 to index
      %get3A_944 = arith.constant 0 : index
      %get3A_945 = tpu.vector_load %arg6[%get3A_943, %get3A_944] {strides = array<i32>} : memref<80x128xf32, #tpu.memory_space<vmem>>, vector<1x16xf32>,
      %get3A_946 = vector.shape_cast %get3A_945 : vector<1x16xf32> to vector<16xf32>
      %swap3A_947 = arith.constant 10 : i32
      %swap3A_948 = arith.index_cast %swap3A_947 : i32 to index
      %swap3A_949 = arith.constant 0 : index
      %swap3A_950 = tpu.vector_load %arg6[%swap3A_948, %swap3A_949] {strides = array<i32>} : memref<80x128xf32, #tpu.memory_space<vmem>>, vector<1x16xf32>,
      %swap3A_951 = vector.shape_cast %swap3A_950 : vector<1x16xf32> to vector<16xf32>
      %swap3A_952 = vector.shape_cast %get3A_946 : vector<16xf32> to vector<1x16xf32>
      tpu.vector_store %arg6[%swap3A_948, %swap3A_949], %swap3A_952 {strides = array<i32>} : memref<80x128xf32, #tpu.memory_space<vmem>>, vector<1x16xf32>,
      %get3A_953 = arith.constant 22 : i32
      %get3A_954 = arith.index_cast %get3A_953 : i32 to index
      %get3A_955 = arith.constant 16 : index
      %get3A_956 = tpu.vector_load %arg6[%get3A_954, %get3A_955] {strides = array<i32>} : memref<80x128xf32, #tpu.memory_space<vmem>>, vector<1x16xf32>,
      %get3A_957 = vector.shape_cast %get3A_956 : vector<1x16xf32> to vector<16xf32>
      %swap3A_958 = arith.constant 10 : i32
      %swap3A_959 = arith.index_cast %swap3A_958 : i32 to index
      %swap3A_960 = arith.constant 16 : index
      %swap3A_961 = tpu.vector_load %arg6[%swap3A_959, %swap3A_960] {strides = array<i32>} : memref<80x128xf32, #tpu.memory_space<vmem>>, vector<1x16xf32>,
      %swap3A_962 = vector.shape_cast %swap3A_961 : vector<1x16xf32> to vector<16xf32>
      %swap3A_963 = vector.shape_cast %get3A_957 : vector<16xf32> to vector<1x16xf32>
      tpu.vector_store %arg6[%swap3A_959, %swap3A_960], %swap3A_963 {strides = array<i32>} : memref<80x128xf32, #tpu.memory_space<vmem>>, vector<1x16xf32>,
      %get3A_964 = arith.constant 22 : i32
      %get3A_965 = arith.index_cast %get3A_964 : i32 to index
      %get3A_966 = arith.constant 32 : index
      %get3A_967 = tpu.vector_load %arg6[%get3A_965, %get3A_966] {strides = array<i32>} : memref<80x128xf32, #tpu.memory_space<vmem>>, vector<1x16xf32>,
      %get3A_968 = vector.shape_cast %get3A_967 : vector<1x16xf32> to vector<16xf32>
      %swap3A_969 = arith.constant 10 : i32
      %swap3A_970 = arith.index_cast %swap3A_969 : i32 to index
      %swap3A_971 = arith.constant 32 : index
      %swap3A_972 = tpu.vector_load %arg6[%swap3A_970, %swap3A_971] {strides = array<i32>} : memref<80x128xf32, #tpu.memory_space<vmem>>, vector<1x16xf32>,
      %swap3A_973 = vector.shape_cast %swap3A_972 : vector<1x16xf32> to vector<16xf32>
      %swap3A_974 = vector.shape_cast %get3A_968 : vector<16xf32> to vector<1x16xf32>
      tpu.vector_store %arg6[%swap3A_970, %swap3A_971], %swap3A_974 {strides = array<i32>} : memref<80x128xf32, #tpu.memory_space<vmem>>, vector<1x16xf32>,
      %get3A_975 = arith.constant 22 : i32
      %get3A_976 = arith.index_cast %get3A_975 : i32 to index
      %get3A_977 = arith.constant 48 : index
      %get3A_978 = tpu.vector_load %arg6[%get3A_976, %get3A_977] {strides = array<i32>} : memref<80x128xf32, #tpu.memory_space<vmem>>, vector<1x16xf32>,
      %get3A_979 = vector.shape_cast %get3A_978 : vector<1x16xf32> to vector<16xf32>
      %swap3A_980 = arith.constant 10 : i32
      %swap3A_981 = arith.index_cast %swap3A_980 : i32 to index
      %swap3A_982 = arith.constant 48 : index
      %swap3A_983 = tpu.vector_load %arg6[%swap3A_981, %swap3A_982] {strides = array<i32>} : memref<80x128xf32, #tpu.memory_space<vmem>>, vector<1x16xf32>,
      %swap3A_984 = vector.shape_cast %swap3A_983 : vector<1x16xf32> to vector<16xf32>
      %swap3A_985 = vector.shape_cast %get3A_979 : vector<16xf32> to vector<1x16xf32>
      tpu.vector_store %arg6[%swap3A_981, %swap3A_982], %swap3A_985 {strides = array<i32>} : memref<80x128xf32, #tpu.memory_space<vmem>>, vector<1x16xf32>,
      %get3A_986 = arith.constant 22 : i32
      %get3A_987 = arith.index_cast %get3A_986 : i32 to index
      %get3A_988 = arith.constant 64 : index
      %get3A_989 = tpu.vector_load %arg6[%get3A_987, %get3A_988] {strides = array<i32>} : memref<80x128xf32, #tpu.memory_space<vmem>>, vector<1x16xf32>,
      %get3A_990 = vector.shape_cast %get3A_989 : vector<1x16xf32> to vector<16xf32>
      %swap3A_991 = arith.constant 10 : i32
      %swap3A_992 = arith.index_cast %swap3A_991 : i32 to index
      %swap3A_993 = arith.constant 64 : index
      %swap3A_994 = tpu.vector_load %arg6[%swap3A_992, %swap3A_993] {strides = array<i32>} : memref<80x128xf32, #tpu.memory_space<vmem>>, vector<1x16xf32>,
      %swap3A_995 = vector.shape_cast %swap3A_994 : vector<1x16xf32> to vector<16xf32>
      %swap3A_996 = vector.shape_cast %get3A_990 : vector<16xf32> to vector<1x16xf32>
      tpu.vector_store %arg6[%swap3A_992, %swap3A_993], %swap3A_996 {strides = array<i32>} : memref<80x128xf32, #tpu.memory_space<vmem>>, vector<1x16xf32>,
      %get3A_997 = arith.constant 22 : i32
      %get3A_998 = arith.index_cast %get3A_997 : i32 to index
      %get3A_999 = arith.constant 80 : index
      %get3A_1000 = tpu.vector_load %arg6[%get3A_998, %get3A_999] {strides = array<i32>} : memref<80x128xf32, #tpu.memory_space<vmem>>, vector<1x16xf32>,
      %get3A_1001 = vector.shape_cast %get3A_1000 : vector<1x16xf32> to vector<16xf32>
      %swap3A_1002 = arith.constant 10 : i32
      %swap3A_1003 = arith.index_cast %swap3A_1002 : i32 to index
      %swap3A_1004 = arith.constant 80 : index
      %swap3A_1005 = tpu.vector_load %arg6[%swap3A_1003, %swap3A_1004] {strides = array<i32>} : memref<80x128xf32, #tpu.memory_space<vmem>>, vector<1x16xf32>,
      %swap3A_1006 = vector.shape_cast %swap3A_1005 : vector<1x16xf32> to vector<16xf32>
      %swap3A_1007 = vector.shape_cast %get3A_1001 : vector<16xf32> to vector<1x16xf32>
      tpu.vector_store %arg6[%swap3A_1003, %swap3A_1004], %swap3A_1007 {strides = array<i32>} : memref<80x128xf32, #tpu.memory_space<vmem>>, vector<1x16xf32>,
      %get3A_1008 = arith.constant 22 : i32
      %get3A_1009 = arith.index_cast %get3A_1008 : i32 to index
      %get3A_1010 = arith.constant 96 : index
      %get3A_1011 = tpu.vector_load %arg6[%get3A_1009, %get3A_1010] {strides = array<i32>} : memref<80x128xf32, #tpu.memory_space<vmem>>, vector<1x16xf32>,
      %get3A_1012 = vector.shape_cast %get3A_1011 : vector<1x16xf32> to vector<16xf32>
      %swap3A_1013 = arith.constant 10 : i32
      %swap3A_1014 = arith.index_cast %swap3A_1013 : i32 to index
      %swap3A_1015 = arith.constant 96 : index
      %swap3A_1016 = tpu.vector_load %arg6[%swap3A_1014, %swap3A_1015] {strides = array<i32>} : memref<80x128xf32, #tpu.memory_space<vmem>>, vector<1x16xf32>,
      %swap3A_1017 = vector.shape_cast %swap3A_1016 : vector<1x16xf32> to vector<16xf32>
      %swap3A_1018 = vector.shape_cast %get3A_1012 : vector<16xf32> to vector<1x16xf32>
      tpu.vector_store %arg6[%swap3A_1014, %swap3A_1015], %swap3A_1018 {strides = array<i32>} : memref<80x128xf32, #tpu.memory_space<vmem>>, vector<1x16xf32>,
      %get3A_1019 = arith.constant 22 : i32
      %get3A_1020 = arith.index_cast %get3A_1019 : i32 to index
      %get3A_1021 = arith.constant 112 : index
      %get3A_1022 = tpu.vector_load %arg6[%get3A_1020, %get3A_1021] {strides = array<i32>} : memref<80x128xf32, #tpu.memory_space<vmem>>, vector<1x16xf32>,
      %get3A_1023 = vector.shape_cast %get3A_1022 : vector<1x16xf32> to vector<16xf32>
      %swap3A_1024 = arith.constant 10 : i32
      %swap3A_1025 = arith.index_cast %swap3A_1024 : i32 to index
      %swap3A_1026 = arith.constant 112 : index
      %swap3A_1027 = tpu.vector_load %arg6[%swap3A_1025, %swap3A_1026] {strides = array<i32>} : memref<80x128xf32, #tpu.memory_space<vmem>>, vector<1x16xf32>,
      %swap3A_1028 = vector.shape_cast %swap3A_1027 : vector<1x16xf32> to vector<16xf32>
      %swap3A_1029 = vector.shape_cast %get3A_1023 : vector<16xf32> to vector<1x16xf32>
      tpu.vector_store %arg6[%swap3A_1025, %swap3A_1026], %swap3A_1029 {strides = array<i32>} : memref<80x128xf32, #tpu.memory_space<vmem>>, vector<1x16xf32>,
      %get3A_1030 = arith.constant 21 : i32
      %get3A_1031 = arith.index_cast %get3A_1030 : i32 to index
      %get3A_1032 = arith.constant 0 : index
      %get3A_1033 = tpu.vector_load %arg6[%get3A_1031, %get3A_1032] {strides = array<i32>} : memref<80x128xf32, #tpu.memory_space<vmem>>, vector<1x16xf32>,
      %get3A_1034 = vector.shape_cast %get3A_1033 : vector<1x16xf32> to vector<16xf32>
      %swap3A_1035 = arith.constant 11 : i32
      %swap3A_1036 = arith.index_cast %swap3A_1035 : i32 to index
      %swap3A_1037 = arith.constant 0 : index
      %swap3A_1038 = tpu.vector_load %arg6[%swap3A_1036, %swap3A_1037] {strides = array<i32>} : memref<80x128xf32, #tpu.memory_space<vmem>>, vector<1x16xf32>,
      %swap3A_1039 = vector.shape_cast %swap3A_1038 : vector<1x16xf32> to vector<16xf32>
      %swap3A_1040 = vector.shape_cast %get3A_1034 : vector<16xf32> to vector<1x16xf32>
      tpu.vector_store %arg6[%swap3A_1036, %swap3A_1037], %swap3A_1040 {strides = array<i32>} : memref<80x128xf32, #tpu.memory_space<vmem>>, vector<1x16xf32>,
      %get3A_1041 = arith.constant 21 : i32
      %get3A_1042 = arith.index_cast %get3A_1041 : i32 to index
      %get3A_1043 = arith.constant 16 : index
      %get3A_1044 = tpu.vector_load %arg6[%get3A_1042, %get3A_1043] {strides = array<i32>} : memref<80x128xf32, #tpu.memory_space<vmem>>, vector<1x16xf32>,
      %get3A_1045 = vector.shape_cast %get3A_1044 : vector<1x16xf32> to vector<16xf32>
      %swap3A_1046 = arith.constant 11 : i32
      %swap3A_1047 = arith.index_cast %swap3A_1046 : i32 to index
      %swap3A_1048 = arith.constant 16 : index
      %swap3A_1049 = tpu.vector_load %arg6[%swap3A_1047, %swap3A_1048] {strides = array<i32>} : memref<80x128xf32, #tpu.memory_space<vmem>>, vector<1x16xf32>,
      %swap3A_1050 = vector.shape_cast %swap3A_1049 : vector<1x16xf32> to vector<16xf32>
      %swap3A_1051 = vector.shape_cast %get3A_1045 : vector<16xf32> to vector<1x16xf32>
      tpu.vector_store %arg6[%swap3A_1047, %swap3A_1048], %swap3A_1051 {strides = array<i32>} : memref<80x128xf32, #tpu.memory_space<vmem>>, vector<1x16xf32>,
      %get3A_1052 = arith.constant 21 : i32
      %get3A_1053 = arith.index_cast %get3A_1052 : i32 to index
      %get3A_1054 = arith.constant 32 : index
      %get3A_1055 = tpu.vector_load %arg6[%get3A_1053, %get3A_1054] {strides = array<i32>} : memref<80x128xf32, #tpu.memory_space<vmem>>, vector<1x16xf32>,
      %get3A_1056 = vector.shape_cast %get3A_1055 : vector<1x16xf32> to vector<16xf32>
      %swap3A_1057 = arith.constant 11 : i32
      %swap3A_1058 = arith.index_cast %swap3A_1057 : i32 to index
      %swap3A_1059 = arith.constant 32 : index
      %swap3A_1060 = tpu.vector_load %arg6[%swap3A_1058, %swap3A_1059] {strides = array<i32>} : memref<80x128xf32, #tpu.memory_space<vmem>>, vector<1x16xf32>,
      %swap3A_1061 = vector.shape_cast %swap3A_1060 : vector<1x16xf32> to vector<16xf32>
      %swap3A_1062 = vector.shape_cast %get3A_1056 : vector<16xf32> to vector<1x16xf32>
      tpu.vector_store %arg6[%swap3A_1058, %swap3A_1059], %swap3A_1062 {strides = array<i32>} : memref<80x128xf32, #tpu.memory_space<vmem>>, vector<1x16xf32>,
      %get3A_1063 = arith.constant 21 : i32
      %get3A_1064 = arith.index_cast %get3A_1063 : i32 to index
      %get3A_1065 = arith.constant 48 : index
      %get3A_1066 = tpu.vector_load %arg6[%get3A_1064, %get3A_1065] {strides = array<i32>} : memref<80x128xf32, #tpu.memory_space<vmem>>, vector<1x16xf32>,
      %get3A_1067 = vector.shape_cast %get3A_1066 : vector<1x16xf32> to vector<16xf32>
      %swap3A_1068 = arith.constant 11 : i32
      %swap3A_1069 = arith.index_cast %swap3A_1068 : i32 to index
      %swap3A_1070 = arith.constant 48 : index
      %swap3A_1071 = tpu.vector_load %arg6[%swap3A_1069, %swap3A_1070] {strides = array<i32>} : memref<80x128xf32, #tpu.memory_space<vmem>>, vector<1x16xf32>,
      %swap3A_1072 = vector.shape_cast %swap3A_1071 : vector<1x16xf32> to vector<16xf32>
      %swap3A_1073 = vector.shape_cast %get3A_1067 : vector<16xf32> to vector<1x16xf32>
      tpu.vector_store %arg6[%swap3A_1069, %swap3A_1070], %swap3A_1073 {strides = array<i32>} : memref<80x128xf32, #tpu.memory_space<vmem>>, vector<1x16xf32>,
      %get3A_1074 = arith.constant 21 : i32
      %get3A_1075 = arith.index_cast %get3A_1074 : i32 to index
      %get3A_1076 = arith.constant 64 : index
      %get3A_1077 = tpu.vector_load %arg6[%get3A_1075, %get3A_1076] {strides = array<i32>} : memref<80x128xf32, #tpu.memory_space<vmem>>, vector<1x16xf32>,
      %get3A_1078 = vector.shape_cast %get3A_1077 : vector<1x16xf32> to vector<16xf32>
      %swap3A_1079 = arith.constant 11 : i32
      %swap3A_1080 = arith.index_cast %swap3A_1079 : i32 to index
      %swap3A_1081 = arith.constant 64 : index
      %swap3A_1082 = tpu.vector_load %arg6[%swap3A_1080, %swap3A_1081] {strides = array<i32>} : memref<80x128xf32, #tpu.memory_space<vmem>>, vector<1x16xf32>,
      %swap3A_1083 = vector.shape_cast %swap3A_1082 : vector<1x16xf32> to vector<16xf32>
      %swap3A_1084 = vector.shape_cast %get3A_1078 : vector<16xf32> to vector<1x16xf32>
      tpu.vector_store %arg6[%swap3A_1080, %swap3A_1081], %swap3A_1084 {strides = array<i32>} : memref<80x128xf32, #tpu.memory_space<vmem>>, vector<1x16xf32>,
      %get3A_1085 = arith.constant 21 : i32
      %get3A_1086 = arith.index_cast %get3A_1085 : i32 to index
      %get3A_1087 = arith.constant 80 : index
      %get3A_1088 = tpu.vector_load %arg6[%get3A_1086, %get3A_1087] {strides = array<i32>} : memref<80x128xf32, #tpu.memory_space<vmem>>, vector<1x16xf32>,
      %get3A_1089 = vector.shape_cast %get3A_1088 : vector<1x16xf32> to vector<16xf32>
      %swap3A_1090 = arith.constant 11 : i32
      %swap3A_1091 = arith.index_cast %swap3A_1090 : i32 to index
      %swap3A_1092 = arith.constant 80 : index
      %swap3A_1093 = tpu.vector_load %arg6[%swap3A_1091, %swap3A_1092] {strides = array<i32>} : memref<80x128xf32, #tpu.memory_space<vmem>>, vector<1x16xf32>,
      %swap3A_1094 = vector.shape_cast %swap3A_1093 : vector<1x16xf32> to vector<16xf32>
      %swap3A_1095 = vector.shape_cast %get3A_1089 : vector<16xf32> to vector<1x16xf32>
      tpu.vector_store %arg6[%swap3A_1091, %swap3A_1092], %swap3A_1095 {strides = array<i32>} : memref<80x128xf32, #tpu.memory_space<vmem>>, vector<1x16xf32>,
      %get3A_1096 = arith.constant 21 : i32
      %get3A_1097 = arith.index_cast %get3A_1096 : i32 to index
      %get3A_1098 = arith.constant 96 : index
      %get3A_1099 = tpu.vector_load %arg6[%get3A_1097, %get3A_1098] {strides = array<i32>} : memref<80x128xf32, #tpu.memory_space<vmem>>, vector<1x16xf32>,
      %get3A_1100 = vector.shape_cast %get3A_1099 : vector<1x16xf32> to vector<16xf32>
      %swap3A_1101 = arith.constant 11 : i32
      %swap3A_1102 = arith.index_cast %swap3A_1101 : i32 to index
      %swap3A_1103 = arith.constant 96 : index
      %swap3A_1104 = tpu.vector_load %arg6[%swap3A_1102, %swap3A_1103] {strides = array<i32>} : memref<80x128xf32, #tpu.memory_space<vmem>>, vector<1x16xf32>,
      %swap3A_1105 = vector.shape_cast %swap3A_1104 : vector<1x16xf32> to vector<16xf32>
      %swap3A_1106 = vector.shape_cast %get3A_1100 : vector<16xf32> to vector<1x16xf32>
      tpu.vector_store %arg6[%swap3A_1102, %swap3A_1103], %swap3A_1106 {strides = array<i32>} : memref<80x128xf32, #tpu.memory_space<vmem>>, vector<1x16xf32>,
      %get3A_1107 = arith.constant 21 : i32
      %get3A_1108 = arith.index_cast %get3A_1107 : i32 to index
      %get3A_1109 = arith.constant 112 : index
      %get3A_1110 = tpu.vector_load %arg6[%get3A_1108, %get3A_1109] {strides = array<i32>} : memref<80x128xf32, #tpu.memory_space<vmem>>, vector<1x16xf32>,
      %get3A_1111 = vector.shape_cast %get3A_1110 : vector<1x16xf32> to vector<16xf32>
      %swap3A_1112 = arith.constant 11 : i32
      %swap3A_1113 = arith.index_cast %swap3A_1112 : i32 to index
      %swap3A_1114 = arith.constant 112 : index
      %swap3A_1115 = tpu.vector_load %arg6[%swap3A_1113, %swap3A_1114] {strides = array<i32>} : memref<80x128xf32, #tpu.memory_space<vmem>>, vector<1x16xf32>,
      %swap3A_1116 = vector.shape_cast %swap3A_1115 : vector<1x16xf32> to vector<16xf32>
      %swap3A_1117 = vector.shape_cast %get3A_1111 : vector<16xf32> to vector<1x16xf32>
      tpu.vector_store %arg6[%swap3A_1113, %swap3A_1114], %swap3A_1117 {strides = array<i32>} : memref<80x128xf32, #tpu.memory_space<vmem>>, vector<1x16xf32>,
      %get3A_1118 = arith.constant 20 : i32
      %get3A_1119 = arith.index_cast %get3A_1118 : i32 to index
      %get3A_1120 = arith.constant 0 : index
      %get3A_1121 = tpu.vector_load %arg6[%get3A_1119, %get3A_1120] {strides = array<i32>} : memref<80x128xf32, #tpu.memory_space<vmem>>, vector<1x16xf32>,
      %get3A_1122 = vector.shape_cast %get3A_1121 : vector<1x16xf32> to vector<16xf32>
      %swap3A_1123 = arith.constant 12 : i32
      %swap3A_1124 = arith.index_cast %swap3A_1123 : i32 to index
      %swap3A_1125 = arith.constant 0 : index
      %swap3A_1126 = tpu.vector_load %arg6[%swap3A_1124, %swap3A_1125] {strides = array<i32>} : memref<80x128xf32, #tpu.memory_space<vmem>>, vector<1x16xf32>,
      %swap3A_1127 = vector.shape_cast %swap3A_1126 : vector<1x16xf32> to vector<16xf32>
      %swap3A_1128 = vector.shape_cast %get3A_1122 : vector<16xf32> to vector<1x16xf32>
      tpu.vector_store %arg6[%swap3A_1124, %swap3A_1125], %swap3A_1128 {strides = array<i32>} : memref<80x128xf32, #tpu.memory_space<vmem>>, vector<1x16xf32>,
      %get3A_1129 = arith.constant 20 : i32
      %get3A_1130 = arith.index_cast %get3A_1129 : i32 to index
      %get3A_1131 = arith.constant 16 : index
      %get3A_1132 = tpu.vector_load %arg6[%get3A_1130, %get3A_1131] {strides = array<i32>} : memref<80x128xf32, #tpu.memory_space<vmem>>, vector<1x16xf32>,
      %get3A_1133 = vector.shape_cast %get3A_1132 : vector<1x16xf32> to vector<16xf32>
      %swap3A_1134 = arith.constant 12 : i32
      %swap3A_1135 = arith.index_cast %swap3A_1134 : i32 to index
      %swap3A_1136 = arith.constant 16 : index
      %swap3A_1137 = tpu.vector_load %arg6[%swap3A_1135, %swap3A_1136] {strides = array<i32>} : memref<80x128xf32, #tpu.memory_space<vmem>>, vector<1x16xf32>,
      %swap3A_1138 = vector.shape_cast %swap3A_1137 : vector<1x16xf32> to vector<16xf32>
      %swap3A_1139 = vector.shape_cast %get3A_1133 : vector<16xf32> to vector<1x16xf32>
      tpu.vector_store %arg6[%swap3A_1135, %swap3A_1136], %swap3A_1139 {strides = array<i32>} : memref<80x128xf32, #tpu.memory_space<vmem>>, vector<1x16xf32>,
      %get3A_1140 = arith.constant 20 : i32
      %get3A_1141 = arith.index_cast %get3A_1140 : i32 to index
      %get3A_1142 = arith.constant 32 : index
      %get3A_1143 = tpu.vector_load %arg6[%get3A_1141, %get3A_1142] {strides = array<i32>} : memref<80x128xf32, #tpu.memory_space<vmem>>, vector<1x16xf32>,
      %get3A_1144 = vector.shape_cast %get3A_1143 : vector<1x16xf32> to vector<16xf32>
      %swap3A_1145 = arith.constant 12 : i32
      %swap3A_1146 = arith.index_cast %swap3A_1145 : i32 to index
      %swap3A_1147 = arith.constant 32 : index
      %swap3A_1148 = tpu.vector_load %arg6[%swap3A_1146, %swap3A_1147] {strides = array<i32>} : memref<80x128xf32, #tpu.memory_space<vmem>>, vector<1x16xf32>,
      %swap3A_1149 = vector.shape_cast %swap3A_1148 : vector<1x16xf32> to vector<16xf32>
      %swap3A_1150 = vector.shape_cast %get3A_1144 : vector<16xf32> to vector<1x16xf32>
      tpu.vector_store %arg6[%swap3A_1146, %swap3A_1147], %swap3A_1150 {strides = array<i32>} : memref<80x128xf32, #tpu.memory_space<vmem>>, vector<1x16xf32>,
      %get3A_1151 = arith.constant 20 : i32
      %get3A_1152 = arith.index_cast %get3A_1151 : i32 to index
      %get3A_1153 = arith.constant 48 : index
      %get3A_1154 = tpu.vector_load %arg6[%get3A_1152, %get3A_1153] {strides = array<i32>} : memref<80x128xf32, #tpu.memory_space<vmem>>, vector<1x16xf32>,
      %get3A_1155 = vector.shape_cast %get3A_1154 : vector<1x16xf32> to vector<16xf32>
      %swap3A_1156 = arith.constant 12 : i32
      %swap3A_1157 = arith.index_cast %swap3A_1156 : i32 to index
      %swap3A_1158 = arith.constant 48 : index
      %swap3A_1159 = tpu.vector_load %arg6[%swap3A_1157, %swap3A_1158] {strides = array<i32>} : memref<80x128xf32, #tpu.memory_space<vmem>>, vector<1x16xf32>,
      %swap3A_1160 = vector.shape_cast %swap3A_1159 : vector<1x16xf32> to vector<16xf32>
      %swap3A_1161 = vector.shape_cast %get3A_1155 : vector<16xf32> to vector<1x16xf32>
      tpu.vector_store %arg6[%swap3A_1157, %swap3A_1158], %swap3A_1161 {strides = array<i32>} : memref<80x128xf32, #tpu.memory_space<vmem>>, vector<1x16xf32>,
      %get3A_1162 = arith.constant 20 : i32
      %get3A_1163 = arith.index_cast %get3A_1162 : i32 to index
      %get3A_1164 = arith.constant 64 : index
      %get3A_1165 = tpu.vector_load %arg6[%get3A_1163, %get3A_1164] {strides = array<i32>} : memref<80x128xf32, #tpu.memory_space<vmem>>, vector<1x16xf32>,
      %get3A_1166 = vector.shape_cast %get3A_1165 : vector<1x16xf32> to vector<16xf32>
      %swap3A_1167 = arith.constant 12 : i32
      %swap3A_1168 = arith.index_cast %swap3A_1167 : i32 to index
      %swap3A_1169 = arith.constant 64 : index
      %swap3A_1170 = tpu.vector_load %arg6[%swap3A_1168, %swap3A_1169] {strides = array<i32>} : memref<80x128xf32, #tpu.memory_space<vmem>>, vector<1x16xf32>,
      %swap3A_1171 = vector.shape_cast %swap3A_1170 : vector<1x16xf32> to vector<16xf32>
      %swap3A_1172 = vector.shape_cast %get3A_1166 : vector<16xf32> to vector<1x16xf32>
      tpu.vector_store %arg6[%swap3A_1168, %swap3A_1169], %swap3A_1172 {strides = array<i32>} : memref<80x128xf32, #tpu.memory_space<vmem>>, vector<1x16xf32>,
      %get3A_1173 = arith.constant 20 : i32
      %get3A_1174 = arith.index_cast %get3A_1173 : i32 to index
      %get3A_1175 = arith.constant 80 : index
      %get3A_1176 = tpu.vector_load %arg6[%get3A_1174, %get3A_1175] {strides = array<i32>} : memref<80x128xf32, #tpu.memory_space<vmem>>, vector<1x16xf32>,
      %get3A_1177 = vector.shape_cast %get3A_1176 : vector<1x16xf32> to vector<16xf32>
      %swap3A_1178 = arith.constant 12 : i32
      %swap3A_1179 = arith.index_cast %swap3A_1178 : i32 to index
      %swap3A_1180 = arith.constant 80 : index
      %swap3A_1181 = tpu.vector_load %arg6[%swap3A_1179, %swap3A_1180] {strides = array<i32>} : memref<80x128xf32, #tpu.memory_space<vmem>>, vector<1x16xf32>,
      %swap3A_1182 = vector.shape_cast %swap3A_1181 : vector<1x16xf32> to vector<16xf32>
      %swap3A_1183 = vector.shape_cast %get3A_1177 : vector<16xf32> to vector<1x16xf32>
      tpu.vector_store %arg6[%swap3A_1179, %swap3A_1180], %swap3A_1183 {strides = array<i32>} : memref<80x128xf32, #tpu.memory_space<vmem>>, vector<1x16xf32>,
      %get3A_1184 = arith.constant 20 : i32
      %get3A_1185 = arith.index_cast %get3A_1184 : i32 to index
      %get3A_1186 = arith.constant 96 : index
      %get3A_1187 = tpu.vector_load %arg6[%get3A_1185, %get3A_1186] {strides = array<i32>} : memref<80x128xf32, #tpu.memory_space<vmem>>, vector<1x16xf32>,
      %get3A_1188 = vector.shape_cast %get3A_1187 : vector<1x16xf32> to vector<16xf32>
      %swap3A_1189 = arith.constant 12 : i32
      %swap3A_1190 = arith.index_cast %swap3A_1189 : i32 to index
      %swap3A_1191 = arith.constant 96 : index
      %swap3A_1192 = tpu.vector_load %arg6[%swap3A_1190, %swap3A_1191] {strides = array<i32>} : memref<80x128xf32, #tpu.memory_space<vmem>>, vector<1x16xf32>,
      %swap3A_1193 = vector.shape_cast %swap3A_1192 : vector<1x16xf32> to vector<16xf32>
      %swap3A_1194 = vector.shape_cast %get3A_1188 : vector<16xf32> to vector<1x16xf32>
      tpu.vector_store %arg6[%swap3A_1190, %swap3A_1191], %swap3A_1194 {strides = array<i32>} : memref<80x128xf32, #tpu.memory_space<vmem>>, vector<1x16xf32>,
      %get3A_1195 = arith.constant 20 : i32
      %get3A_1196 = arith.index_cast %get3A_1195 : i32 to index
      %get3A_1197 = arith.constant 112 : index
      %get3A_1198 = tpu.vector_load %arg6[%get3A_1196, %get3A_1197] {strides = array<i32>} : memref<80x128xf32, #tpu.memory_space<vmem>>, vector<1x16xf32>,
      %get3A_1199 = vector.shape_cast %get3A_1198 : vector<1x16xf32> to vector<16xf32>
      %swap3A_1200 = arith.constant 12 : i32
      %swap3A_1201 = arith.index_cast %swap3A_1200 : i32 to index
      %swap3A_1202 = arith.constant 112 : index
      %swap3A_1203 = tpu.vector_load %arg6[%swap3A_1201, %swap3A_1202] {strides = array<i32>} : memref<80x128xf32, #tpu.memory_space<vmem>>, vector<1x16xf32>,
      %swap3A_1204 = vector.shape_cast %swap3A_1203 : vector<1x16xf32> to vector<16xf32>
      %swap3A_1205 = vector.shape_cast %get3A_1199 : vector<16xf32> to vector<1x16xf32>
      tpu.vector_store %arg6[%swap3A_1201, %swap3A_1202], %swap3A_1205 {strides = array<i32>} : memref<80x128xf32, #tpu.memory_space<vmem>>, vector<1x16xf32>,
      %get3A_1206 = arith.constant 19 : i32
      %get3A_1207 = arith.index_cast %get3A_1206 : i32 to index
      %get3A_1208 = arith.constant 0 : index
      %get3A_1209 = tpu.vector_load %arg6[%get3A_1207, %get3A_1208] {strides = array<i32>} : memref<80x128xf32, #tpu.memory_space<vmem>>, vector<1x16xf32>,
      %get3A_1210 = vector.shape_cast %get3A_1209 : vector<1x16xf32> to vector<16xf32>
      %swap3A_1211 = arith.constant 13 : i32
      %swap3A_1212 = arith.index_cast %swap3A_1211 : i32 to index
      %swap3A_1213 = arith.constant 0 : index
      %swap3A_1214 = tpu.vector_load %arg6[%swap3A_1212, %swap3A_1213] {strides = array<i32>} : memref<80x128xf32, #tpu.memory_space<vmem>>, vector<1x16xf32>,
      %swap3A_1215 = vector.shape_cast %swap3A_1214 : vector<1x16xf32> to vector<16xf32>
      %swap3A_1216 = vector.shape_cast %get3A_1210 : vector<16xf32> to vector<1x16xf32>
      tpu.vector_store %arg6[%swap3A_1212, %swap3A_1213], %swap3A_1216 {strides = array<i32>} : memref<80x128xf32, #tpu.memory_space<vmem>>, vector<1x16xf32>,
      %get3A_1217 = arith.constant 19 : i32
      %get3A_1218 = arith.index_cast %get3A_1217 : i32 to index
      %get3A_1219 = arith.constant 16 : index
      %get3A_1220 = tpu.vector_load %arg6[%get3A_1218, %get3A_1219] {strides = array<i32>} : memref<80x128xf32, #tpu.memory_space<vmem>>, vector<1x16xf32>,
      %get3A_1221 = vector.shape_cast %get3A_1220 : vector<1x16xf32> to vector<16xf32>
      %swap3A_1222 = arith.constant 13 : i32
      %swap3A_1223 = arith.index_cast %swap3A_1222 : i32 to index
      %swap3A_1224 = arith.constant 16 : index
      %swap3A_1225 = tpu.vector_load %arg6[%swap3A_1223, %swap3A_1224] {strides = array<i32>} : memref<80x128xf32, #tpu.memory_space<vmem>>, vector<1x16xf32>,
      %swap3A_1226 = vector.shape_cast %swap3A_1225 : vector<1x16xf32> to vector<16xf32>
      %swap3A_1227 = vector.shape_cast %get3A_1221 : vector<16xf32> to vector<1x16xf32>
      tpu.vector_store %arg6[%swap3A_1223, %swap3A_1224], %swap3A_1227 {strides = array<i32>} : memref<80x128xf32, #tpu.memory_space<vmem>>, vector<1x16xf32>,
      %get3A_1228 = arith.constant 19 : i32
      %get3A_1229 = arith.index_cast %get3A_1228 : i32 to index
      %get3A_1230 = arith.constant 32 : index
      %get3A_1231 = tpu.vector_load %arg6[%get3A_1229, %get3A_1230] {strides = array<i32>} : memref<80x128xf32, #tpu.memory_space<vmem>>, vector<1x16xf32>,
      %get3A_1232 = vector.shape_cast %get3A_1231 : vector<1x16xf32> to vector<16xf32>
      %swap3A_1233 = arith.constant 13 : i32
      %swap3A_1234 = arith.index_cast %swap3A_1233 : i32 to index
      %swap3A_1235 = arith.constant 32 : index
      %swap3A_1236 = tpu.vector_load %arg6[%swap3A_1234, %swap3A_1235] {strides = array<i32>} : memref<80x128xf32, #tpu.memory_space<vmem>>, vector<1x16xf32>,
      %swap3A_1237 = vector.shape_cast %swap3A_1236 : vector<1x16xf32> to vector<16xf32>
      %swap3A_1238 = vector.shape_cast %get3A_1232 : vector<16xf32> to vector<1x16xf32>
      tpu.vector_store %arg6[%swap3A_1234, %swap3A_1235], %swap3A_1238 {strides = array<i32>} : memref<80x128xf32, #tpu.memory_space<vmem>>, vector<1x16xf32>,
      %get3A_1239 = arith.constant 19 : i32
      %get3A_1240 = arith.index_cast %get3A_1239 : i32 to index
      %get3A_1241 = arith.constant 48 : index
      %get3A_1242 = tpu.vector_load %arg6[%get3A_1240, %get3A_1241] {strides = array<i32>} : memref<80x128xf32, #tpu.memory_space<vmem>>, vector<1x16xf32>,
      %get3A_1243 = vector.shape_cast %get3A_1242 : vector<1x16xf32> to vector<16xf32>
      %swap3A_1244 = arith.constant 13 : i32
      %swap3A_1245 = arith.index_cast %swap3A_1244 : i32 to index
      %swap3A_1246 = arith.constant 48 : index
      %swap3A_1247 = tpu.vector_load %arg6[%swap3A_1245, %swap3A_1246] {strides = array<i32>} : memref<80x128xf32, #tpu.memory_space<vmem>>, vector<1x16xf32>,
      %swap3A_1248 = vector.shape_cast %swap3A_1247 : vector<1x16xf32> to vector<16xf32>
      %swap3A_1249 = vector.shape_cast %get3A_1243 : vector<16xf32> to vector<1x16xf32>
      tpu.vector_store %arg6[%swap3A_1245, %swap3A_1246], %swap3A_1249 {strides = array<i32>} : memref<80x128xf32, #tpu.memory_space<vmem>>, vector<1x16xf32>,
      %get3A_1250 = arith.constant 19 : i32
      %get3A_1251 = arith.index_cast %get3A_1250 : i32 to index
      %get3A_1252 = arith.constant 64 : index
      %get3A_1253 = tpu.vector_load %arg6[%get3A_1251, %get3A_1252] {strides = array<i32>} : memref<80x128xf32, #tpu.memory_space<vmem>>, vector<1x16xf32>,
      %get3A_1254 = vector.shape_cast %get3A_1253 : vector<1x16xf32> to vector<16xf32>
      %swap3A_1255 = arith.constant 13 : i32
      %swap3A_1256 = arith.index_cast %swap3A_1255 : i32 to index
      %swap3A_1257 = arith.constant 64 : index
      %swap3A_1258 = tpu.vector_load %arg6[%swap3A_1256, %swap3A_1257] {strides = array<i32>} : memref<80x128xf32, #tpu.memory_space<vmem>>, vector<1x16xf32>,
      %swap3A_1259 = vector.shape_cast %swap3A_1258 : vector<1x16xf32> to vector<16xf32>
      %swap3A_1260 = vector.shape_cast %get3A_1254 : vector<16xf32> to vector<1x16xf32>
      tpu.vector_store %arg6[%swap3A_1256, %swap3A_1257], %swap3A_1260 {strides = array<i32>} : memref<80x128xf32, #tpu.memory_space<vmem>>, vector<1x16xf32>,
      %get3A_1261 = arith.constant 19 : i32
      %get3A_1262 = arith.index_cast %get3A_1261 : i32 to index
      %get3A_1263 = arith.constant 80 : index
      %get3A_1264 = tpu.vector_load %arg6[%get3A_1262, %get3A_1263] {strides = array<i32>} : memref<80x128xf32, #tpu.memory_space<vmem>>, vector<1x16xf32>,
      %get3A_1265 = vector.shape_cast %get3A_1264 : vector<1x16xf32> to vector<16xf32>
      %swap3A_1266 = arith.constant 13 : i32
      %swap3A_1267 = arith.index_cast %swap3A_1266 : i32 to index
      %swap3A_1268 = arith.constant 80 : index
      %swap3A_1269 = tpu.vector_load %arg6[%swap3A_1267, %swap3A_1268] {strides = array<i32>} : memref<80x128xf32, #tpu.memory_space<vmem>>, vector<1x16xf32>,
      %swap3A_1270 = vector.shape_cast %swap3A_1269 : vector<1x16xf32> to vector<16xf32>
      %swap3A_1271 = vector.shape_cast %get3A_1265 : vector<16xf32> to vector<1x16xf32>
      tpu.vector_store %arg6[%swap3A_1267, %swap3A_1268], %swap3A_1271 {strides = array<i32>} : memref<80x128xf32, #tpu.memory_space<vmem>>, vector<1x16xf32>,
      %get3A_1272 = arith.constant 19 : i32
      %get3A_1273 = arith.index_cast %get3A_1272 : i32 to index
      %get3A_1274 = arith.constant 96 : index
      %get3A_1275 = tpu.vector_load %arg6[%get3A_1273, %get3A_1274] {strides = array<i32>} : memref<80x128xf32, #tpu.memory_space<vmem>>, vector<1x16xf32>,
      %get3A_1276 = vector.shape_cast %get3A_1275 : vector<1x16xf32> to vector<16xf32>
      %swap3A_1277 = arith.constant 13 : i32
      %swap3A_1278 = arith.index_cast %swap3A_1277 : i32 to index
      %swap3A_1279 = arith.constant 96 : index
      %swap3A_1280 = tpu.vector_load %arg6[%swap3A_1278, %swap3A_1279] {strides = array<i32>} : memref<80x128xf32, #tpu.memory_space<vmem>>, vector<1x16xf32>,
      %swap3A_1281 = vector.shape_cast %swap3A_1280 : vector<1x16xf32> to vector<16xf32>
      %swap3A_1282 = vector.shape_cast %get3A_1276 : vector<16xf32> to vector<1x16xf32>
      tpu.vector_store %arg6[%swap3A_1278, %swap3A_1279], %swap3A_1282 {strides = array<i32>} : memref<80x128xf32, #tpu.memory_space<vmem>>, vector<1x16xf32>,
      %get3A_1283 = arith.constant 19 : i32
      %get3A_1284 = arith.index_cast %get3A_1283 : i32 to index
      %get3A_1285 = arith.constant 112 : index
      %get3A_1286 = tpu.vector_load %arg6[%get3A_1284, %get3A_1285] {strides = array<i32>} : memref<80x128xf32, #tpu.memory_space<vmem>>, vector<1x16xf32>,
      %get3A_1287 = vector.shape_cast %get3A_1286 : vector<1x16xf32> to vector<16xf32>
      %swap3A_1288 = arith.constant 13 : i32
      %swap3A_1289 = arith.index_cast %swap3A_1288 : i32 to index
      %swap3A_1290 = arith.constant 112 : index
      %swap3A_1291 = tpu.vector_load %arg6[%swap3A_1289, %swap3A_1290] {strides = array<i32>} : memref<80x128xf32, #tpu.memory_space<vmem>>, vector<1x16xf32>,
      %swap3A_1292 = vector.shape_cast %swap3A_1291 : vector<1x16xf32> to vector<16xf32>
      %swap3A_1293 = vector.shape_cast %get3A_1287 : vector<16xf32> to vector<1x16xf32>
      tpu.vector_store %arg6[%swap3A_1289, %swap3A_1290], %swap3A_1293 {strides = array<i32>} : memref<80x128xf32, #tpu.memory_space<vmem>>, vector<1x16xf32>,
      %get3A_1294 = arith.constant 18 : i32
      %get3A_1295 = arith.index_cast %get3A_1294 : i32 to index
      %get3A_1296 = arith.constant 0 : index
      %get3A_1297 = tpu.vector_load %arg6[%get3A_1295, %get3A_1296] {strides = array<i32>} : memref<80x128xf32, #tpu.memory_space<vmem>>, vector<1x16xf32>,
      %get3A_1298 = vector.shape_cast %get3A_1297 : vector<1x16xf32> to vector<16xf32>
      %swap3A_1299 = arith.constant 14 : i32
      %swap3A_1300 = arith.index_cast %swap3A_1299 : i32 to index
      %swap3A_1301 = arith.constant 0 : index
      %swap3A_1302 = tpu.vector_load %arg6[%swap3A_1300, %swap3A_1301] {strides = array<i32>} : memref<80x128xf32, #tpu.memory_space<vmem>>, vector<1x16xf32>,
      %swap3A_1303 = vector.shape_cast %swap3A_1302 : vector<1x16xf32> to vector<16xf32>
      %swap3A_1304 = vector.shape_cast %get3A_1298 : vector<16xf32> to vector<1x16xf32>
      tpu.vector_store %arg6[%swap3A_1300, %swap3A_1301], %swap3A_1304 {strides = array<i32>} : memref<80x128xf32, #tpu.memory_space<vmem>>, vector<1x16xf32>,
      %get3A_1305 = arith.constant 18 : i32
      %get3A_1306 = arith.index_cast %get3A_1305 : i32 to index
      %get3A_1307 = arith.constant 16 : index
      %get3A_1308 = tpu.vector_load %arg6[%get3A_1306, %get3A_1307] {strides = array<i32>} : memref<80x128xf32, #tpu.memory_space<vmem>>, vector<1x16xf32>,
      %get3A_1309 = vector.shape_cast %get3A_1308 : vector<1x16xf32> to vector<16xf32>
      %swap3A_1310 = arith.constant 14 : i32
      %swap3A_1311 = arith.index_cast %swap3A_1310 : i32 to index
      %swap3A_1312 = arith.constant 16 : index
      %swap3A_1313 = tpu.vector_load %arg6[%swap3A_1311, %swap3A_1312] {strides = array<i32>} : memref<80x128xf32, #tpu.memory_space<vmem>>, vector<1x16xf32>,
      %swap3A_1314 = vector.shape_cast %swap3A_1313 : vector<1x16xf32> to vector<16xf32>
      %swap3A_1315 = vector.shape_cast %get3A_1309 : vector<16xf32> to vector<1x16xf32>
      tpu.vector_store %arg6[%swap3A_1311, %swap3A_1312], %swap3A_1315 {strides = array<i32>} : memref<80x128xf32, #tpu.memory_space<vmem>>, vector<1x16xf32>,
      %get3A_1316 = arith.constant 18 : i32
      %get3A_1317 = arith.index_cast %get3A_1316 : i32 to index
      %get3A_1318 = arith.constant 32 : index
      %get3A_1319 = tpu.vector_load %arg6[%get3A_1317, %get3A_1318] {strides = array<i32>} : memref<80x128xf32, #tpu.memory_space<vmem>>, vector<1x16xf32>,
      %get3A_1320 = vector.shape_cast %get3A_1319 : vector<1x16xf32> to vector<16xf32>
      %swap3A_1321 = arith.constant 14 : i32
      %swap3A_1322 = arith.index_cast %swap3A_1321 : i32 to index
      %swap3A_1323 = arith.constant 32 : index
      %swap3A_1324 = tpu.vector_load %arg6[%swap3A_1322, %swap3A_1323] {strides = array<i32>} : memref<80x128xf32, #tpu.memory_space<vmem>>, vector<1x16xf32>,
      %swap3A_1325 = vector.shape_cast %swap3A_1324 : vector<1x16xf32> to vector<16xf32>
      %swap3A_1326 = vector.shape_cast %get3A_1320 : vector<16xf32> to vector<1x16xf32>
      tpu.vector_store %arg6[%swap3A_1322, %swap3A_1323], %swap3A_1326 {strides = array<i32>} : memref<80x128xf32, #tpu.memory_space<vmem>>, vector<1x16xf32>,
      %get3A_1327 = arith.constant 18 : i32
      %get3A_1328 = arith.index_cast %get3A_1327 : i32 to index
      %get3A_1329 = arith.constant 48 : index
      %get3A_1330 = tpu.vector_load %arg6[%get3A_1328, %get3A_1329] {strides = array<i32>} : memref<80x128xf32, #tpu.memory_space<vmem>>, vector<1x16xf32>,
      %get3A_1331 = vector.shape_cast %get3A_1330 : vector<1x16xf32> to vector<16xf32>
      %swap3A_1332 = arith.constant 14 : i32
      %swap3A_1333 = arith.index_cast %swap3A_1332 : i32 to index
      %swap3A_1334 = arith.constant 48 : index
      %swap3A_1335 = tpu.vector_load %arg6[%swap3A_1333, %swap3A_1334] {strides = array<i32>} : memref<80x128xf32, #tpu.memory_space<vmem>>, vector<1x16xf32>,
      %swap3A_1336 = vector.shape_cast %swap3A_1335 : vector<1x16xf32> to vector<16xf32>
      %swap3A_1337 = vector.shape_cast %get3A_1331 : vector<16xf32> to vector<1x16xf32>
      tpu.vector_store %arg6[%swap3A_1333, %swap3A_1334], %swap3A_1337 {strides = array<i32>} : memref<80x128xf32, #tpu.memory_space<vmem>>, vector<1x16xf32>,
      %get3A_1338 = arith.constant 18 : i32
      %get3A_1339 = arith.index_cast %get3A_1338 : i32 to index
      %get3A_1340 = arith.constant 64 : index
      %get3A_1341 = tpu.vector_load %arg6[%get3A_1339, %get3A_1340] {strides = array<i32>} : memref<80x128xf32, #tpu.memory_space<vmem>>, vector<1x16xf32>,
      %get3A_1342 = vector.shape_cast %get3A_1341 : vector<1x16xf32> to vector<16xf32>
      %swap3A_1343 = arith.constant 14 : i32
      %swap3A_1344 = arith.index_cast %swap3A_1343 : i32 to index
      %swap3A_1345 = arith.constant 64 : index
      %swap3A_1346 = tpu.vector_load %arg6[%swap3A_1344, %swap3A_1345] {strides = array<i32>} : memref<80x128xf32, #tpu.memory_space<vmem>>, vector<1x16xf32>,
      %swap3A_1347 = vector.shape_cast %swap3A_1346 : vector<1x16xf32> to vector<16xf32>
      %swap3A_1348 = vector.shape_cast %get3A_1342 : vector<16xf32> to vector<1x16xf32>
      tpu.vector_store %arg6[%swap3A_1344, %swap3A_1345], %swap3A_1348 {strides = array<i32>} : memref<80x128xf32, #tpu.memory_space<vmem>>, vector<1x16xf32>,
      %get3A_1349 = arith.constant 18 : i32
      %get3A_1350 = arith.index_cast %get3A_1349 : i32 to index
      %get3A_1351 = arith.constant 80 : index
      %get3A_1352 = tpu.vector_load %arg6[%get3A_1350, %get3A_1351] {strides = array<i32>} : memref<80x128xf32, #tpu.memory_space<vmem>>, vector<1x16xf32>,
      %get3A_1353 = vector.shape_cast %get3A_1352 : vector<1x16xf32> to vector<16xf32>
      %swap3A_1354 = arith.constant 14 : i32
      %swap3A_1355 = arith.index_cast %swap3A_1354 : i32 to index
      %swap3A_1356 = arith.constant 80 : index
      %swap3A_1357 = tpu.vector_load %arg6[%swap3A_1355, %swap3A_1356] {strides = array<i32>} : memref<80x128xf32, #tpu.memory_space<vmem>>, vector<1x16xf32>,
      %swap3A_1358 = vector.shape_cast %swap3A_1357 : vector<1x16xf32> to vector<16xf32>
      %swap3A_1359 = vector.shape_cast %get3A_1353 : vector<16xf32> to vector<1x16xf32>
      tpu.vector_store %arg6[%swap3A_1355, %swap3A_1356], %swap3A_1359 {strides = array<i32>} : memref<80x128xf32, #tpu.memory_space<vmem>>, vector<1x16xf32>,
      %get3A_1360 = arith.constant 18 : i32
      %get3A_1361 = arith.index_cast %get3A_1360 : i32 to index
      %get3A_1362 = arith.constant 96 : index
      %get3A_1363 = tpu.vector_load %arg6[%get3A_1361, %get3A_1362] {strides = array<i32>} : memref<80x128xf32, #tpu.memory_space<vmem>>, vector<1x16xf32>,
      %get3A_1364 = vector.shape_cast %get3A_1363 : vector<1x16xf32> to vector<16xf32>
      %swap3A_1365 = arith.constant 14 : i32
      %swap3A_1366 = arith.index_cast %swap3A_1365 : i32 to index
      %swap3A_1367 = arith.constant 96 : index
      %swap3A_1368 = tpu.vector_load %arg6[%swap3A_1366, %swap3A_1367] {strides = array<i32>} : memref<80x128xf32, #tpu.memory_space<vmem>>, vector<1x16xf32>,
      %swap3A_1369 = vector.shape_cast %swap3A_1368 : vector<1x16xf32> to vector<16xf32>
      %swap3A_1370 = vector.shape_cast %get3A_1364 : vector<16xf32> to vector<1x16xf32>
      tpu.vector_store %arg6[%swap3A_1366, %swap3A_1367], %swap3A_1370 {strides = array<i32>} : memref<80x128xf32, #tpu.memory_space<vmem>>, vector<1x16xf32>,
      %get3A_1371 = arith.constant 18 : i32
      %get3A_1372 = arith.index_cast %get3A_1371 : i32 to index
      %get3A_1373 = arith.constant 112 : index
      %get3A_1374 = tpu.vector_load %arg6[%get3A_1372, %get3A_1373] {strides = array<i32>} : memref<80x128xf32, #tpu.memory_space<vmem>>, vector<1x16xf32>,
      %get3A_1375 = vector.shape_cast %get3A_1374 : vector<1x16xf32> to vector<16xf32>
      %swap3A_1376 = arith.constant 14 : i32
      %swap3A_1377 = arith.index_cast %swap3A_1376 : i32 to index
      %swap3A_1378 = arith.constant 112 : index
      %swap3A_1379 = tpu.vector_load %arg6[%swap3A_1377, %swap3A_1378] {strides = array<i32>} : memref<80x128xf32, #tpu.memory_space<vmem>>, vector<1x16xf32>,
      %swap3A_1380 = vector.shape_cast %swap3A_1379 : vector<1x16xf32> to vector<16xf32>
      %swap3A_1381 = vector.shape_cast %get3A_1375 : vector<16xf32> to vector<1x16xf32>
      tpu.vector_store %arg6[%swap3A_1377, %swap3A_1378], %swap3A_1381 {strides = array<i32>} : memref<80x128xf32, #tpu.memory_space<vmem>>, vector<1x16xf32>,
      %get3A_1382 = arith.constant 17 : i32
      %get3A_1383 = arith.index_cast %get3A_1382 : i32 to index
      %get3A_1384 = arith.constant 0 : index
      %get3A_1385 = tpu.vector_load %arg6[%get3A_1383, %get3A_1384] {strides = array<i32>} : memref<80x128xf32, #tpu.memory_space<vmem>>, vector<1x16xf32>,
      %get3A_1386 = vector.shape_cast %get3A_1385 : vector<1x16xf32> to vector<16xf32>
      %swap3A_1387 = arith.constant 15 : i32
      %swap3A_1388 = arith.index_cast %swap3A_1387 : i32 to index
      %swap3A_1389 = arith.constant 0 : index
      %swap3A_1390 = tpu.vector_load %arg6[%swap3A_1388, %swap3A_1389] {strides = array<i32>} : memref<80x128xf32, #tpu.memory_space<vmem>>, vector<1x16xf32>,
      %swap3A_1391 = vector.shape_cast %swap3A_1390 : vector<1x16xf32> to vector<16xf32>
      %swap3A_1392 = vector.shape_cast %get3A_1386 : vector<16xf32> to vector<1x16xf32>
      tpu.vector_store %arg6[%swap3A_1388, %swap3A_1389], %swap3A_1392 {strides = array<i32>} : memref<80x128xf32, #tpu.memory_space<vmem>>, vector<1x16xf32>,
      %get3A_1393 = arith.constant 17 : i32
      %get3A_1394 = arith.index_cast %get3A_1393 : i32 to index
      %get3A_1395 = arith.constant 16 : index
      %get3A_1396 = tpu.vector_load %arg6[%get3A_1394, %get3A_1395] {strides = array<i32>} : memref<80x128xf32, #tpu.memory_space<vmem>>, vector<1x16xf32>,
      %get3A_1397 = vector.shape_cast %get3A_1396 : vector<1x16xf32> to vector<16xf32>
      %swap3A_1398 = arith.constant 15 : i32
      %swap3A_1399 = arith.index_cast %swap3A_1398 : i32 to index
      %swap3A_1400 = arith.constant 16 : index
      %swap3A_1401 = tpu.vector_load %arg6[%swap3A_1399, %swap3A_1400] {strides = array<i32>} : memref<80x128xf32, #tpu.memory_space<vmem>>, vector<1x16xf32>,
      %swap3A_1402 = vector.shape_cast %swap3A_1401 : vector<1x16xf32> to vector<16xf32>
      %swap3A_1403 = vector.shape_cast %get3A_1397 : vector<16xf32> to vector<1x16xf32>
      tpu.vector_store %arg6[%swap3A_1399, %swap3A_1400], %swap3A_1403 {strides = array<i32>} : memref<80x128xf32, #tpu.memory_space<vmem>>, vector<1x16xf32>,
      %get3A_1404 = arith.constant 17 : i32
      %get3A_1405 = arith.index_cast %get3A_1404 : i32 to index
      %get3A_1406 = arith.constant 32 : index
      %get3A_1407 = tpu.vector_load %arg6[%get3A_1405, %get3A_1406] {strides = array<i32>} : memref<80x128xf32, #tpu.memory_space<vmem>>, vector<1x16xf32>,
      %get3A_1408 = vector.shape_cast %get3A_1407 : vector<1x16xf32> to vector<16xf32>
      %swap3A_1409 = arith.constant 15 : i32
      %swap3A_1410 = arith.index_cast %swap3A_1409 : i32 to index
      %swap3A_1411 = arith.constant 32 : index
      %swap3A_1412 = tpu.vector_load %arg6[%swap3A_1410, %swap3A_1411] {strides = array<i32>} : memref<80x128xf32, #tpu.memory_space<vmem>>, vector<1x16xf32>,
      %swap3A_1413 = vector.shape_cast %swap3A_1412 : vector<1x16xf32> to vector<16xf32>
      %swap3A_1414 = vector.shape_cast %get3A_1408 : vector<16xf32> to vector<1x16xf32>
      tpu.vector_store %arg6[%swap3A_1410, %swap3A_1411], %swap3A_1414 {strides = array<i32>} : memref<80x128xf32, #tpu.memory_space<vmem>>, vector<1x16xf32>,
      %get3A_1415 = arith.constant 17 : i32
      %get3A_1416 = arith.index_cast %get3A_1415 : i32 to index
      %get3A_1417 = arith.constant 48 : index
      %get3A_1418 = tpu.vector_load %arg6[%get3A_1416, %get3A_1417] {strides = array<i32>} : memref<80x128xf32, #tpu.memory_space<vmem>>, vector<1x16xf32>,
      %get3A_1419 = vector.shape_cast %get3A_1418 : vector<1x16xf32> to vector<16xf32>
      %swap3A_1420 = arith.constant 15 : i32
      %swap3A_1421 = arith.index_cast %swap3A_1420 : i32 to index
      %swap3A_1422 = arith.constant 48 : index
      %swap3A_1423 = tpu.vector_load %arg6[%swap3A_1421, %swap3A_1422] {strides = array<i32>} : memref<80x128xf32, #tpu.memory_space<vmem>>, vector<1x16xf32>,
      %swap3A_1424 = vector.shape_cast %swap3A_1423 : vector<1x16xf32> to vector<16xf32>
      %swap3A_1425 = vector.shape_cast %get3A_1419 : vector<16xf32> to vector<1x16xf32>
      tpu.vector_store %arg6[%swap3A_1421, %swap3A_1422], %swap3A_1425 {strides = array<i32>} : memref<80x128xf32, #tpu.memory_space<vmem>>, vector<1x16xf32>,
      %get3A_1426 = arith.constant 17 : i32
      %get3A_1427 = arith.index_cast %get3A_1426 : i32 to index
      %get3A_1428 = arith.constant 64 : index
      %get3A_1429 = tpu.vector_load %arg6[%get3A_1427, %get3A_1428] {strides = array<i32>} : memref<80x128xf32, #tpu.memory_space<vmem>>, vector<1x16xf32>,
      %get3A_1430 = vector.shape_cast %get3A_1429 : vector<1x16xf32> to vector<16xf32>
      %swap3A_1431 = arith.constant 15 : i32
      %swap3A_1432 = arith.index_cast %swap3A_1431 : i32 to index
      %swap3A_1433 = arith.constant 64 : index
      %swap3A_1434 = tpu.vector_load %arg6[%swap3A_1432, %swap3A_1433] {strides = array<i32>} : memref<80x128xf32, #tpu.memory_space<vmem>>, vector<1x16xf32>,
      %swap3A_1435 = vector.shape_cast %swap3A_1434 : vector<1x16xf32> to vector<16xf32>
      %swap3A_1436 = vector.shape_cast %get3A_1430 : vector<16xf32> to vector<1x16xf32>
      tpu.vector_store %arg6[%swap3A_1432, %swap3A_1433], %swap3A_1436 {strides = array<i32>} : memref<80x128xf32, #tpu.memory_space<vmem>>, vector<1x16xf32>,
      %get3A_1437 = arith.constant 17 : i32
      %get3A_1438 = arith.index_cast %get3A_1437 : i32 to index
      %get3A_1439 = arith.constant 80 : index
      %get3A_1440 = tpu.vector_load %arg6[%get3A_1438, %get3A_1439] {strides = array<i32>} : memref<80x128xf32, #tpu.memory_space<vmem>>, vector<1x16xf32>,
      %get3A_1441 = vector.shape_cast %get3A_1440 : vector<1x16xf32> to vector<16xf32>
      %swap3A_1442 = arith.constant 15 : i32
      %swap3A_1443 = arith.index_cast %swap3A_1442 : i32 to index
      %swap3A_1444 = arith.constant 80 : index
      %swap3A_1445 = tpu.vector_load %arg6[%swap3A_1443, %swap3A_1444] {strides = array<i32>} : memref<80x128xf32, #tpu.memory_space<vmem>>, vector<1x16xf32>,
      %swap3A_1446 = vector.shape_cast %swap3A_1445 : vector<1x16xf32> to vector<16xf32>
      %swap3A_1447 = vector.shape_cast %get3A_1441 : vector<16xf32> to vector<1x16xf32>
      tpu.vector_store %arg6[%swap3A_1443, %swap3A_1444], %swap3A_1447 {strides = array<i32>} : memref<80x128xf32, #tpu.memory_space<vmem>>, vector<1x16xf32>,
      %get3A_1448 = arith.constant 17 : i32
      %get3A_1449 = arith.index_cast %get3A_1448 : i32 to index
      %get3A_1450 = arith.constant 96 : index
      %get3A_1451 = tpu.vector_load %arg6[%get3A_1449, %get3A_1450] {strides = array<i32>} : memref<80x128xf32, #tpu.memory_space<vmem>>, vector<1x16xf32>,
      %get3A_1452 = vector.shape_cast %get3A_1451 : vector<1x16xf32> to vector<16xf32>
      %swap3A_1453 = arith.constant 15 : i32
      %swap3A_1454 = arith.index_cast %swap3A_1453 : i32 to index
      %swap3A_1455 = arith.constant 96 : index
      %swap3A_1456 = tpu.vector_load %arg6[%swap3A_1454, %swap3A_1455] {strides = array<i32>} : memref<80x128xf32, #tpu.memory_space<vmem>>, vector<1x16xf32>,
      %swap3A_1457 = vector.shape_cast %swap3A_1456 : vector<1x16xf32> to vector<16xf32>
      %swap3A_1458 = vector.shape_cast %get3A_1452 : vector<16xf32> to vector<1x16xf32>
      tpu.vector_store %arg6[%swap3A_1454, %swap3A_1455], %swap3A_1458 {strides = array<i32>} : memref<80x128xf32, #tpu.memory_space<vmem>>, vector<1x16xf32>,
      %get3A_1459 = arith.constant 17 : i32
      %get3A_1460 = arith.index_cast %get3A_1459 : i32 to index
      %get3A_1461 = arith.constant 112 : index
      %get3A_1462 = tpu.vector_load %arg6[%get3A_1460, %get3A_1461] {strides = array<i32>} : memref<80x128xf32, #tpu.memory_space<vmem>>, vector<1x16xf32>,
      %get3A_1463 = vector.shape_cast %get3A_1462 : vector<1x16xf32> to vector<16xf32>
      %swap3A_1464 = arith.constant 15 : i32
      %swap3A_1465 = arith.index_cast %swap3A_1464 : i32 to index
      %swap3A_1466 = arith.constant 112 : index
      %swap3A_1467 = tpu.vector_load %arg6[%swap3A_1465, %swap3A_1466] {strides = array<i32>} : memref<80x128xf32, #tpu.memory_space<vmem>>, vector<1x16xf32>,
      %swap3A_1468 = vector.shape_cast %swap3A_1467 : vector<1x16xf32> to vector<16xf32>
      %swap3A_1469 = vector.shape_cast %get3A_1463 : vector<16xf32> to vector<1x16xf32>
      tpu.vector_store %arg6[%swap3A_1465, %swap3A_1466], %swap3A_1469 {strides = array<i32>} : memref<80x128xf32, #tpu.memory_space<vmem>>, vector<1x16xf32>,
    } else {
    }
    %scan3A = arith.constant 0 : i32
    %scan3A_59 = arith.constant 0 : i32
    %scan3A_60 = arith.constant 384 : i32
    %scan3A_61 = arith.addi %scan3A_59, %scan3A_60 : i32
    %scan3A_62 = arith.constant 1 : i32
    scf.for %scan3A_64 = %scan3A_59 to %scan3A_61 step %scan3A_62  : i32 {
      %shift_right_arithmetic3A = arith.constant 3 : i32
      %shift_right_arithmetic3A_65 = arith.shrsi %scan3A_64, %shift_right_arithmetic3A : i32
      %and3A_66 = arith.constant 7 : i32
      %and3A_67 = arith.andi %scan3A_64, %and3A_66 : i32
      %mul3A_68 = arith.constant 16 : i32
      %mul3A_69 = arith.muli %and3A_67, %mul3A_68 : i32
      %get3A = arith.index_cast %shift_right_arithmetic3A_65 : i32 to index
      %get3A_70 = arith.index_cast %mul3A_69 : i32 to index
      %get3A_71 = tpu.vector_load %arg5[%get3A, %get3A_70] {strides = array<i32>} : memref<48x128xf32, #tpu.memory_space<vmem>>, vector<1x16xf32>,
      %get3A_72 = vector.shape_cast %get3A_71 : vector<1x16xf32> to vector<16xf32>
      %get3A_73 = arith.index_cast %shift_right_arithmetic3A_65 : i32 to index
      %get3A_74 = arith.index_cast %mul3A_69 : i32 to index
      %get3A_75 = tpu.vector_load %arg6[%get3A_73, %get3A_74] {strides = array<i32>} : memref<80x128xf32, #tpu.memory_space<vmem>>, vector<1x16xf32>,
      %get3A_76 = vector.shape_cast %get3A_75 : vector<1x16xf32> to vector<16xf32>
      %sub3A_77 = arith.subf %get3A_72, %get3A_76 : vector<16xf32>
      %abs3A = math.absf %sub3A_77 : vector<16xf32>
      %mul3A_78 = arith.mulf %sub3A_77, %sub3A_77 : vector<16xf32>
      %add3A_79 = arith.addf %abs3A, %mul3A_78 : vector<16xf32>
      %add3A_80 = arith.constant 1 : i32
      %add3A_81 = arith.addi %shift_right_arithmetic3A_65, %add3A_80 : i32
      %get3A_82 = arith.index_cast %add3A_81 : i32 to index
      %get3A_83 = arith.index_cast %mul3A_69 : i32 to index
      %get3A_84 = tpu.vector_load %arg6[%get3A_82, %get3A_83] {strides = array<i32>} : memref<80x128xf32, #tpu.memory_space<vmem>>, vector<1x16xf32>,
      %get3A_85 = vector.shape_cast %get3A_84 : vector<1x16xf32> to vector<16xf32>
      %sub3A_86 = arith.subf %get3A_72, %get3A_85 : vector<16xf32>
      %abs3A_87 = math.absf %sub3A_86 : vector<16xf32>
      %mul3A_88 = arith.mulf %sub3A_86, %sub3A_86 : vector<16xf32>
      %add3A_89 = arith.addf %abs3A_87, %mul3A_88 : vector<16xf32>
      %min3A = arith.minimumf %add3A_79, %add3A_89 : vector<16xf32>
      %add3A_90 = arith.constant 2 : i32
      %add3A_91 = arith.addi %shift_right_arithmetic3A_65, %add3A_90 : i32
      %get3A_92 = arith.index_cast %add3A_91 : i32 to index
      %get3A_93 = arith.index_cast %mul3A_69 : i32 to index
      %get3A_94 = tpu.vector_load %arg6[%get3A_92, %get3A_93] {strides = array<i32>} : memref<80x128xf32, #tpu.memory_space<vmem>>, vector<1x16xf32>,
      %get3A_95 = vector.shape_cast %get3A_94 : vector<1x16xf32> to vector<16xf32>
      %sub3A_96 = arith.subf %get3A_72, %get3A_95 : vector<16xf32>
      %abs3A_97 = math.absf %sub3A_96 : vector<16xf32>
      %mul3A_98 = arith.mulf %sub3A_96, %sub3A_96 : vector<16xf32>
      %add3A_99 = arith.addf %abs3A_97, %mul3A_98 : vector<16xf32>
      %min3A_100 = arith.minimumf %min3A, %add3A_99 : vector<16xf32>
      %add3A_101 = arith.constant 3 : i32
      %add3A_102 = arith.addi %shift_right_arithmetic3A_65, %add3A_101 : i32
      %get3A_103 = arith.index_cast %add3A_102 : i32 to index
      %get3A_104 = arith.index_cast %mul3A_69 : i32 to index
      %get3A_105 = tpu.vector_load %arg6[%get3A_103, %get3A_104] {strides = array<i32>} : memref<80x128xf32, #tpu.memory_space<vmem>>, vector<1x16xf32>,
      %get3A_106 = vector.shape_cast %get3A_105 : vector<1x16xf32> to vector<16xf32>
      %sub3A_107 = arith.subf %get3A_72, %get3A_106 : vector<16xf32>
      %abs3A_108 = math.absf %sub3A_107 : vector<16xf32>
      %mul3A_109 = arith.mulf %sub3A_107, %sub3A_107 : vector<16xf32>
      %add3A_110 = arith.addf %abs3A_108, %mul3A_109 : vector<16xf32>
      %min3A_111 = arith.minimumf %min3A_100, %add3A_110 : vector<16xf32>
      %add3A_112 = arith.constant 4 : i32
      %add3A_113 = arith.addi %shift_right_arithmetic3A_65, %add3A_112 : i32
      %get3A_114 = arith.index_cast %add3A_113 : i32 to index
      %get3A_115 = arith.index_cast %mul3A_69 : i32 to index
      %get3A_116 = tpu.vector_load %arg6[%get3A_114, %get3A_115] {strides = array<i32>} : memref<80x128xf32, #tpu.memory_space<vmem>>, vector<1x16xf32>,
      %get3A_117 = vector.shape_cast %get3A_116 : vector<1x16xf32> to vector<16xf32>
      %sub3A_118 = arith.subf %get3A_72, %get3A_117 : vector<16xf32>
      %abs3A_119 = math.absf %sub3A_118 : vector<16xf32>
      %mul3A_120 = arith.mulf %sub3A_118, %sub3A_118 : vector<16xf32>
      %add3A_121 = arith.addf %abs3A_119, %mul3A_120 : vector<16xf32>
      %min3A_122 = arith.minimumf %min3A_111, %add3A_121 : vector<16xf32>
      %add3A_123 = arith.constant 5 : i32
      %add3A_124 = arith.addi %shift_right_arithmetic3A_65, %add3A_123 : i32
      %get3A_125 = arith.index_cast %add3A_124 : i32 to index
      %get3A_126 = arith.index_cast %mul3A_69 : i32 to index
      %get3A_127 = tpu.vector_load %arg6[%get3A_125, %get3A_126] {strides = array<i32>} : memref<80x128xf32, #tpu.memory_space<vmem>>, vector<1x16xf32>,
      %get3A_128 = vector.shape_cast %get3A_127 : vector<1x16xf32> to vector<16xf32>
      %sub3A_129 = arith.subf %get3A_72, %get3A_128 : vector<16xf32>
      %abs3A_130 = math.absf %sub3A_129 : vector<16xf32>
      %mul3A_131 = arith.mulf %sub3A_129, %sub3A_129 : vector<16xf32>
      %add3A_132 = arith.addf %abs3A_130, %mul3A_131 : vector<16xf32>
      %min3A_133 = arith.minimumf %min3A_122, %add3A_132 : vector<16xf32>
      %add3A_134 = arith.constant 6 : i32
      %add3A_135 = arith.addi %shift_right_arithmetic3A_65, %add3A_134 : i32
      %get3A_136 = arith.index_cast %add3A_135 : i32 to index
      %get3A_137 = arith.index_cast %mul3A_69 : i32 to index
      %get3A_138 = tpu.vector_load %arg6[%get3A_136, %get3A_137] {strides = array<i32>} : memref<80x128xf32, #tpu.memory_space<vmem>>, vector<1x16xf32>,
      %get3A_139 = vector.shape_cast %get3A_138 : vector<1x16xf32> to vector<16xf32>
      %sub3A_140 = arith.subf %get3A_72, %get3A_139 : vector<16xf32>
      %abs3A_141 = math.absf %sub3A_140 : vector<16xf32>
      %mul3A_142 = arith.mulf %sub3A_140, %sub3A_140 : vector<16xf32>
      %add3A_143 = arith.addf %abs3A_141, %mul3A_142 : vector<16xf32>
      %min3A_144 = arith.minimumf %min3A_133, %add3A_143 : vector<16xf32>
      %add3A_145 = arith.constant 7 : i32
      %add3A_146 = arith.addi %shift_right_arithmetic3A_65, %add3A_145 : i32
      %get3A_147 = arith.index_cast %add3A_146 : i32 to index
      %get3A_148 = arith.index_cast %mul3A_69 : i32 to index
      %get3A_149 = tpu.vector_load %arg6[%get3A_147, %get3A_148] {strides = array<i32>} : memref<80x128xf32, #tpu.memory_space<vmem>>, vector<1x16xf32>,
      %get3A_150 = vector.shape_cast %get3A_149 : vector<1x16xf32> to vector<16xf32>
      %sub3A_151 = arith.subf %get3A_72, %get3A_150 : vector<16xf32>
      %abs3A_152 = math.absf %sub3A_151 : vector<16xf32>
      %mul3A_153 = arith.mulf %sub3A_151, %sub3A_151 : vector<16xf32>
      %add3A_154 = arith.addf %abs3A_152, %mul3A_153 : vector<16xf32>
      %min3A_155 = arith.minimumf %min3A_144, %add3A_154 : vector<16xf32>
      %add3A_156 = arith.constant 8 : i32
      %add3A_157 = arith.addi %shift_right_arithmetic3A_65, %add3A_156 : i32
      %get3A_158 = arith.index_cast %add3A_157 : i32 to index
      %get3A_159 = arith.index_cast %mul3A_69 : i32 to index
      %get3A_160 = tpu.vector_load %arg6[%get3A_158, %get3A_159] {strides = array<i32>} : memref<80x128xf32, #tpu.memory_space<vmem>>, vector<1x16xf32>,
      %get3A_161 = vector.shape_cast %get3A_160 : vector<1x16xf32> to vector<16xf32>
      %sub3A_162 = arith.subf %get3A_72, %get3A_161 : vector<16xf32>
      %abs3A_163 = math.absf %sub3A_162 : vector<16xf32>
      %mul3A_164 = arith.mulf %sub3A_162, %sub3A_162 : vector<16xf32>
      %add3A_165 = arith.addf %abs3A_163, %mul3A_164 : vector<16xf32>
      %min3A_166 = arith.minimumf %min3A_155, %add3A_165 : vector<16xf32>
      %add3A_167 = arith.constant 9 : i32
      %add3A_168 = arith.addi %shift_right_arithmetic3A_65, %add3A_167 : i32
      %get3A_169 = arith.index_cast %add3A_168 : i32 to index
      %get3A_170 = arith.index_cast %mul3A_69 : i32 to index
      %get3A_171 = tpu.vector_load %arg6[%get3A_169, %get3A_170] {strides = array<i32>} : memref<80x128xf32, #tpu.memory_space<vmem>>, vector<1x16xf32>,
      %get3A_172 = vector.shape_cast %get3A_171 : vector<1x16xf32> to vector<16xf32>
      %sub3A_173 = arith.subf %get3A_72, %get3A_172 : vector<16xf32>
      %abs3A_174 = math.absf %sub3A_173 : vector<16xf32>
      %mul3A_175 = arith.mulf %sub3A_173, %sub3A_173 : vector<16xf32>
      %add3A_176 = arith.addf %abs3A_174, %mul3A_175 : vector<16xf32>
      %min3A_177 = arith.minimumf %min3A_166, %add3A_176 : vector<16xf32>
      %add3A_178 = arith.constant 10 : i32
      %add3A_179 = arith.addi %shift_right_arithmetic3A_65, %add3A_178 : i32
      %get3A_180 = arith.index_cast %add3A_179 : i32 to index
      %get3A_181 = arith.index_cast %mul3A_69 : i32 to index
      %get3A_182 = tpu.vector_load %arg6[%get3A_180, %get3A_181] {strides = array<i32>} : memref<80x128xf32, #tpu.memory_space<vmem>>, vector<1x16xf32>,
      %get3A_183 = vector.shape_cast %get3A_182 : vector<1x16xf32> to vector<16xf32>
      %sub3A_184 = arith.subf %get3A_72, %get3A_183 : vector<16xf32>
      %abs3A_185 = math.absf %sub3A_184 : vector<16xf32>
      %mul3A_186 = arith.mulf %sub3A_184, %sub3A_184 : vector<16xf32>
      %add3A_187 = arith.addf %abs3A_185, %mul3A_186 : vector<16xf32>
      %min3A_188 = arith.minimumf %min3A_177, %add3A_187 : vector<16xf32>
      %add3A_189 = arith.constant 11 : i32
      %add3A_190 = arith.addi %shift_right_arithmetic3A_65, %add3A_189 : i32
      %get3A_191 = arith.index_cast %add3A_190 : i32 to index
      %get3A_192 = arith.index_cast %mul3A_69 : i32 to index
      %get3A_193 = tpu.vector_load %arg6[%get3A_191, %get3A_192] {strides = array<i32>} : memref<80x128xf32, #tpu.memory_space<vmem>>, vector<1x16xf32>,
      %get3A_194 = vector.shape_cast %get3A_193 : vector<1x16xf32> to vector<16xf32>
      %sub3A_195 = arith.subf %get3A_72, %get3A_194 : vector<16xf32>
      %abs3A_196 = math.absf %sub3A_195 : vector<16xf32>
      %mul3A_197 = arith.mulf %sub3A_195, %sub3A_195 : vector<16xf32>
      %add3A_198 = arith.addf %abs3A_196, %mul3A_197 : vector<16xf32>
      %min3A_199 = arith.minimumf %min3A_188, %add3A_198 : vector<16xf32>
      %add3A_200 = arith.constant 12 : i32
      %add3A_201 = arith.addi %shift_right_arithmetic3A_65, %add3A_200 : i32
      %get3A_202 = arith.index_cast %add3A_201 : i32 to index
      %get3A_203 = arith.index_cast %mul3A_69 : i32 to index
      %get3A_204 = tpu.vector_load %arg6[%get3A_202, %get3A_203] {strides = array<i32>} : memref<80x128xf32, #tpu.memory_space<vmem>>, vector<1x16xf32>,
      %get3A_205 = vector.shape_cast %get3A_204 : vector<1x16xf32> to vector<16xf32>
      %sub3A_206 = arith.subf %get3A_72, %get3A_205 : vector<16xf32>
      %abs3A_207 = math.absf %sub3A_206 : vector<16xf32>
      %mul3A_208 = arith.mulf %sub3A_206, %sub3A_206 : vector<16xf32>
      %add3A_209 = arith.addf %abs3A_207, %mul3A_208 : vector<16xf32>
      %min3A_210 = arith.minimumf %min3A_199, %add3A_209 : vector<16xf32>
      %add3A_211 = arith.constant 13 : i32
      %add3A_212 = arith.addi %shift_right_arithmetic3A_65, %add3A_211 : i32
      %get3A_213 = arith.index_cast %add3A_212 : i32 to index
      %get3A_214 = arith.index_cast %mul3A_69 : i32 to index
      %get3A_215 = tpu.vector_load %arg6[%get3A_213, %get3A_214] {strides = array<i32>} : memref<80x128xf32, #tpu.memory_space<vmem>>, vector<1x16xf32>,
      %get3A_216 = vector.shape_cast %get3A_215 : vector<1x16xf32> to vector<16xf32>
      %sub3A_217 = arith.subf %get3A_72, %get3A_216 : vector<16xf32>
      %abs3A_218 = math.absf %sub3A_217 : vector<16xf32>
      %mul3A_219 = arith.mulf %sub3A_217, %sub3A_217 : vector<16xf32>
      %add3A_220 = arith.addf %abs3A_218, %mul3A_219 : vector<16xf32>
      %min3A_221 = arith.minimumf %min3A_210, %add3A_220 : vector<16xf32>
      %add3A_222 = arith.constant 14 : i32
      %add3A_223 = arith.addi %shift_right_arithmetic3A_65, %add3A_222 : i32
      %get3A_224 = arith.index_cast %add3A_223 : i32 to index
      %get3A_225 = arith.index_cast %mul3A_69 : i32 to index
      %get3A_226 = tpu.vector_load %arg6[%get3A_224, %get3A_225] {strides = array<i32>} : memref<80x128xf32, #tpu.memory_space<vmem>>, vector<1x16xf32>,
      %get3A_227 = vector.shape_cast %get3A_226 : vector<1x16xf32> to vector<16xf32>
      %sub3A_228 = arith.subf %get3A_72, %get3A_227 : vector<16xf32>
      %abs3A_229 = math.absf %sub3A_228 : vector<16xf32>
      %mul3A_230 = arith.mulf %sub3A_228, %sub3A_228 : vector<16xf32>
      %add3A_231 = arith.addf %abs3A_229, %mul3A_230 : vector<16xf32>
      %min3A_232 = arith.minimumf %min3A_221, %add3A_231 : vector<16xf32>
      %add3A_233 = arith.constant 15 : i32
      %add3A_234 = arith.addi %shift_right_arithmetic3A_65, %add3A_233 : i32
      %get3A_235 = arith.index_cast %add3A_234 : i32 to index
      %get3A_236 = arith.index_cast %mul3A_69 : i32 to index
      %get3A_237 = tpu.vector_load %arg6[%get3A_235, %get3A_236] {strides = array<i32>} : memref<80x128xf32, #tpu.memory_space<vmem>>, vector<1x16xf32>,
      %get3A_238 = vector.shape_cast %get3A_237 : vector<1x16xf32> to vector<16xf32>
      %sub3A_239 = arith.subf %get3A_72, %get3A_238 : vector<16xf32>
      %abs3A_240 = math.absf %sub3A_239 : vector<16xf32>
      %mul3A_241 = arith.mulf %sub3A_239, %sub3A_239 : vector<16xf32>
      %add3A_242 = arith.addf %abs3A_240, %mul3A_241 : vector<16xf32>
      %min3A_243 = arith.minimumf %min3A_232, %add3A_242 : vector<16xf32>
      %add3A_244 = arith.constant 16 : i32
      %add3A_245 = arith.addi %shift_right_arithmetic3A_65, %add3A_244 : i32
      %get3A_246 = arith.index_cast %add3A_245 : i32 to index
      %get3A_247 = arith.index_cast %mul3A_69 : i32 to index
      %get3A_248 = tpu.vector_load %arg6[%get3A_246, %get3A_247] {strides = array<i32>} : memref<80x128xf32, #tpu.memory_space<vmem>>, vector<1x16xf32>,
      %get3A_249 = vector.shape_cast %get3A_248 : vector<1x16xf32> to vector<16xf32>
      %sub3A_250 = arith.subf %get3A_72, %get3A_249 : vector<16xf32>
      %abs3A_251 = math.absf %sub3A_250 : vector<16xf32>
      %mul3A_252 = arith.mulf %sub3A_250, %sub3A_250 : vector<16xf32>
      %add3A_253 = arith.addf %abs3A_251, %mul3A_252 : vector<16xf32>
      %min3A_254 = arith.minimumf %min3A_243, %add3A_253 : vector<16xf32>
      %add3A_255 = arith.constant 17 : i32
      %add3A_256 = arith.addi %shift_right_arithmetic3A_65, %add3A_255 : i32
      %get3A_257 = arith.index_cast %add3A_256 : i32 to index
      %get3A_258 = arith.index_cast %mul3A_69 : i32 to index
      %get3A_259 = tpu.vector_load %arg6[%get3A_257, %get3A_258] {strides = array<i32>} : memref<80x128xf32, #tpu.memory_space<vmem>>, vector<1x16xf32>,
      %get3A_260 = vector.shape_cast %get3A_259 : vector<1x16xf32> to vector<16xf32>
      %sub3A_261 = arith.subf %get3A_72, %get3A_260 : vector<16xf32>
      %abs3A_262 = math.absf %sub3A_261 : vector<16xf32>
      %mul3A_263 = arith.mulf %sub3A_261, %sub3A_261 : vector<16xf32>
      %add3A_264 = arith.addf %abs3A_262, %mul3A_263 : vector<16xf32>
      %min3A_265 = arith.minimumf %min3A_254, %add3A_264 : vector<16xf32>
      %add3A_266 = arith.constant 18 : i32
      %add3A_267 = arith.addi %shift_right_arithmetic3A_65, %add3A_266 : i32
      %get3A_268 = arith.index_cast %add3A_267 : i32 to index
      %get3A_269 = arith.index_cast %mul3A_69 : i32 to index
      %get3A_270 = tpu.vector_load %arg6[%get3A_268, %get3A_269] {strides = array<i32>} : memref<80x128xf32, #tpu.memory_space<vmem>>, vector<1x16xf32>,
      %get3A_271 = vector.shape_cast %get3A_270 : vector<1x16xf32> to vector<16xf32>
      %sub3A_272 = arith.subf %get3A_72, %get3A_271 : vector<16xf32>
      %abs3A_273 = math.absf %sub3A_272 : vector<16xf32>
      %mul3A_274 = arith.mulf %sub3A_272, %sub3A_272 : vector<16xf32>
      %add3A_275 = arith.addf %abs3A_273, %mul3A_274 : vector<16xf32>
      %min3A_276 = arith.minimumf %min3A_265, %add3A_275 : vector<16xf32>
      %add3A_277 = arith.constant 19 : i32
      %add3A_278 = arith.addi %shift_right_arithmetic3A_65, %add3A_277 : i32
      %get3A_279 = arith.index_cast %add3A_278 : i32 to index
      %get3A_280 = arith.index_cast %mul3A_69 : i32 to index
      %get3A_281 = tpu.vector_load %arg6[%get3A_279, %get3A_280] {strides = array<i32>} : memref<80x128xf32, #tpu.memory_space<vmem>>, vector<1x16xf32>,
      %get3A_282 = vector.shape_cast %get3A_281 : vector<1x16xf32> to vector<16xf32>
      %sub3A_283 = arith.subf %get3A_72, %get3A_282 : vector<16xf32>
      %abs3A_284 = math.absf %sub3A_283 : vector<16xf32>
      %mul3A_285 = arith.mulf %sub3A_283, %sub3A_283 : vector<16xf32>
      %add3A_286 = arith.addf %abs3A_284, %mul3A_285 : vector<16xf32>
      %min3A_287 = arith.minimumf %min3A_276, %add3A_286 : vector<16xf32>
      %add3A_288 = arith.constant 20 : i32
      %add3A_289 = arith.addi %shift_right_arithmetic3A_65, %add3A_288 : i32
      %get3A_290 = arith.index_cast %add3A_289 : i32 to index
      %get3A_291 = arith.index_cast %mul3A_69 : i32 to index
      %get3A_292 = tpu.vector_load %arg6[%get3A_290, %get3A_291] {strides = array<i32>} : memref<80x128xf32, #tpu.memory_space<vmem>>, vector<1x16xf32>,
      %get3A_293 = vector.shape_cast %get3A_292 : vector<1x16xf32> to vector<16xf32>
      %sub3A_294 = arith.subf %get3A_72, %get3A_293 : vector<16xf32>
      %abs3A_295 = math.absf %sub3A_294 : vector<16xf32>
      %mul3A_296 = arith.mulf %sub3A_294, %sub3A_294 : vector<16xf32>
      %add3A_297 = arith.addf %abs3A_295, %mul3A_296 : vector<16xf32>
      %min3A_298 = arith.minimumf %min3A_287, %add3A_297 : vector<16xf32>
      %add3A_299 = arith.constant 21 : i32
      %add3A_300 = arith.addi %shift_right_arithmetic3A_65, %add3A_299 : i32
      %get3A_301 = arith.index_cast %add3A_300 : i32 to index
      %get3A_302 = arith.index_cast %mul3A_69 : i32 to index
      %get3A_303 = tpu.vector_load %arg6[%get3A_301, %get3A_302] {strides = array<i32>} : memref<80x128xf32, #tpu.memory_space<vmem>>, vector<1x16xf32>,
      %get3A_304 = vector.shape_cast %get3A_303 : vector<1x16xf32> to vector<16xf32>
      %sub3A_305 = arith.subf %get3A_72, %get3A_304 : vector<16xf32>
      %abs3A_306 = math.absf %sub3A_305 : vector<16xf32>
      %mul3A_307 = arith.mulf %sub3A_305, %sub3A_305 : vector<16xf32>
      %add3A_308 = arith.addf %abs3A_306, %mul3A_307 : vector<16xf32>
      %min3A_309 = arith.minimumf %min3A_298, %add3A_308 : vector<16xf32>
      %add3A_310 = arith.constant 22 : i32
      %add3A_311 = arith.addi %shift_right_arithmetic3A_65, %add3A_310 : i32
      %get3A_312 = arith.index_cast %add3A_311 : i32 to index
      %get3A_313 = arith.index_cast %mul3A_69 : i32 to index
      %get3A_314 = tpu.vector_load %arg6[%get3A_312, %get3A_313] {strides = array<i32>} : memref<80x128xf32, #tpu.memory_space<vmem>>, vector<1x16xf32>,
      %get3A_315 = vector.shape_cast %get3A_314 : vector<1x16xf32> to vector<16xf32>
      %sub3A_316 = arith.subf %get3A_72, %get3A_315 : vector<16xf32>
      %abs3A_317 = math.absf %sub3A_316 : vector<16xf32>
      %mul3A_318 = arith.mulf %sub3A_316, %sub3A_316 : vector<16xf32>
      %add3A_319 = arith.addf %abs3A_317, %mul3A_318 : vector<16xf32>
      %min3A_320 = arith.minimumf %min3A_309, %add3A_319 : vector<16xf32>
      %add3A_321 = arith.constant 23 : i32
      %add3A_322 = arith.addi %shift_right_arithmetic3A_65, %add3A_321 : i32
      %get3A_323 = arith.index_cast %add3A_322 : i32 to index
      %get3A_324 = arith.index_cast %mul3A_69 : i32 to index
      %get3A_325 = tpu.vector_load %arg6[%get3A_323, %get3A_324] {strides = array<i32>} : memref<80x128xf32, #tpu.memory_space<vmem>>, vector<1x16xf32>,
      %get3A_326 = vector.shape_cast %get3A_325 : vector<1x16xf32> to vector<16xf32>
      %sub3A_327 = arith.subf %get3A_72, %get3A_326 : vector<16xf32>
      %abs3A_328 = math.absf %sub3A_327 : vector<16xf32>
      %mul3A_329 = arith.mulf %sub3A_327, %sub3A_327 : vector<16xf32>
      %add3A_330 = arith.addf %abs3A_328, %mul3A_329 : vector<16xf32>
      %min3A_331 = arith.minimumf %min3A_320, %add3A_330 : vector<16xf32>
      %add3A_332 = arith.constant 24 : i32
      %add3A_333 = arith.addi %shift_right_arithmetic3A_65, %add3A_332 : i32
      %get3A_334 = arith.index_cast %add3A_333 : i32 to index
      %get3A_335 = arith.index_cast %mul3A_69 : i32 to index
      %get3A_336 = tpu.vector_load %arg6[%get3A_334, %get3A_335] {strides = array<i32>} : memref<80x128xf32, #tpu.memory_space<vmem>>, vector<1x16xf32>,
      %get3A_337 = vector.shape_cast %get3A_336 : vector<1x16xf32> to vector<16xf32>
      %sub3A_338 = arith.subf %get3A_72, %get3A_337 : vector<16xf32>
      %abs3A_339 = math.absf %sub3A_338 : vector<16xf32>
      %mul3A_340 = arith.mulf %sub3A_338, %sub3A_338 : vector<16xf32>
      %add3A_341 = arith.addf %abs3A_339, %mul3A_340 : vector<16xf32>
      %min3A_342 = arith.minimumf %min3A_331, %add3A_341 : vector<16xf32>
      %add3A_343 = arith.constant 25 : i32
      %add3A_344 = arith.addi %shift_right_arithmetic3A_65, %add3A_343 : i32
      %get3A_345 = arith.index_cast %add3A_344 : i32 to index
      %get3A_346 = arith.index_cast %mul3A_69 : i32 to index
      %get3A_347 = tpu.vector_load %arg6[%get3A_345, %get3A_346] {strides = array<i32>} : memref<80x128xf32, #tpu.memory_space<vmem>>, vector<1x16xf32>,
      %get3A_348 = vector.shape_cast %get3A_347 : vector<1x16xf32> to vector<16xf32>
      %sub3A_349 = arith.subf %get3A_72, %get3A_348 : vector<16xf32>
      %abs3A_350 = math.absf %sub3A_349 : vector<16xf32>
      %mul3A_351 = arith.mulf %sub3A_349, %sub3A_349 : vector<16xf32>
      %add3A_352 = arith.addf %abs3A_350, %mul3A_351 : vector<16xf32>
      %min3A_353 = arith.minimumf %min3A_342, %add3A_352 : vector<16xf32>
      %add3A_354 = arith.constant 26 : i32
      %add3A_355 = arith.addi %shift_right_arithmetic3A_65, %add3A_354 : i32
      %get3A_356 = arith.index_cast %add3A_355 : i32 to index
      %get3A_357 = arith.index_cast %mul3A_69 : i32 to index
      %get3A_358 = tpu.vector_load %arg6[%get3A_356, %get3A_357] {strides = array<i32>} : memref<80x128xf32, #tpu.memory_space<vmem>>, vector<1x16xf32>,
      %get3A_359 = vector.shape_cast %get3A_358 : vector<1x16xf32> to vector<16xf32>
      %sub3A_360 = arith.subf %get3A_72, %get3A_359 : vector<16xf32>
      %abs3A_361 = math.absf %sub3A_360 : vector<16xf32>
      %mul3A_362 = arith.mulf %sub3A_360, %sub3A_360 : vector<16xf32>
      %add3A_363 = arith.addf %abs3A_361, %mul3A_362 : vector<16xf32>
      %min3A_364 = arith.minimumf %min3A_353, %add3A_363 : vector<16xf32>
      %add3A_365 = arith.constant 27 : i32
      %add3A_366 = arith.addi %shift_right_arithmetic3A_65, %add3A_365 : i32
      %get3A_367 = arith.index_cast %add3A_366 : i32 to index
      %get3A_368 = arith.index_cast %mul3A_69 : i32 to index
      %get3A_369 = tpu.vector_load %arg6[%get3A_367, %get3A_368] {strides = array<i32>} : memref<80x128xf32, #tpu.memory_space<vmem>>, vector<1x16xf32>,
      %get3A_370 = vector.shape_cast %get3A_369 : vector<1x16xf32> to vector<16xf32>
      %sub3A_371 = arith.subf %get3A_72, %get3A_370 : vector<16xf32>
      %abs3A_372 = math.absf %sub3A_371 : vector<16xf32>
      %mul3A_373 = arith.mulf %sub3A_371, %sub3A_371 : vector<16xf32>
      %add3A_374 = arith.addf %abs3A_372, %mul3A_373 : vector<16xf32>
      %min3A_375 = arith.minimumf %min3A_364, %add3A_374 : vector<16xf32>
      %add3A_376 = arith.constant 28 : i32
      %add3A_377 = arith.addi %shift_right_arithmetic3A_65, %add3A_376 : i32
      %get3A_378 = arith.index_cast %add3A_377 : i32 to index
      %get3A_379 = arith.index_cast %mul3A_69 : i32 to index
      %get3A_380 = tpu.vector_load %arg6[%get3A_378, %get3A_379] {strides = array<i32>} : memref<80x128xf32, #tpu.memory_space<vmem>>, vector<1x16xf32>,
      %get3A_381 = vector.shape_cast %get3A_380 : vector<1x16xf32> to vector<16xf32>
      %sub3A_382 = arith.subf %get3A_72, %get3A_381 : vector<16xf32>
      %abs3A_383 = math.absf %sub3A_382 : vector<16xf32>
      %mul3A_384 = arith.mulf %sub3A_382, %sub3A_382 : vector<16xf32>
      %add3A_385 = arith.addf %abs3A_383, %mul3A_384 : vector<16xf32>
      %min3A_386 = arith.minimumf %min3A_375, %add3A_385 : vector<16xf32>
      %add3A_387 = arith.constant 29 : i32
      %add3A_388 = arith.addi %shift_right_arithmetic3A_65, %add3A_387 : i32
      %get3A_389 = arith.index_cast %add3A_388 : i32 to index
      %get3A_390 = arith.index_cast %mul3A_69 : i32 to index
      %get3A_391 = tpu.vector_load %arg6[%get3A_389, %get3A_390] {strides = array<i32>} : memref<80x128xf32, #tpu.memory_space<vmem>>, vector<1x16xf32>,
      %get3A_392 = vector.shape_cast %get3A_391 : vector<1x16xf32> to vector<16xf32>
      %sub3A_393 = arith.subf %get3A_72, %get3A_392 : vector<16xf32>
      %abs3A_394 = math.absf %sub3A_393 : vector<16xf32>
      %mul3A_395 = arith.mulf %sub3A_393, %sub3A_393 : vector<16xf32>
      %add3A_396 = arith.addf %abs3A_394, %mul3A_395 : vector<16xf32>
      %min3A_397 = arith.minimumf %min3A_386, %add3A_396 : vector<16xf32>
      %add3A_398 = arith.constant 30 : i32
      %add3A_399 = arith.addi %shift_right_arithmetic3A_65, %add3A_398 : i32
      %get3A_400 = arith.index_cast %add3A_399 : i32 to index
      %get3A_401 = arith.index_cast %mul3A_69 : i32 to index
      %get3A_402 = tpu.vector_load %arg6[%get3A_400, %get3A_401] {strides = array<i32>} : memref<80x128xf32, #tpu.memory_space<vmem>>, vector<1x16xf32>,
      %get3A_403 = vector.shape_cast %get3A_402 : vector<1x16xf32> to vector<16xf32>
      %sub3A_404 = arith.subf %get3A_72, %get3A_403 : vector<16xf32>
      %abs3A_405 = math.absf %sub3A_404 : vector<16xf32>
      %mul3A_406 = arith.mulf %sub3A_404, %sub3A_404 : vector<16xf32>
      %add3A_407 = arith.addf %abs3A_405, %mul3A_406 : vector<16xf32>
      %min3A_408 = arith.minimumf %min3A_397, %add3A_407 : vector<16xf32>
      %add3A_409 = arith.constant 31 : i32
      %add3A_410 = arith.addi %shift_right_arithmetic3A_65, %add3A_409 : i32
      %get3A_411 = arith.index_cast %add3A_410 : i32 to index
      %get3A_412 = arith.index_cast %mul3A_69 : i32 to index
      %get3A_413 = tpu.vector_load %arg6[%get3A_411, %get3A_412] {strides = array<i32>} : memref<80x128xf32, #tpu.memory_space<vmem>>, vector<1x16xf32>,
      %get3A_414 = vector.shape_cast %get3A_413 : vector<1x16xf32> to vector<16xf32>
      %sub3A_415 = arith.subf %get3A_72, %get3A_414 : vector<16xf32>
      %abs3A_416 = math.absf %sub3A_415 : vector<16xf32>
      %mul3A_417 = arith.mulf %sub3A_415, %sub3A_415 : vector<16xf32>
      %add3A_418 = arith.addf %abs3A_416, %mul3A_417 : vector<16xf32>
      %min3A_419 = arith.minimumf %min3A_408, %add3A_418 : vector<16xf32>
      %add3A_420 = arith.constant 32 : i32
      %add3A_421 = arith.addi %shift_right_arithmetic3A_65, %add3A_420 : i32
      %get3A_422 = arith.index_cast %add3A_421 : i32 to index
      %get3A_423 = arith.index_cast %mul3A_69 : i32 to index
      %get3A_424 = tpu.vector_load %arg6[%get3A_422, %get3A_423] {strides = array<i32>} : memref<80x128xf32, #tpu.memory_space<vmem>>, vector<1x16xf32>,
      %get3A_425 = vector.shape_cast %get3A_424 : vector<1x16xf32> to vector<16xf32>
      %sub3A_426 = arith.subf %get3A_72, %get3A_425 : vector<16xf32>
      %abs3A_427 = math.absf %sub3A_426 : vector<16xf32>
      %mul3A_428 = arith.mulf %sub3A_426, %sub3A_426 : vector<16xf32>
      %add3A_429 = arith.addf %abs3A_427, %mul3A_428 : vector<16xf32>
      %min3A_430 = arith.minimumf %min3A_419, %add3A_429 : vector<16xf32>
      %broadcast_in_dim3A = arith.constant 0.000000e+00 : f32
      %broadcast_in_dim3A_431 = vector.broadcast %broadcast_in_dim3A : f32 to vector<16xf32>
      %broadcast_in_dim3A_432 = arith.constant 0.000000e+00 : f32
      %broadcast_in_dim3A_433 = vector.broadcast %broadcast_in_dim3A_432 : f32 to vector<16xf32>
      %add3A_434 = arith.constant 0 : i32
      %add3A_435 = arith.addi %shift_right_arithmetic3A_65, %add3A_434 : i32
      %get3A_436 = arith.index_cast %add3A_435 : i32 to index
      %get3A_437 = arith.index_cast %mul3A_69 : i32 to index
      %get3A_438 = tpu.vector_load %arg6[%get3A_436, %get3A_437] {strides = array<i32>} : memref<80x128xf32, #tpu.memory_space<vmem>>, vector<1x16xf32>,
      %get3A_439 = vector.shape_cast %get3A_438 : vector<1x16xf32> to vector<16xf32>
      %sub3A_440 = arith.subf %get3A_72, %get3A_439 : vector<16xf32>
      %abs3A_441 = math.absf %sub3A_440 : vector<16xf32>
      %mul3A_442 = arith.mulf %sub3A_440, %sub3A_440 : vector<16xf32>
      %add3A_443 = arith.addf %abs3A_441, %mul3A_442 : vector<16xf32>
      %sub3A_444 = arith.subf %add3A_443, %min3A_430 : vector<16xf32>
      %mul3A_445 = arith.constant -5.000000e+00 : f32
      %mul3A_446 = vector.broadcast %mul3A_445 : f32 to vector<16xf32>
      %mul3A_447 = arith.mulf %mul3A_446, %sub3A_444 : vector<16xf32>
      %exp3A = math.exp %mul3A_447 : vector<16xf32>
      %add3A_448 = arith.addf %broadcast_in_dim3A_433, %exp3A : vector<16xf32>
      %mul3A_449 = arith.mulf %exp3A, %sub3A_440 : vector<16xf32>
      %add3A_450 = arith.addf %broadcast_in_dim3A_431, %mul3A_449 : vector<16xf32>
      %add3A_451 = arith.constant 1 : i32
      %add3A_452 = arith.addi %shift_right_arithmetic3A_65, %add3A_451 : i32
      %get3A_453 = arith.index_cast %add3A_452 : i32 to index
      %get3A_454 = arith.index_cast %mul3A_69 : i32 to index
      %get3A_455 = tpu.vector_load %arg6[%get3A_453, %get3A_454] {strides = array<i32>} : memref<80x128xf32, #tpu.memory_space<vmem>>, vector<1x16xf32>,
      %get3A_456 = vector.shape_cast %get3A_455 : vector<1x16xf32> to vector<16xf32>
      %sub3A_457 = arith.subf %get3A_72, %get3A_456 : vector<16xf32>
      %abs3A_458 = math.absf %sub3A_457 : vector<16xf32>
      %mul3A_459 = arith.mulf %sub3A_457, %sub3A_457 : vector<16xf32>
      %add3A_460 = arith.addf %abs3A_458, %mul3A_459 : vector<16xf32>
      %sub3A_461 = arith.subf %add3A_460, %min3A_430 : vector<16xf32>
      %mul3A_462 = arith.constant -5.000000e+00 : f32
      %mul3A_463 = vector.broadcast %mul3A_462 : f32 to vector<16xf32>
      %mul3A_464 = arith.mulf %mul3A_463, %sub3A_461 : vector<16xf32>
      %exp3A_465 = math.exp %mul3A_464 : vector<16xf32>
      %add3A_466 = arith.addf %add3A_448, %exp3A_465 : vector<16xf32>
      %mul3A_467 = arith.mulf %exp3A_465, %sub3A_457 : vector<16xf32>
      %add3A_468 = arith.addf %add3A_450, %mul3A_467 : vector<16xf32>
      %add3A_469 = arith.constant 2 : i32
      %add3A_470 = arith.addi %shift_right_arithmetic3A_65, %add3A_469 : i32
      %get3A_471 = arith.index_cast %add3A_470 : i32 to index
      %get3A_472 = arith.index_cast %mul3A_69 : i32 to index
      %get3A_473 = tpu.vector_load %arg6[%get3A_471, %get3A_472] {strides = array<i32>} : memref<80x128xf32, #tpu.memory_space<vmem>>, vector<1x16xf32>,
      %get3A_474 = vector.shape_cast %get3A_473 : vector<1x16xf32> to vector<16xf32>
      %sub3A_475 = arith.subf %get3A_72, %get3A_474 : vector<16xf32>
      %abs3A_476 = math.absf %sub3A_475 : vector<16xf32>
      %mul3A_477 = arith.mulf %sub3A_475, %sub3A_475 : vector<16xf32>
      %add3A_478 = arith.addf %abs3A_476, %mul3A_477 : vector<16xf32>
      %sub3A_479 = arith.subf %add3A_478, %min3A_430 : vector<16xf32>
      %mul3A_480 = arith.constant -5.000000e+00 : f32
      %mul3A_481 = vector.broadcast %mul3A_480 : f32 to vector<16xf32>
      %mul3A_482 = arith.mulf %mul3A_481, %sub3A_479 : vector<16xf32>
      %exp3A_483 = math.exp %mul3A_482 : vector<16xf32>
      %add3A_484 = arith.addf %add3A_466, %exp3A_483 : vector<16xf32>
      %mul3A_485 = arith.mulf %exp3A_483, %sub3A_475 : vector<16xf32>
      %add3A_486 = arith.addf %add3A_468, %mul3A_485 : vector<16xf32>
      %add3A_487 = arith.constant 3 : i32
      %add3A_488 = arith.addi %shift_right_arithmetic3A_65, %add3A_487 : i32
      %get3A_489 = arith.index_cast %add3A_488 : i32 to index
      %get3A_490 = arith.index_cast %mul3A_69 : i32 to index
      %get3A_491 = tpu.vector_load %arg6[%get3A_489, %get3A_490] {strides = array<i32>} : memref<80x128xf32, #tpu.memory_space<vmem>>, vector<1x16xf32>,
      %get3A_492 = vector.shape_cast %get3A_491 : vector<1x16xf32> to vector<16xf32>
      %sub3A_493 = arith.subf %get3A_72, %get3A_492 : vector<16xf32>
      %abs3A_494 = math.absf %sub3A_493 : vector<16xf32>
      %mul3A_495 = arith.mulf %sub3A_493, %sub3A_493 : vector<16xf32>
      %add3A_496 = arith.addf %abs3A_494, %mul3A_495 : vector<16xf32>
      %sub3A_497 = arith.subf %add3A_496, %min3A_430 : vector<16xf32>
      %mul3A_498 = arith.constant -5.000000e+00 : f32
      %mul3A_499 = vector.broadcast %mul3A_498 : f32 to vector<16xf32>
      %mul3A_500 = arith.mulf %mul3A_499, %sub3A_497 : vector<16xf32>
      %exp3A_501 = math.exp %mul3A_500 : vector<16xf32>
      %add3A_502 = arith.addf %add3A_484, %exp3A_501 : vector<16xf32>
      %mul3A_503 = arith.mulf %exp3A_501, %sub3A_493 : vector<16xf32>
      %add3A_504 = arith.addf %add3A_486, %mul3A_503 : vector<16xf32>
      %add3A_505 = arith.constant 4 : i32
      %add3A_506 = arith.addi %shift_right_arithmetic3A_65, %add3A_505 : i32
      %get3A_507 = arith.index_cast %add3A_506 : i32 to index
      %get3A_508 = arith.index_cast %mul3A_69 : i32 to index
      %get3A_509 = tpu.vector_load %arg6[%get3A_507, %get3A_508] {strides = array<i32>} : memref<80x128xf32, #tpu.memory_space<vmem>>, vector<1x16xf32>,
      %get3A_510 = vector.shape_cast %get3A_509 : vector<1x16xf32> to vector<16xf32>
      %sub3A_511 = arith.subf %get3A_72, %get3A_510 : vector<16xf32>
      %abs3A_512 = math.absf %sub3A_511 : vector<16xf32>
      %mul3A_513 = arith.mulf %sub3A_511, %sub3A_511 : vector<16xf32>
      %add3A_514 = arith.addf %abs3A_512, %mul3A_513 : vector<16xf32>
      %sub3A_515 = arith.subf %add3A_514, %min3A_430 : vector<16xf32>
      %mul3A_516 = arith.constant -5.000000e+00 : f32
      %mul3A_517 = vector.broadcast %mul3A_516 : f32 to vector<16xf32>
      %mul3A_518 = arith.mulf %mul3A_517, %sub3A_515 : vector<16xf32>
      %exp3A_519 = math.exp %mul3A_518 : vector<16xf32>
      %add3A_520 = arith.addf %add3A_502, %exp3A_519 : vector<16xf32>
      %mul3A_521 = arith.mulf %exp3A_519, %sub3A_511 : vector<16xf32>
      %add3A_522 = arith.addf %add3A_504, %mul3A_521 : vector<16xf32>
      %add3A_523 = arith.constant 5 : i32
      %add3A_524 = arith.addi %shift_right_arithmetic3A_65, %add3A_523 : i32
      %get3A_525 = arith.index_cast %add3A_524 : i32 to index
      %get3A_526 = arith.index_cast %mul3A_69 : i32 to index
      %get3A_527 = tpu.vector_load %arg6[%get3A_525, %get3A_526] {strides = array<i32>} : memref<80x128xf32, #tpu.memory_space<vmem>>, vector<1x16xf32>,
      %get3A_528 = vector.shape_cast %get3A_527 : vector<1x16xf32> to vector<16xf32>
      %sub3A_529 = arith.subf %get3A_72, %get3A_528 : vector<16xf32>
      %abs3A_530 = math.absf %sub3A_529 : vector<16xf32>
      %mul3A_531 = arith.mulf %sub3A_529, %sub3A_529 : vector<16xf32>
      %add3A_532 = arith.addf %abs3A_530, %mul3A_531 : vector<16xf32>
      %sub3A_533 = arith.subf %add3A_532, %min3A_430 : vector<16xf32>
      %mul3A_534 = arith.constant -5.000000e+00 : f32
      %mul3A_535 = vector.broadcast %mul3A_534 : f32 to vector<16xf32>
      %mul3A_536 = arith.mulf %mul3A_535, %sub3A_533 : vector<16xf32>
      %exp3A_537 = math.exp %mul3A_536 : vector<16xf32>
      %add3A_538 = arith.addf %add3A_520, %exp3A_537 : vector<16xf32>
      %mul3A_539 = arith.mulf %exp3A_537, %sub3A_529 : vector<16xf32>
      %add3A_540 = arith.addf %add3A_522, %mul3A_539 : vector<16xf32>
      %add3A_541 = arith.constant 6 : i32
      %add3A_542 = arith.addi %shift_right_arithmetic3A_65, %add3A_541 : i32
      %get3A_543 = arith.index_cast %add3A_542 : i32 to index
      %get3A_544 = arith.index_cast %mul3A_69 : i32 to index
      %get3A_545 = tpu.vector_load %arg6[%get3A_543, %get3A_544] {strides = array<i32>} : memref<80x128xf32, #tpu.memory_space<vmem>>, vector<1x16xf32>,
      %get3A_546 = vector.shape_cast %get3A_545 : vector<1x16xf32> to vector<16xf32>
      %sub3A_547 = arith.subf %get3A_72, %get3A_546 : vector<16xf32>
      %abs3A_548 = math.absf %sub3A_547 : vector<16xf32>
      %mul3A_549 = arith.mulf %sub3A_547, %sub3A_547 : vector<16xf32>
      %add3A_550 = arith.addf %abs3A_548, %mul3A_549 : vector<16xf32>
      %sub3A_551 = arith.subf %add3A_550, %min3A_430 : vector<16xf32>
      %mul3A_552 = arith.constant -5.000000e+00 : f32
      %mul3A_553 = vector.broadcast %mul3A_552 : f32 to vector<16xf32>
      %mul3A_554 = arith.mulf %mul3A_553, %sub3A_551 : vector<16xf32>
      %exp3A_555 = math.exp %mul3A_554 : vector<16xf32>
      %add3A_556 = arith.addf %add3A_538, %exp3A_555 : vector<16xf32>
      %mul3A_557 = arith.mulf %exp3A_555, %sub3A_547 : vector<16xf32>
      %add3A_558 = arith.addf %add3A_540, %mul3A_557 : vector<16xf32>
      %add3A_559 = arith.constant 7 : i32
      %add3A_560 = arith.addi %shift_right_arithmetic3A_65, %add3A_559 : i32
      %get3A_561 = arith.index_cast %add3A_560 : i32 to index
      %get3A_562 = arith.index_cast %mul3A_69 : i32 to index
      %get3A_563 = tpu.vector_load %arg6[%get3A_561, %get3A_562] {strides = array<i32>} : memref<80x128xf32, #tpu.memory_space<vmem>>, vector<1x16xf32>,
      %get3A_564 = vector.shape_cast %get3A_563 : vector<1x16xf32> to vector<16xf32>
      %sub3A_565 = arith.subf %get3A_72, %get3A_564 : vector<16xf32>
      %abs3A_566 = math.absf %sub3A_565 : vector<16xf32>
      %mul3A_567 = arith.mulf %sub3A_565, %sub3A_565 : vector<16xf32>
      %add3A_568 = arith.addf %abs3A_566, %mul3A_567 : vector<16xf32>
      %sub3A_569 = arith.subf %add3A_568, %min3A_430 : vector<16xf32>
      %mul3A_570 = arith.constant -5.000000e+00 : f32
      %mul3A_571 = vector.broadcast %mul3A_570 : f32 to vector<16xf32>
      %mul3A_572 = arith.mulf %mul3A_571, %sub3A_569 : vector<16xf32>
      %exp3A_573 = math.exp %mul3A_572 : vector<16xf32>
      %add3A_574 = arith.addf %add3A_556, %exp3A_573 : vector<16xf32>
      %mul3A_575 = arith.mulf %exp3A_573, %sub3A_565 : vector<16xf32>
      %add3A_576 = arith.addf %add3A_558, %mul3A_575 : vector<16xf32>
      %add3A_577 = arith.constant 8 : i32
      %add3A_578 = arith.addi %shift_right_arithmetic3A_65, %add3A_577 : i32
      %get3A_579 = arith.index_cast %add3A_578 : i32 to index
      %get3A_580 = arith.index_cast %mul3A_69 : i32 to index
      %get3A_581 = tpu.vector_load %arg6[%get3A_579, %get3A_580] {strides = array<i32>} : memref<80x128xf32, #tpu.memory_space<vmem>>, vector<1x16xf32>,
      %get3A_582 = vector.shape_cast %get3A_581 : vector<1x16xf32> to vector<16xf32>
      %sub3A_583 = arith.subf %get3A_72, %get3A_582 : vector<16xf32>
      %abs3A_584 = math.absf %sub3A_583 : vector<16xf32>
      %mul3A_585 = arith.mulf %sub3A_583, %sub3A_583 : vector<16xf32>
      %add3A_586 = arith.addf %abs3A_584, %mul3A_585 : vector<16xf32>
      %sub3A_587 = arith.subf %add3A_586, %min3A_430 : vector<16xf32>
      %mul3A_588 = arith.constant -5.000000e+00 : f32
      %mul3A_589 = vector.broadcast %mul3A_588 : f32 to vector<16xf32>
      %mul3A_590 = arith.mulf %mul3A_589, %sub3A_587 : vector<16xf32>
      %exp3A_591 = math.exp %mul3A_590 : vector<16xf32>
      %add3A_592 = arith.addf %add3A_574, %exp3A_591 : vector<16xf32>
      %mul3A_593 = arith.mulf %exp3A_591, %sub3A_583 : vector<16xf32>
      %add3A_594 = arith.addf %add3A_576, %mul3A_593 : vector<16xf32>
      %add3A_595 = arith.constant 9 : i32
      %add3A_596 = arith.addi %shift_right_arithmetic3A_65, %add3A_595 : i32
      %get3A_597 = arith.index_cast %add3A_596 : i32 to index
      %get3A_598 = arith.index_cast %mul3A_69 : i32 to index
      %get3A_599 = tpu.vector_load %arg6[%get3A_597, %get3A_598] {strides = array<i32>} : memref<80x128xf32, #tpu.memory_space<vmem>>, vector<1x16xf32>,
      %get3A_600 = vector.shape_cast %get3A_599 : vector<1x16xf32> to vector<16xf32>
      %sub3A_601 = arith.subf %get3A_72, %get3A_600 : vector<16xf32>
      %abs3A_602 = math.absf %sub3A_601 : vector<16xf32>
      %mul3A_603 = arith.mulf %sub3A_601, %sub3A_601 : vector<16xf32>
      %add3A_604 = arith.addf %abs3A_602, %mul3A_603 : vector<16xf32>
      %sub3A_605 = arith.subf %add3A_604, %min3A_430 : vector<16xf32>
      %mul3A_606 = arith.constant -5.000000e+00 : f32
      %mul3A_607 = vector.broadcast %mul3A_606 : f32 to vector<16xf32>
      %mul3A_608 = arith.mulf %mul3A_607, %sub3A_605 : vector<16xf32>
      %exp3A_609 = math.exp %mul3A_608 : vector<16xf32>
      %add3A_610 = arith.addf %add3A_592, %exp3A_609 : vector<16xf32>
      %mul3A_611 = arith.mulf %exp3A_609, %sub3A_601 : vector<16xf32>
      %add3A_612 = arith.addf %add3A_594, %mul3A_611 : vector<16xf32>
      %add3A_613 = arith.constant 10 : i32
      %add3A_614 = arith.addi %shift_right_arithmetic3A_65, %add3A_613 : i32
      %get3A_615 = arith.index_cast %add3A_614 : i32 to index
      %get3A_616 = arith.index_cast %mul3A_69 : i32 to index
      %get3A_617 = tpu.vector_load %arg6[%get3A_615, %get3A_616] {strides = array<i32>} : memref<80x128xf32, #tpu.memory_space<vmem>>, vector<1x16xf32>,
      %get3A_618 = vector.shape_cast %get3A_617 : vector<1x16xf32> to vector<16xf32>
      %sub3A_619 = arith.subf %get3A_72, %get3A_618 : vector<16xf32>
      %abs3A_620 = math.absf %sub3A_619 : vector<16xf32>
      %mul3A_621 = arith.mulf %sub3A_619, %sub3A_619 : vector<16xf32>
      %add3A_622 = arith.addf %abs3A_620, %mul3A_621 : vector<16xf32>
      %sub3A_623 = arith.subf %add3A_622, %min3A_430 : vector<16xf32>
      %mul3A_624 = arith.constant -5.000000e+00 : f32
      %mul3A_625 = vector.broadcast %mul3A_624 : f32 to vector<16xf32>
      %mul3A_626 = arith.mulf %mul3A_625, %sub3A_623 : vector<16xf32>
      %exp3A_627 = math.exp %mul3A_626 : vector<16xf32>
      %add3A_628 = arith.addf %add3A_610, %exp3A_627 : vector<16xf32>
      %mul3A_629 = arith.mulf %exp3A_627, %sub3A_619 : vector<16xf32>
      %add3A_630 = arith.addf %add3A_612, %mul3A_629 : vector<16xf32>
      %add3A_631 = arith.constant 11 : i32
      %add3A_632 = arith.addi %shift_right_arithmetic3A_65, %add3A_631 : i32
      %get3A_633 = arith.index_cast %add3A_632 : i32 to index
      %get3A_634 = arith.index_cast %mul3A_69 : i32 to index
      %get3A_635 = tpu.vector_load %arg6[%get3A_633, %get3A_634] {strides = array<i32>} : memref<80x128xf32, #tpu.memory_space<vmem>>, vector<1x16xf32>,
      %get3A_636 = vector.shape_cast %get3A_635 : vector<1x16xf32> to vector<16xf32>
      %sub3A_637 = arith.subf %get3A_72, %get3A_636 : vector<16xf32>
      %abs3A_638 = math.absf %sub3A_637 : vector<16xf32>
      %mul3A_639 = arith.mulf %sub3A_637, %sub3A_637 : vector<16xf32>
      %add3A_640 = arith.addf %abs3A_638, %mul3A_639 : vector<16xf32>
      %sub3A_641 = arith.subf %add3A_640, %min3A_430 : vector<16xf32>
      %mul3A_642 = arith.constant -5.000000e+00 : f32
      %mul3A_643 = vector.broadcast %mul3A_642 : f32 to vector<16xf32>
      %mul3A_644 = arith.mulf %mul3A_643, %sub3A_641 : vector<16xf32>
      %exp3A_645 = math.exp %mul3A_644 : vector<16xf32>
      %add3A_646 = arith.addf %add3A_628, %exp3A_645 : vector<16xf32>
      %mul3A_647 = arith.mulf %exp3A_645, %sub3A_637 : vector<16xf32>
      %add3A_648 = arith.addf %add3A_630, %mul3A_647 : vector<16xf32>
      %add3A_649 = arith.constant 12 : i32
      %add3A_650 = arith.addi %shift_right_arithmetic3A_65, %add3A_649 : i32
      %get3A_651 = arith.index_cast %add3A_650 : i32 to index
      %get3A_652 = arith.index_cast %mul3A_69 : i32 to index
      %get3A_653 = tpu.vector_load %arg6[%get3A_651, %get3A_652] {strides = array<i32>} : memref<80x128xf32, #tpu.memory_space<vmem>>, vector<1x16xf32>,
      %get3A_654 = vector.shape_cast %get3A_653 : vector<1x16xf32> to vector<16xf32>
      %sub3A_655 = arith.subf %get3A_72, %get3A_654 : vector<16xf32>
      %abs3A_656 = math.absf %sub3A_655 : vector<16xf32>
      %mul3A_657 = arith.mulf %sub3A_655, %sub3A_655 : vector<16xf32>
      %add3A_658 = arith.addf %abs3A_656, %mul3A_657 : vector<16xf32>
      %sub3A_659 = arith.subf %add3A_658, %min3A_430 : vector<16xf32>
      %mul3A_660 = arith.constant -5.000000e+00 : f32
      %mul3A_661 = vector.broadcast %mul3A_660 : f32 to vector<16xf32>
      %mul3A_662 = arith.mulf %mul3A_661, %sub3A_659 : vector<16xf32>
      %exp3A_663 = math.exp %mul3A_662 : vector<16xf32>
      %add3A_664 = arith.addf %add3A_646, %exp3A_663 : vector<16xf32>
      %mul3A_665 = arith.mulf %exp3A_663, %sub3A_655 : vector<16xf32>
      %add3A_666 = arith.addf %add3A_648, %mul3A_665 : vector<16xf32>
      %add3A_667 = arith.constant 13 : i32
      %add3A_668 = arith.addi %shift_right_arithmetic3A_65, %add3A_667 : i32
      %get3A_669 = arith.index_cast %add3A_668 : i32 to index
      %get3A_670 = arith.index_cast %mul3A_69 : i32 to index
      %get3A_671 = tpu.vector_load %arg6[%get3A_669, %get3A_670] {strides = array<i32>} : memref<80x128xf32, #tpu.memory_space<vmem>>, vector<1x16xf32>,
      %get3A_672 = vector.shape_cast %get3A_671 : vector<1x16xf32> to vector<16xf32>
      %sub3A_673 = arith.subf %get3A_72, %get3A_672 : vector<16xf32>
      %abs3A_674 = math.absf %sub3A_673 : vector<16xf32>
      %mul3A_675 = arith.mulf %sub3A_673, %sub3A_673 : vector<16xf32>
      %add3A_676 = arith.addf %abs3A_674, %mul3A_675 : vector<16xf32>
      %sub3A_677 = arith.subf %add3A_676, %min3A_430 : vector<16xf32>
      %mul3A_678 = arith.constant -5.000000e+00 : f32
      %mul3A_679 = vector.broadcast %mul3A_678 : f32 to vector<16xf32>
      %mul3A_680 = arith.mulf %mul3A_679, %sub3A_677 : vector<16xf32>
      %exp3A_681 = math.exp %mul3A_680 : vector<16xf32>
      %add3A_682 = arith.addf %add3A_664, %exp3A_681 : vector<16xf32>
      %mul3A_683 = arith.mulf %exp3A_681, %sub3A_673 : vector<16xf32>
      %add3A_684 = arith.addf %add3A_666, %mul3A_683 : vector<16xf32>
      %add3A_685 = arith.constant 14 : i32
      %add3A_686 = arith.addi %shift_right_arithmetic3A_65, %add3A_685 : i32
      %get3A_687 = arith.index_cast %add3A_686 : i32 to index
      %get3A_688 = arith.index_cast %mul3A_69 : i32 to index
      %get3A_689 = tpu.vector_load %arg6[%get3A_687, %get3A_688] {strides = array<i32>} : memref<80x128xf32, #tpu.memory_space<vmem>>, vector<1x16xf32>,
      %get3A_690 = vector.shape_cast %get3A_689 : vector<1x16xf32> to vector<16xf32>
      %sub3A_691 = arith.subf %get3A_72, %get3A_690 : vector<16xf32>
      %abs3A_692 = math.absf %sub3A_691 : vector<16xf32>
      %mul3A_693 = arith.mulf %sub3A_691, %sub3A_691 : vector<16xf32>
      %add3A_694 = arith.addf %abs3A_692, %mul3A_693 : vector<16xf32>
      %sub3A_695 = arith.subf %add3A_694, %min3A_430 : vector<16xf32>
      %mul3A_696 = arith.constant -5.000000e+00 : f32
      %mul3A_697 = vector.broadcast %mul3A_696 : f32 to vector<16xf32>
      %mul3A_698 = arith.mulf %mul3A_697, %sub3A_695 : vector<16xf32>
      %exp3A_699 = math.exp %mul3A_698 : vector<16xf32>
      %add3A_700 = arith.addf %add3A_682, %exp3A_699 : vector<16xf32>
      %mul3A_701 = arith.mulf %exp3A_699, %sub3A_691 : vector<16xf32>
      %add3A_702 = arith.addf %add3A_684, %mul3A_701 : vector<16xf32>
      %add3A_703 = arith.constant 15 : i32
      %add3A_704 = arith.addi %shift_right_arithmetic3A_65, %add3A_703 : i32
      %get3A_705 = arith.index_cast %add3A_704 : i32 to index
      %get3A_706 = arith.index_cast %mul3A_69 : i32 to index
      %get3A_707 = tpu.vector_load %arg6[%get3A_705, %get3A_706] {strides = array<i32>} : memref<80x128xf32, #tpu.memory_space<vmem>>, vector<1x16xf32>,
      %get3A_708 = vector.shape_cast %get3A_707 : vector<1x16xf32> to vector<16xf32>
      %sub3A_709 = arith.subf %get3A_72, %get3A_708 : vector<16xf32>
      %abs3A_710 = math.absf %sub3A_709 : vector<16xf32>
      %mul3A_711 = arith.mulf %sub3A_709, %sub3A_709 : vector<16xf32>
      %add3A_712 = arith.addf %abs3A_710, %mul3A_711 : vector<16xf32>
      %sub3A_713 = arith.subf %add3A_712, %min3A_430 : vector<16xf32>
      %mul3A_714 = arith.constant -5.000000e+00 : f32
      %mul3A_715 = vector.broadcast %mul3A_714 : f32 to vector<16xf32>
      %mul3A_716 = arith.mulf %mul3A_715, %sub3A_713 : vector<16xf32>
      %exp3A_717 = math.exp %mul3A_716 : vector<16xf32>
      %add3A_718 = arith.addf %add3A_700, %exp3A_717 : vector<16xf32>
      %mul3A_719 = arith.mulf %exp3A_717, %sub3A_709 : vector<16xf32>
      %add3A_720 = arith.addf %add3A_702, %mul3A_719 : vector<16xf32>
      %add3A_721 = arith.constant 16 : i32
      %add3A_722 = arith.addi %shift_right_arithmetic3A_65, %add3A_721 : i32
      %get3A_723 = arith.index_cast %add3A_722 : i32 to index
      %get3A_724 = arith.index_cast %mul3A_69 : i32 to index
      %get3A_725 = tpu.vector_load %arg6[%get3A_723, %get3A_724] {strides = array<i32>} : memref<80x128xf32, #tpu.memory_space<vmem>>, vector<1x16xf32>,
      %get3A_726 = vector.shape_cast %get3A_725 : vector<1x16xf32> to vector<16xf32>
      %sub3A_727 = arith.subf %get3A_72, %get3A_726 : vector<16xf32>
      %abs3A_728 = math.absf %sub3A_727 : vector<16xf32>
      %mul3A_729 = arith.mulf %sub3A_727, %sub3A_727 : vector<16xf32>
      %add3A_730 = arith.addf %abs3A_728, %mul3A_729 : vector<16xf32>
      %sub3A_731 = arith.subf %add3A_730, %min3A_430 : vector<16xf32>
      %mul3A_732 = arith.constant -5.000000e+00 : f32
      %mul3A_733 = vector.broadcast %mul3A_732 : f32 to vector<16xf32>
      %mul3A_734 = arith.mulf %mul3A_733, %sub3A_731 : vector<16xf32>
      %exp3A_735 = math.exp %mul3A_734 : vector<16xf32>
      %add3A_736 = arith.addf %add3A_718, %exp3A_735 : vector<16xf32>
      %mul3A_737 = arith.mulf %exp3A_735, %sub3A_727 : vector<16xf32>
      %add3A_738 = arith.addf %add3A_720, %mul3A_737 : vector<16xf32>
      %add3A_739 = arith.constant 17 : i32
      %add3A_740 = arith.addi %shift_right_arithmetic3A_65, %add3A_739 : i32
      %get3A_741 = arith.index_cast %add3A_740 : i32 to index
      %get3A_742 = arith.index_cast %mul3A_69 : i32 to index
      %get3A_743 = tpu.vector_load %arg6[%get3A_741, %get3A_742] {strides = array<i32>} : memref<80x128xf32, #tpu.memory_space<vmem>>, vector<1x16xf32>,
      %get3A_744 = vector.shape_cast %get3A_743 : vector<1x16xf32> to vector<16xf32>
      %sub3A_745 = arith.subf %get3A_72, %get3A_744 : vector<16xf32>
      %abs3A_746 = math.absf %sub3A_745 : vector<16xf32>
      %mul3A_747 = arith.mulf %sub3A_745, %sub3A_745 : vector<16xf32>
      %add3A_748 = arith.addf %abs3A_746, %mul3A_747 : vector<16xf32>
      %sub3A_749 = arith.subf %add3A_748, %min3A_430 : vector<16xf32>
      %mul3A_750 = arith.constant -5.000000e+00 : f32
      %mul3A_751 = vector.broadcast %mul3A_750 : f32 to vector<16xf32>
      %mul3A_752 = arith.mulf %mul3A_751, %sub3A_749 : vector<16xf32>
      %exp3A_753 = math.exp %mul3A_752 : vector<16xf32>
      %add3A_754 = arith.addf %add3A_736, %exp3A_753 : vector<16xf32>
      %mul3A_755 = arith.mulf %exp3A_753, %sub3A_745 : vector<16xf32>
      %add3A_756 = arith.addf %add3A_738, %mul3A_755 : vector<16xf32>
      %add3A_757 = arith.constant 18 : i32
      %add3A_758 = arith.addi %shift_right_arithmetic3A_65, %add3A_757 : i32
      %get3A_759 = arith.index_cast %add3A_758 : i32 to index
      %get3A_760 = arith.index_cast %mul3A_69 : i32 to index
      %get3A_761 = tpu.vector_load %arg6[%get3A_759, %get3A_760] {strides = array<i32>} : memref<80x128xf32, #tpu.memory_space<vmem>>, vector<1x16xf32>,
      %get3A_762 = vector.shape_cast %get3A_761 : vector<1x16xf32> to vector<16xf32>
      %sub3A_763 = arith.subf %get3A_72, %get3A_762 : vector<16xf32>
      %abs3A_764 = math.absf %sub3A_763 : vector<16xf32>
      %mul3A_765 = arith.mulf %sub3A_763, %sub3A_763 : vector<16xf32>
      %add3A_766 = arith.addf %abs3A_764, %mul3A_765 : vector<16xf32>
      %sub3A_767 = arith.subf %add3A_766, %min3A_430 : vector<16xf32>
      %mul3A_768 = arith.constant -5.000000e+00 : f32
      %mul3A_769 = vector.broadcast %mul3A_768 : f32 to vector<16xf32>
      %mul3A_770 = arith.mulf %mul3A_769, %sub3A_767 : vector<16xf32>
      %exp3A_771 = math.exp %mul3A_770 : vector<16xf32>
      %add3A_772 = arith.addf %add3A_754, %exp3A_771 : vector<16xf32>
      %mul3A_773 = arith.mulf %exp3A_771, %sub3A_763 : vector<16xf32>
      %add3A_774 = arith.addf %add3A_756, %mul3A_773 : vector<16xf32>
      %add3A_775 = arith.constant 19 : i32
      %add3A_776 = arith.addi %shift_right_arithmetic3A_65, %add3A_775 : i32
      %get3A_777 = arith.index_cast %add3A_776 : i32 to index
      %get3A_778 = arith.index_cast %mul3A_69 : i32 to index
      %get3A_779 = tpu.vector_load %arg6[%get3A_777, %get3A_778] {strides = array<i32>} : memref<80x128xf32, #tpu.memory_space<vmem>>, vector<1x16xf32>,
      %get3A_780 = vector.shape_cast %get3A_779 : vector<1x16xf32> to vector<16xf32>
      %sub3A_781 = arith.subf %get3A_72, %get3A_780 : vector<16xf32>
      %abs3A_782 = math.absf %sub3A_781 : vector<16xf32>
      %mul3A_783 = arith.mulf %sub3A_781, %sub3A_781 : vector<16xf32>
      %add3A_784 = arith.addf %abs3A_782, %mul3A_783 : vector<16xf32>
      %sub3A_785 = arith.subf %add3A_784, %min3A_430 : vector<16xf32>
      %mul3A_786 = arith.constant -5.000000e+00 : f32
      %mul3A_787 = vector.broadcast %mul3A_786 : f32 to vector<16xf32>
      %mul3A_788 = arith.mulf %mul3A_787, %sub3A_785 : vector<16xf32>
      %exp3A_789 = math.exp %mul3A_788 : vector<16xf32>
      %add3A_790 = arith.addf %add3A_772, %exp3A_789 : vector<16xf32>
      %mul3A_791 = arith.mulf %exp3A_789, %sub3A_781 : vector<16xf32>
      %add3A_792 = arith.addf %add3A_774, %mul3A_791 : vector<16xf32>
      %add3A_793 = arith.constant 20 : i32
      %add3A_794 = arith.addi %shift_right_arithmetic3A_65, %add3A_793 : i32
      %get3A_795 = arith.index_cast %add3A_794 : i32 to index
      %get3A_796 = arith.index_cast %mul3A_69 : i32 to index
      %get3A_797 = tpu.vector_load %arg6[%get3A_795, %get3A_796] {strides = array<i32>} : memref<80x128xf32, #tpu.memory_space<vmem>>, vector<1x16xf32>,
      %get3A_798 = vector.shape_cast %get3A_797 : vector<1x16xf32> to vector<16xf32>
      %sub3A_799 = arith.subf %get3A_72, %get3A_798 : vector<16xf32>
      %abs3A_800 = math.absf %sub3A_799 : vector<16xf32>
      %mul3A_801 = arith.mulf %sub3A_799, %sub3A_799 : vector<16xf32>
      %add3A_802 = arith.addf %abs3A_800, %mul3A_801 : vector<16xf32>
      %sub3A_803 = arith.subf %add3A_802, %min3A_430 : vector<16xf32>
      %mul3A_804 = arith.constant -5.000000e+00 : f32
      %mul3A_805 = vector.broadcast %mul3A_804 : f32 to vector<16xf32>
      %mul3A_806 = arith.mulf %mul3A_805, %sub3A_803 : vector<16xf32>
      %exp3A_807 = math.exp %mul3A_806 : vector<16xf32>
      %add3A_808 = arith.addf %add3A_790, %exp3A_807 : vector<16xf32>
      %mul3A_809 = arith.mulf %exp3A_807, %sub3A_799 : vector<16xf32>
      %add3A_810 = arith.addf %add3A_792, %mul3A_809 : vector<16xf32>
      %add3A_811 = arith.constant 21 : i32
      %add3A_812 = arith.addi %shift_right_arithmetic3A_65, %add3A_811 : i32
      %get3A_813 = arith.index_cast %add3A_812 : i32 to index
      %get3A_814 = arith.index_cast %mul3A_69 : i32 to index
      %get3A_815 = tpu.vector_load %arg6[%get3A_813, %get3A_814] {strides = array<i32>} : memref<80x128xf32, #tpu.memory_space<vmem>>, vector<1x16xf32>,
      %get3A_816 = vector.shape_cast %get3A_815 : vector<1x16xf32> to vector<16xf32>
      %sub3A_817 = arith.subf %get3A_72, %get3A_816 : vector<16xf32>
      %abs3A_818 = math.absf %sub3A_817 : vector<16xf32>
      %mul3A_819 = arith.mulf %sub3A_817, %sub3A_817 : vector<16xf32>
      %add3A_820 = arith.addf %abs3A_818, %mul3A_819 : vector<16xf32>
      %sub3A_821 = arith.subf %add3A_820, %min3A_430 : vector<16xf32>
      %mul3A_822 = arith.constant -5.000000e+00 : f32
      %mul3A_823 = vector.broadcast %mul3A_822 : f32 to vector<16xf32>
      %mul3A_824 = arith.mulf %mul3A_823, %sub3A_821 : vector<16xf32>
      %exp3A_825 = math.exp %mul3A_824 : vector<16xf32>
      %add3A_826 = arith.addf %add3A_808, %exp3A_825 : vector<16xf32>
      %mul3A_827 = arith.mulf %exp3A_825, %sub3A_817 : vector<16xf32>
      %add3A_828 = arith.addf %add3A_810, %mul3A_827 : vector<16xf32>
      %add3A_829 = arith.constant 22 : i32
      %add3A_830 = arith.addi %shift_right_arithmetic3A_65, %add3A_829 : i32
      %get3A_831 = arith.index_cast %add3A_830 : i32 to index
      %get3A_832 = arith.index_cast %mul3A_69 : i32 to index
      %get3A_833 = tpu.vector_load %arg6[%get3A_831, %get3A_832] {strides = array<i32>} : memref<80x128xf32, #tpu.memory_space<vmem>>, vector<1x16xf32>,
      %get3A_834 = vector.shape_cast %get3A_833 : vector<1x16xf32> to vector<16xf32>
      %sub3A_835 = arith.subf %get3A_72, %get3A_834 : vector<16xf32>
      %abs3A_836 = math.absf %sub3A_835 : vector<16xf32>
      %mul3A_837 = arith.mulf %sub3A_835, %sub3A_835 : vector<16xf32>
      %add3A_838 = arith.addf %abs3A_836, %mul3A_837 : vector<16xf32>
      %sub3A_839 = arith.subf %add3A_838, %min3A_430 : vector<16xf32>
      %mul3A_840 = arith.constant -5.000000e+00 : f32
      %mul3A_841 = vector.broadcast %mul3A_840 : f32 to vector<16xf32>
      %mul3A_842 = arith.mulf %mul3A_841, %sub3A_839 : vector<16xf32>
      %exp3A_843 = math.exp %mul3A_842 : vector<16xf32>
      %add3A_844 = arith.addf %add3A_826, %exp3A_843 : vector<16xf32>
      %mul3A_845 = arith.mulf %exp3A_843, %sub3A_835 : vector<16xf32>
      %add3A_846 = arith.addf %add3A_828, %mul3A_845 : vector<16xf32>
      %add3A_847 = arith.constant 23 : i32
      %add3A_848 = arith.addi %shift_right_arithmetic3A_65, %add3A_847 : i32
      %get3A_849 = arith.index_cast %add3A_848 : i32 to index
      %get3A_850 = arith.index_cast %mul3A_69 : i32 to index
      %get3A_851 = tpu.vector_load %arg6[%get3A_849, %get3A_850] {strides = array<i32>} : memref<80x128xf32, #tpu.memory_space<vmem>>, vector<1x16xf32>,
      %get3A_852 = vector.shape_cast %get3A_851 : vector<1x16xf32> to vector<16xf32>
      %sub3A_853 = arith.subf %get3A_72, %get3A_852 : vector<16xf32>
      %abs3A_854 = math.absf %sub3A_853 : vector<16xf32>
      %mul3A_855 = arith.mulf %sub3A_853, %sub3A_853 : vector<16xf32>
      %add3A_856 = arith.addf %abs3A_854, %mul3A_855 : vector<16xf32>
      %sub3A_857 = arith.subf %add3A_856, %min3A_430 : vector<16xf32>
      %mul3A_858 = arith.constant -5.000000e+00 : f32
      %mul3A_859 = vector.broadcast %mul3A_858 : f32 to vector<16xf32>
      %mul3A_860 = arith.mulf %mul3A_859, %sub3A_857 : vector<16xf32>
      %exp3A_861 = math.exp %mul3A_860 : vector<16xf32>
      %add3A_862 = arith.addf %add3A_844, %exp3A_861 : vector<16xf32>
      %mul3A_863 = arith.mulf %exp3A_861, %sub3A_853 : vector<16xf32>
      %add3A_864 = arith.addf %add3A_846, %mul3A_863 : vector<16xf32>
      %add3A_865 = arith.constant 24 : i32
      %add3A_866 = arith.addi %shift_right_arithmetic3A_65, %add3A_865 : i32
      %get3A_867 = arith.index_cast %add3A_866 : i32 to index
      %get3A_868 = arith.index_cast %mul3A_69 : i32 to index
      %get3A_869 = tpu.vector_load %arg6[%get3A_867, %get3A_868] {strides = array<i32>} : memref<80x128xf32, #tpu.memory_space<vmem>>, vector<1x16xf32>,
      %get3A_870 = vector.shape_cast %get3A_869 : vector<1x16xf32> to vector<16xf32>
      %sub3A_871 = arith.subf %get3A_72, %get3A_870 : vector<16xf32>
      %abs3A_872 = math.absf %sub3A_871 : vector<16xf32>
      %mul3A_873 = arith.mulf %sub3A_871, %sub3A_871 : vector<16xf32>
      %add3A_874 = arith.addf %abs3A_872, %mul3A_873 : vector<16xf32>
      %sub3A_875 = arith.subf %add3A_874, %min3A_430 : vector<16xf32>
      %mul3A_876 = arith.constant -5.000000e+00 : f32
      %mul3A_877 = vector.broadcast %mul3A_876 : f32 to vector<16xf32>
      %mul3A_878 = arith.mulf %mul3A_877, %sub3A_875 : vector<16xf32>
      %exp3A_879 = math.exp %mul3A_878 : vector<16xf32>
      %add3A_880 = arith.addf %add3A_862, %exp3A_879 : vector<16xf32>
      %mul3A_881 = arith.mulf %exp3A_879, %sub3A_871 : vector<16xf32>
      %add3A_882 = arith.addf %add3A_864, %mul3A_881 : vector<16xf32>
      %add3A_883 = arith.constant 25 : i32
      %add3A_884 = arith.addi %shift_right_arithmetic3A_65, %add3A_883 : i32
      %get3A_885 = arith.index_cast %add3A_884 : i32 to index
      %get3A_886 = arith.index_cast %mul3A_69 : i32 to index
      %get3A_887 = tpu.vector_load %arg6[%get3A_885, %get3A_886] {strides = array<i32>} : memref<80x128xf32, #tpu.memory_space<vmem>>, vector<1x16xf32>,
      %get3A_888 = vector.shape_cast %get3A_887 : vector<1x16xf32> to vector<16xf32>
      %sub3A_889 = arith.subf %get3A_72, %get3A_888 : vector<16xf32>
      %abs3A_890 = math.absf %sub3A_889 : vector<16xf32>
      %mul3A_891 = arith.mulf %sub3A_889, %sub3A_889 : vector<16xf32>
      %add3A_892 = arith.addf %abs3A_890, %mul3A_891 : vector<16xf32>
      %sub3A_893 = arith.subf %add3A_892, %min3A_430 : vector<16xf32>
      %mul3A_894 = arith.constant -5.000000e+00 : f32
      %mul3A_895 = vector.broadcast %mul3A_894 : f32 to vector<16xf32>
      %mul3A_896 = arith.mulf %mul3A_895, %sub3A_893 : vector<16xf32>
      %exp3A_897 = math.exp %mul3A_896 : vector<16xf32>
      %add3A_898 = arith.addf %add3A_880, %exp3A_897 : vector<16xf32>
      %mul3A_899 = arith.mulf %exp3A_897, %sub3A_889 : vector<16xf32>
      %add3A_900 = arith.addf %add3A_882, %mul3A_899 : vector<16xf32>
      %add3A_901 = arith.constant 26 : i32
      %add3A_902 = arith.addi %shift_right_arithmetic3A_65, %add3A_901 : i32
      %get3A_903 = arith.index_cast %add3A_902 : i32 to index
      %get3A_904 = arith.index_cast %mul3A_69 : i32 to index
      %get3A_905 = tpu.vector_load %arg6[%get3A_903, %get3A_904] {strides = array<i32>} : memref<80x128xf32, #tpu.memory_space<vmem>>, vector<1x16xf32>,
      %get3A_906 = vector.shape_cast %get3A_905 : vector<1x16xf32> to vector<16xf32>
      %sub3A_907 = arith.subf %get3A_72, %get3A_906 : vector<16xf32>
      %abs3A_908 = math.absf %sub3A_907 : vector<16xf32>
      %mul3A_909 = arith.mulf %sub3A_907, %sub3A_907 : vector<16xf32>
      %add3A_910 = arith.addf %abs3A_908, %mul3A_909 : vector<16xf32>
      %sub3A_911 = arith.subf %add3A_910, %min3A_430 : vector<16xf32>
      %mul3A_912 = arith.constant -5.000000e+00 : f32
      %mul3A_913 = vector.broadcast %mul3A_912 : f32 to vector<16xf32>
      %mul3A_914 = arith.mulf %mul3A_913, %sub3A_911 : vector<16xf32>
      %exp3A_915 = math.exp %mul3A_914 : vector<16xf32>
      %add3A_916 = arith.addf %add3A_898, %exp3A_915 : vector<16xf32>
      %mul3A_917 = arith.mulf %exp3A_915, %sub3A_907 : vector<16xf32>
      %add3A_918 = arith.addf %add3A_900, %mul3A_917 : vector<16xf32>
      %add3A_919 = arith.constant 27 : i32
      %add3A_920 = arith.addi %shift_right_arithmetic3A_65, %add3A_919 : i32
      %get3A_921 = arith.index_cast %add3A_920 : i32 to index
      %get3A_922 = arith.index_cast %mul3A_69 : i32 to index
      %get3A_923 = tpu.vector_load %arg6[%get3A_921, %get3A_922] {strides = array<i32>} : memref<80x128xf32, #tpu.memory_space<vmem>>, vector<1x16xf32>,
      %get3A_924 = vector.shape_cast %get3A_923 : vector<1x16xf32> to vector<16xf32>
      %sub3A_925 = arith.subf %get3A_72, %get3A_924 : vector<16xf32>
      %abs3A_926 = math.absf %sub3A_925 : vector<16xf32>
      %mul3A_927 = arith.mulf %sub3A_925, %sub3A_925 : vector<16xf32>
      %add3A_928 = arith.addf %abs3A_926, %mul3A_927 : vector<16xf32>
      %sub3A_929 = arith.subf %add3A_928, %min3A_430 : vector<16xf32>
      %mul3A_930 = arith.constant -5.000000e+00 : f32
      %mul3A_931 = vector.broadcast %mul3A_930 : f32 to vector<16xf32>
      %mul3A_932 = arith.mulf %mul3A_931, %sub3A_929 : vector<16xf32>
      %exp3A_933 = math.exp %mul3A_932 : vector<16xf32>
      %add3A_934 = arith.addf %add3A_916, %exp3A_933 : vector<16xf32>
      %mul3A_935 = arith.mulf %exp3A_933, %sub3A_925 : vector<16xf32>
      %add3A_936 = arith.addf %add3A_918, %mul3A_935 : vector<16xf32>
      %add3A_937 = arith.constant 28 : i32
      %add3A_938 = arith.addi %shift_right_arithmetic3A_65, %add3A_937 : i32
      %get3A_939 = arith.index_cast %add3A_938 : i32 to index
      %get3A_940 = arith.index_cast %mul3A_69 : i32 to index
      %get3A_941 = tpu.vector_load %arg6[%get3A_939, %get3A_940] {strides = array<i32>} : memref<80x128xf32, #tpu.memory_space<vmem>>, vector<1x16xf32>,
      %get3A_942 = vector.shape_cast %get3A_941 : vector<1x16xf32> to vector<16xf32>
      %sub3A_943 = arith.subf %get3A_72, %get3A_942 : vector<16xf32>
      %abs3A_944 = math.absf %sub3A_943 : vector<16xf32>
      %mul3A_945 = arith.mulf %sub3A_943, %sub3A_943 : vector<16xf32>
      %add3A_946 = arith.addf %abs3A_944, %mul3A_945 : vector<16xf32>
      %sub3A_947 = arith.subf %add3A_946, %min3A_430 : vector<16xf32>
      %mul3A_948 = arith.constant -5.000000e+00 : f32
      %mul3A_949 = vector.broadcast %mul3A_948 : f32 to vector<16xf32>
      %mul3A_950 = arith.mulf %mul3A_949, %sub3A_947 : vector<16xf32>
      %exp3A_951 = math.exp %mul3A_950 : vector<16xf32>
      %add3A_952 = arith.addf %add3A_934, %exp3A_951 : vector<16xf32>
      %mul3A_953 = arith.mulf %exp3A_951, %sub3A_943 : vector<16xf32>
      %add3A_954 = arith.addf %add3A_936, %mul3A_953 : vector<16xf32>
      %add3A_955 = arith.constant 29 : i32
      %add3A_956 = arith.addi %shift_right_arithmetic3A_65, %add3A_955 : i32
      %get3A_957 = arith.index_cast %add3A_956 : i32 to index
      %get3A_958 = arith.index_cast %mul3A_69 : i32 to index
      %get3A_959 = tpu.vector_load %arg6[%get3A_957, %get3A_958] {strides = array<i32>} : memref<80x128xf32, #tpu.memory_space<vmem>>, vector<1x16xf32>,
      %get3A_960 = vector.shape_cast %get3A_959 : vector<1x16xf32> to vector<16xf32>
      %sub3A_961 = arith.subf %get3A_72, %get3A_960 : vector<16xf32>
      %abs3A_962 = math.absf %sub3A_961 : vector<16xf32>
      %mul3A_963 = arith.mulf %sub3A_961, %sub3A_961 : vector<16xf32>
      %add3A_964 = arith.addf %abs3A_962, %mul3A_963 : vector<16xf32>
      %sub3A_965 = arith.subf %add3A_964, %min3A_430 : vector<16xf32>
      %mul3A_966 = arith.constant -5.000000e+00 : f32
      %mul3A_967 = vector.broadcast %mul3A_966 : f32 to vector<16xf32>
      %mul3A_968 = arith.mulf %mul3A_967, %sub3A_965 : vector<16xf32>
      %exp3A_969 = math.exp %mul3A_968 : vector<16xf32>
      %add3A_970 = arith.addf %add3A_952, %exp3A_969 : vector<16xf32>
      %mul3A_971 = arith.mulf %exp3A_969, %sub3A_961 : vector<16xf32>
      %add3A_972 = arith.addf %add3A_954, %mul3A_971 : vector<16xf32>
      %add3A_973 = arith.constant 30 : i32
      %add3A_974 = arith.addi %shift_right_arithmetic3A_65, %add3A_973 : i32
      %get3A_975 = arith.index_cast %add3A_974 : i32 to index
      %get3A_976 = arith.index_cast %mul3A_69 : i32 to index
      %get3A_977 = tpu.vector_load %arg6[%get3A_975, %get3A_976] {strides = array<i32>} : memref<80x128xf32, #tpu.memory_space<vmem>>, vector<1x16xf32>,
      %get3A_978 = vector.shape_cast %get3A_977 : vector<1x16xf32> to vector<16xf32>
      %sub3A_979 = arith.subf %get3A_72, %get3A_978 : vector<16xf32>
      %abs3A_980 = math.absf %sub3A_979 : vector<16xf32>
      %mul3A_981 = arith.mulf %sub3A_979, %sub3A_979 : vector<16xf32>
      %add3A_982 = arith.addf %abs3A_980, %mul3A_981 : vector<16xf32>
      %sub3A_983 = arith.subf %add3A_982, %min3A_430 : vector<16xf32>
      %mul3A_984 = arith.constant -5.000000e+00 : f32
      %mul3A_985 = vector.broadcast %mul3A_984 : f32 to vector<16xf32>
      %mul3A_986 = arith.mulf %mul3A_985, %sub3A_983 : vector<16xf32>
      %exp3A_987 = math.exp %mul3A_986 : vector<16xf32>
      %add3A_988 = arith.addf %add3A_970, %exp3A_987 : vector<16xf32>
      %mul3A_989 = arith.mulf %exp3A_987, %sub3A_979 : vector<16xf32>
      %add3A_990 = arith.addf %add3A_972, %mul3A_989 : vector<16xf32>
      %add3A_991 = arith.constant 31 : i32
      %add3A_992 = arith.addi %shift_right_arithmetic3A_65, %add3A_991 : i32
      %get3A_993 = arith.index_cast %add3A_992 : i32 to index
      %get3A_994 = arith.index_cast %mul3A_69 : i32 to index
      %get3A_995 = tpu.vector_load %arg6[%get3A_993, %get3A_994] {strides = array<i32>} : memref<80x128xf32, #tpu.memory_space<vmem>>, vector<1x16xf32>,
      %get3A_996 = vector.shape_cast %get3A_995 : vector<1x16xf32> to vector<16xf32>
      %sub3A_997 = arith.subf %get3A_72, %get3A_996 : vector<16xf32>
      %abs3A_998 = math.absf %sub3A_997 : vector<16xf32>
      %mul3A_999 = arith.mulf %sub3A_997, %sub3A_997 : vector<16xf32>
      %add3A_1000 = arith.addf %abs3A_998, %mul3A_999 : vector<16xf32>
      %sub3A_1001 = arith.subf %add3A_1000, %min3A_430 : vector<16xf32>
      %mul3A_1002 = arith.constant -5.000000e+00 : f32
      %mul3A_1003 = vector.broadcast %mul3A_1002 : f32 to vector<16xf32>
      %mul3A_1004 = arith.mulf %mul3A_1003, %sub3A_1001 : vector<16xf32>
      %exp3A_1005 = math.exp %mul3A_1004 : vector<16xf32>
      %add3A_1006 = arith.addf %add3A_988, %exp3A_1005 : vector<16xf32>
      %mul3A_1007 = arith.mulf %exp3A_1005, %sub3A_997 : vector<16xf32>
      %add3A_1008 = arith.addf %add3A_990, %mul3A_1007 : vector<16xf32>
      %add3A_1009 = arith.constant 32 : i32
      %add3A_1010 = arith.addi %shift_right_arithmetic3A_65, %add3A_1009 : i32
      %get3A_1011 = arith.index_cast %add3A_1010 : i32 to index
      %get3A_1012 = arith.index_cast %mul3A_69 : i32 to index
      %get3A_1013 = tpu.vector_load %arg6[%get3A_1011, %get3A_1012] {strides = array<i32>} : memref<80x128xf32, #tpu.memory_space<vmem>>, vector<1x16xf32>,
      %get3A_1014 = vector.shape_cast %get3A_1013 : vector<1x16xf32> to vector<16xf32>
      %sub3A_1015 = arith.subf %get3A_72, %get3A_1014 : vector<16xf32>
      %abs3A_1016 = math.absf %sub3A_1015 : vector<16xf32>
      %mul3A_1017 = arith.mulf %sub3A_1015, %sub3A_1015 : vector<16xf32>
      %add3A_1018 = arith.addf %abs3A_1016, %mul3A_1017 : vector<16xf32>
      %sub3A_1019 = arith.subf %add3A_1018, %min3A_430 : vector<16xf32>
      %mul3A_1020 = arith.constant -5.000000e+00 : f32
      %mul3A_1021 = vector.broadcast %mul3A_1020 : f32 to vector<16xf32>
      %mul3A_1022 = arith.mulf %mul3A_1021, %sub3A_1019 : vector<16xf32>
      %exp3A_1023 = math.exp %mul3A_1022 : vector<16xf32>
      %add3A_1024 = arith.addf %add3A_1006, %exp3A_1023 : vector<16xf32>
      %mul3A_1025 = arith.mulf %exp3A_1023, %sub3A_1015 : vector<16xf32>
      %add3A_1026 = arith.addf %add3A_1008, %mul3A_1025 : vector<16xf32>
      %div3A_1027 = arith.divf %add3A_1026, %add3A_1024 : vector<16xf32>
      %swap3A = arith.index_cast %shift_right_arithmetic3A_65 : i32 to index
      %swap3A_1028 = arith.index_cast %mul3A_69 : i32 to index
      %swap3A_1029 = tpu.vector_load %arg7[%swap3A, %swap3A_1028] {strides = array<i32>} : memref<48x128xf32, #tpu.memory_space<vmem>>, vector<1x16xf32>,
      %swap3A_1030 = vector.shape_cast %swap3A_1029 : vector<1x16xf32> to vector<16xf32>
      %swap3A_1031 = vector.shape_cast %div3A_1027 : vector<16xf32> to vector<1x16xf32>
      tpu.vector_store %arg7[%swap3A, %swap3A_1028], %swap3A_1031 {strides = array<i32>} : memref<48x128xf32, #tpu.memory_space<vmem>>, vector<1x16xf32>,
    }
    %scan3A_63 = arith.constant 384 : i32
    "tpu.region"() ({
      %run_scoped3A = tpu.sem_alloc : memref<!tpu.dma_semaphore, #tpu.memory_space<semaphore_mem>>
      %dma_start3A = arith.constant 0 : i32
      %dma_start3A_64 = tpu.memref_slice %arg4[%select_n3A, %multiple_of3A, %dma_start3A] : memref<4x384x128xf32, #tpu.memory_space<hbm>> -> memref<1x48x128xf32, #tpu.memory_space<hbm>>
      %dma_start3A_65 = tpu.memref_squeeze %dma_start3A_64 : memref<1x48x128xf32, #tpu.memory_space<hbm>> -> memref<48x128xf32, #tpu.memory_space<hbm>>
      %dma_start3A_66 = arith.constant 0 : i32
      %dma_start3A_67 = tpu.memref_slice %arg4[%select_n3A, %multiple_of3A, %dma_start3A_66] : memref<4x384x128xf32, #tpu.memory_space<hbm>> -> memref<1x48x128xf32, #tpu.memory_space<hbm>>
      %dma_start3A_68 = tpu.memref_squeeze %dma_start3A_67 : memref<1x48x128xf32, #tpu.memory_space<hbm>> -> memref<48x128xf32, #tpu.memory_space<hbm>>
      tpu.enqueue_dma source(%arg7 : memref<48x128xf32, #tpu.memory_space<vmem>>) target(%dma_start3A_68 : memref<48x128xf32, #tpu.memory_space<hbm>>) target_semaphore(%run_scoped3A : memref<!tpu.dma_semaphore, #tpu.memory_space<semaphore_mem>>)
      %dma_wait3A = arith.constant 0 : i32
      %dma_wait3A_69 = tpu.memref_slice %arg4[%select_n3A, %multiple_of3A, %dma_wait3A] : memref<4x384x128xf32, #tpu.memory_space<hbm>> -> memref<1x48x128xf32, #tpu.memory_space<hbm>>
      %dma_wait3A_70 = tpu.memref_squeeze %dma_wait3A_69 : memref<1x48x128xf32, #tpu.memory_space<hbm>> -> memref<48x128xf32, #tpu.memory_space<hbm>>
      %dma_wait3A_71 = arith.constant 0 : i32
      %dma_wait3A_72 = tpu.memref_slice %arg4[%select_n3A, %multiple_of3A, %dma_wait3A_71] : memref<4x384x128xf32, #tpu.memory_space<hbm>> -> memref<1x48x128xf32, #tpu.memory_space<hbm>>
      %dma_wait3A_73 = tpu.memref_squeeze %dma_wait3A_72 : memref<1x48x128xf32, #tpu.memory_space<hbm>> -> memref<48x128xf32, #tpu.memory_space<hbm>>
      tpu.wait_dma2 semaphore(%run_scoped3A : memref<!tpu.dma_semaphore, #tpu.memory_space<semaphore_mem>>) src(%arg7 : memref<48x128xf32, #tpu.memory_space<vmem>>) dst(%dma_wait3A_73 : memref<48x128xf32, #tpu.memory_space<hbm>>)
      tpu.yield
    }) : () -> ()
    return
  }
}

module attributes {stable_mosaic.version = 14 : i64} {
  func.func @_tc_body(%arg0: i32, %arg1: memref<1x2048x128xf32, #tpu.memory_space<vmem>>, %arg2: memref<1x16x128xf32, #tpu.memory_space<vmem>>, %arg3: memref<1x2048x128xf32, #tpu.memory_space<vmem>>, %arg4: memref<1x1664x128xf32, #tpu.memory_space<vmem>>) attributes {dimension_semantics = [#tpu.dimension_semantics<arbitrary>], iteration_bounds = array<i64: 4>, scalar_prefetch = 0 : i64, scratch_operands = 0 : i64, tpu.core_type = #tpu.core_type<tc>, window_params = [{transform_indices = @transform_0, window_bounds = array<i64: 1, 2048, 128>}, {transform_indices = @transform_1, window_bounds = array<i64: 1, 16, 128>}, {transform_indices = @transform_2, window_bounds = array<i64: 1, 2048, 128>}, {transform_indices = @transform_3, window_bounds = array<i64: 1, 1664, 128>}]} {
    %get3A = arith.constant 0 : index
    %get3A_0 = arith.constant 0 : index
    %get3A_1 = arith.constant 0 : index
    %get3A_2 = vector.load %arg3[%get3A, %get3A_0, %get3A_1] : memref<1x2048x128xf32, #tpu.memory_space<vmem>>, vector<1x2048x128xf32>
    %get3A_3 = vector.shape_cast %get3A_2 : vector<1x2048x128xf32> to vector<2048x128xf32>
    %slice3A = vector.extract_strided_slice %get3A_3 {offsets = [384, 0], sizes = [1664, 128], strides = [1, 1]} : vector<2048x128xf32> to vector<1664x128xf32>
    %get3A_4 = arith.constant 0 : index
    %get3A_5 = arith.constant 0 : index
    %get3A_6 = arith.constant 0 : index
    %get3A_7 = vector.load %arg1[%get3A_4, %get3A_5, %get3A_6] : memref<1x2048x128xf32, #tpu.memory_space<vmem>>, vector<1x2048x128xf32>
    %get3A_8 = vector.shape_cast %get3A_7 : vector<1x2048x128xf32> to vector<2048x128xf32>
    %slice3A_9 = vector.extract_strided_slice %get3A_8 {offsets = [368, 0], sizes = [1680, 128], strides = [1, 1]} : vector<2048x128xf32> to vector<1680x128xf32>
    %get3A_10 = arith.constant 0 : index
    %get3A_11 = arith.constant 0 : index
    %get3A_12 = arith.constant 0 : index
    %get3A_13 = vector.load %arg2[%get3A_10, %get3A_11, %get3A_12] : memref<1x16x128xf32, #tpu.memory_space<vmem>>, vector<1x16x128xf32>
    %get3A_14 = vector.shape_cast %get3A_13 : vector<1x16x128xf32> to vector<16x128xf32>
    %concatenate3A = tpu.concatenate %slice3A_9, %get3A_14 in 0 : vector<1680x128xf32>, vector<16x128xf32> -> vector<1696x128xf32>
    %slice3A_15 = vector.extract_strided_slice %concatenate3A {offsets = [0, 0], sizes = [1664, 128], strides = [1, 1]} : vector<1696x128xf32> to vector<1664x128xf32>
    %sub3A = arith.subf %slice3A, %slice3A_15 : vector<1664x128xf32>
    %abs3A = math.absf %sub3A : vector<1664x128xf32>
    %mul3A = arith.mulf %sub3A, %sub3A : vector<1664x128xf32>
    %add3A = arith.addf %abs3A, %mul3A : vector<1664x128xf32>
    %slice3A_16 = vector.extract_strided_slice %concatenate3A {offsets = [1, 0], sizes = [1664, 128], strides = [1, 1]} : vector<1696x128xf32> to vector<1664x128xf32>
    %sub3A_17 = arith.subf %slice3A, %slice3A_16 : vector<1664x128xf32>
    %abs3A_18 = math.absf %sub3A_17 : vector<1664x128xf32>
    %mul3A_19 = arith.mulf %sub3A_17, %sub3A_17 : vector<1664x128xf32>
    %add3A_20 = arith.addf %abs3A_18, %mul3A_19 : vector<1664x128xf32>
    %min3A = arith.minimumf %add3A, %add3A_20 : vector<1664x128xf32>
    %slice3A_21 = vector.extract_strided_slice %concatenate3A {offsets = [2, 0], sizes = [1664, 128], strides = [1, 1]} : vector<1696x128xf32> to vector<1664x128xf32>
    %sub3A_22 = arith.subf %slice3A, %slice3A_21 : vector<1664x128xf32>
    %abs3A_23 = math.absf %sub3A_22 : vector<1664x128xf32>
    %mul3A_24 = arith.mulf %sub3A_22, %sub3A_22 : vector<1664x128xf32>
    %add3A_25 = arith.addf %abs3A_23, %mul3A_24 : vector<1664x128xf32>
    %min3A_26 = arith.minimumf %min3A, %add3A_25 : vector<1664x128xf32>
    %slice3A_27 = vector.extract_strided_slice %concatenate3A {offsets = [3, 0], sizes = [1664, 128], strides = [1, 1]} : vector<1696x128xf32> to vector<1664x128xf32>
    %sub3A_28 = arith.subf %slice3A, %slice3A_27 : vector<1664x128xf32>
    %abs3A_29 = math.absf %sub3A_28 : vector<1664x128xf32>
    %mul3A_30 = arith.mulf %sub3A_28, %sub3A_28 : vector<1664x128xf32>
    %add3A_31 = arith.addf %abs3A_29, %mul3A_30 : vector<1664x128xf32>
    %min3A_32 = arith.minimumf %min3A_26, %add3A_31 : vector<1664x128xf32>
    %slice3A_33 = vector.extract_strided_slice %concatenate3A {offsets = [4, 0], sizes = [1664, 128], strides = [1, 1]} : vector<1696x128xf32> to vector<1664x128xf32>
    %sub3A_34 = arith.subf %slice3A, %slice3A_33 : vector<1664x128xf32>
    %abs3A_35 = math.absf %sub3A_34 : vector<1664x128xf32>
    %mul3A_36 = arith.mulf %sub3A_34, %sub3A_34 : vector<1664x128xf32>
    %add3A_37 = arith.addf %abs3A_35, %mul3A_36 : vector<1664x128xf32>
    %min3A_38 = arith.minimumf %min3A_32, %add3A_37 : vector<1664x128xf32>
    %slice3A_39 = vector.extract_strided_slice %concatenate3A {offsets = [5, 0], sizes = [1664, 128], strides = [1, 1]} : vector<1696x128xf32> to vector<1664x128xf32>
    %sub3A_40 = arith.subf %slice3A, %slice3A_39 : vector<1664x128xf32>
    %abs3A_41 = math.absf %sub3A_40 : vector<1664x128xf32>
    %mul3A_42 = arith.mulf %sub3A_40, %sub3A_40 : vector<1664x128xf32>
    %add3A_43 = arith.addf %abs3A_41, %mul3A_42 : vector<1664x128xf32>
    %min3A_44 = arith.minimumf %min3A_38, %add3A_43 : vector<1664x128xf32>
    %slice3A_45 = vector.extract_strided_slice %concatenate3A {offsets = [6, 0], sizes = [1664, 128], strides = [1, 1]} : vector<1696x128xf32> to vector<1664x128xf32>
    %sub3A_46 = arith.subf %slice3A, %slice3A_45 : vector<1664x128xf32>
    %abs3A_47 = math.absf %sub3A_46 : vector<1664x128xf32>
    %mul3A_48 = arith.mulf %sub3A_46, %sub3A_46 : vector<1664x128xf32>
    %add3A_49 = arith.addf %abs3A_47, %mul3A_48 : vector<1664x128xf32>
    %min3A_50 = arith.minimumf %min3A_44, %add3A_49 : vector<1664x128xf32>
    %slice3A_51 = vector.extract_strided_slice %concatenate3A {offsets = [7, 0], sizes = [1664, 128], strides = [1, 1]} : vector<1696x128xf32> to vector<1664x128xf32>
    %sub3A_52 = arith.subf %slice3A, %slice3A_51 : vector<1664x128xf32>
    %abs3A_53 = math.absf %sub3A_52 : vector<1664x128xf32>
    %mul3A_54 = arith.mulf %sub3A_52, %sub3A_52 : vector<1664x128xf32>
    %add3A_55 = arith.addf %abs3A_53, %mul3A_54 : vector<1664x128xf32>
    %min3A_56 = arith.minimumf %min3A_50, %add3A_55 : vector<1664x128xf32>
    %slice3A_57 = vector.extract_strided_slice %concatenate3A {offsets = [8, 0], sizes = [1664, 128], strides = [1, 1]} : vector<1696x128xf32> to vector<1664x128xf32>
    %sub3A_58 = arith.subf %slice3A, %slice3A_57 : vector<1664x128xf32>
    %abs3A_59 = math.absf %sub3A_58 : vector<1664x128xf32>
    %mul3A_60 = arith.mulf %sub3A_58, %sub3A_58 : vector<1664x128xf32>
    %add3A_61 = arith.addf %abs3A_59, %mul3A_60 : vector<1664x128xf32>
    %min3A_62 = arith.minimumf %min3A_56, %add3A_61 : vector<1664x128xf32>
    %slice3A_63 = vector.extract_strided_slice %concatenate3A {offsets = [9, 0], sizes = [1664, 128], strides = [1, 1]} : vector<1696x128xf32> to vector<1664x128xf32>
    %sub3A_64 = arith.subf %slice3A, %slice3A_63 : vector<1664x128xf32>
    %abs3A_65 = math.absf %sub3A_64 : vector<1664x128xf32>
    %mul3A_66 = arith.mulf %sub3A_64, %sub3A_64 : vector<1664x128xf32>
    %add3A_67 = arith.addf %abs3A_65, %mul3A_66 : vector<1664x128xf32>
    %min3A_68 = arith.minimumf %min3A_62, %add3A_67 : vector<1664x128xf32>
    %slice3A_69 = vector.extract_strided_slice %concatenate3A {offsets = [10, 0], sizes = [1664, 128], strides = [1, 1]} : vector<1696x128xf32> to vector<1664x128xf32>
    %sub3A_70 = arith.subf %slice3A, %slice3A_69 : vector<1664x128xf32>
    %abs3A_71 = math.absf %sub3A_70 : vector<1664x128xf32>
    %mul3A_72 = arith.mulf %sub3A_70, %sub3A_70 : vector<1664x128xf32>
    %add3A_73 = arith.addf %abs3A_71, %mul3A_72 : vector<1664x128xf32>
    %min3A_74 = arith.minimumf %min3A_68, %add3A_73 : vector<1664x128xf32>
    %slice3A_75 = vector.extract_strided_slice %concatenate3A {offsets = [11, 0], sizes = [1664, 128], strides = [1, 1]} : vector<1696x128xf32> to vector<1664x128xf32>
    %sub3A_76 = arith.subf %slice3A, %slice3A_75 : vector<1664x128xf32>
    %abs3A_77 = math.absf %sub3A_76 : vector<1664x128xf32>
    %mul3A_78 = arith.mulf %sub3A_76, %sub3A_76 : vector<1664x128xf32>
    %add3A_79 = arith.addf %abs3A_77, %mul3A_78 : vector<1664x128xf32>
    %min3A_80 = arith.minimumf %min3A_74, %add3A_79 : vector<1664x128xf32>
    %slice3A_81 = vector.extract_strided_slice %concatenate3A {offsets = [12, 0], sizes = [1664, 128], strides = [1, 1]} : vector<1696x128xf32> to vector<1664x128xf32>
    %sub3A_82 = arith.subf %slice3A, %slice3A_81 : vector<1664x128xf32>
    %abs3A_83 = math.absf %sub3A_82 : vector<1664x128xf32>
    %mul3A_84 = arith.mulf %sub3A_82, %sub3A_82 : vector<1664x128xf32>
    %add3A_85 = arith.addf %abs3A_83, %mul3A_84 : vector<1664x128xf32>
    %min3A_86 = arith.minimumf %min3A_80, %add3A_85 : vector<1664x128xf32>
    %slice3A_87 = vector.extract_strided_slice %concatenate3A {offsets = [13, 0], sizes = [1664, 128], strides = [1, 1]} : vector<1696x128xf32> to vector<1664x128xf32>
    %sub3A_88 = arith.subf %slice3A, %slice3A_87 : vector<1664x128xf32>
    %abs3A_89 = math.absf %sub3A_88 : vector<1664x128xf32>
    %mul3A_90 = arith.mulf %sub3A_88, %sub3A_88 : vector<1664x128xf32>
    %add3A_91 = arith.addf %abs3A_89, %mul3A_90 : vector<1664x128xf32>
    %min3A_92 = arith.minimumf %min3A_86, %add3A_91 : vector<1664x128xf32>
    %slice3A_93 = vector.extract_strided_slice %concatenate3A {offsets = [14, 0], sizes = [1664, 128], strides = [1, 1]} : vector<1696x128xf32> to vector<1664x128xf32>
    %sub3A_94 = arith.subf %slice3A, %slice3A_93 : vector<1664x128xf32>
    %abs3A_95 = math.absf %sub3A_94 : vector<1664x128xf32>
    %mul3A_96 = arith.mulf %sub3A_94, %sub3A_94 : vector<1664x128xf32>
    %add3A_97 = arith.addf %abs3A_95, %mul3A_96 : vector<1664x128xf32>
    %min3A_98 = arith.minimumf %min3A_92, %add3A_97 : vector<1664x128xf32>
    %slice3A_99 = vector.extract_strided_slice %concatenate3A {offsets = [15, 0], sizes = [1664, 128], strides = [1, 1]} : vector<1696x128xf32> to vector<1664x128xf32>
    %sub3A_100 = arith.subf %slice3A, %slice3A_99 : vector<1664x128xf32>
    %abs3A_101 = math.absf %sub3A_100 : vector<1664x128xf32>
    %mul3A_102 = arith.mulf %sub3A_100, %sub3A_100 : vector<1664x128xf32>
    %add3A_103 = arith.addf %abs3A_101, %mul3A_102 : vector<1664x128xf32>
    %min3A_104 = arith.minimumf %min3A_98, %add3A_103 : vector<1664x128xf32>
    %slice3A_105 = vector.extract_strided_slice %concatenate3A {offsets = [16, 0], sizes = [1664, 128], strides = [1, 1]} : vector<1696x128xf32> to vector<1664x128xf32>
    %sub3A_106 = arith.subf %slice3A, %slice3A_105 : vector<1664x128xf32>
    %abs3A_107 = math.absf %sub3A_106 : vector<1664x128xf32>
    %mul3A_108 = arith.mulf %sub3A_106, %sub3A_106 : vector<1664x128xf32>
    %add3A_109 = arith.addf %abs3A_107, %mul3A_108 : vector<1664x128xf32>
    %min3A_110 = arith.minimumf %min3A_104, %add3A_109 : vector<1664x128xf32>
    %slice3A_111 = vector.extract_strided_slice %concatenate3A {offsets = [17, 0], sizes = [1664, 128], strides = [1, 1]} : vector<1696x128xf32> to vector<1664x128xf32>
    %sub3A_112 = arith.subf %slice3A, %slice3A_111 : vector<1664x128xf32>
    %abs3A_113 = math.absf %sub3A_112 : vector<1664x128xf32>
    %mul3A_114 = arith.mulf %sub3A_112, %sub3A_112 : vector<1664x128xf32>
    %add3A_115 = arith.addf %abs3A_113, %mul3A_114 : vector<1664x128xf32>
    %min3A_116 = arith.minimumf %min3A_110, %add3A_115 : vector<1664x128xf32>
    %slice3A_117 = vector.extract_strided_slice %concatenate3A {offsets = [18, 0], sizes = [1664, 128], strides = [1, 1]} : vector<1696x128xf32> to vector<1664x128xf32>
    %sub3A_118 = arith.subf %slice3A, %slice3A_117 : vector<1664x128xf32>
    %abs3A_119 = math.absf %sub3A_118 : vector<1664x128xf32>
    %mul3A_120 = arith.mulf %sub3A_118, %sub3A_118 : vector<1664x128xf32>
    %add3A_121 = arith.addf %abs3A_119, %mul3A_120 : vector<1664x128xf32>
    %min3A_122 = arith.minimumf %min3A_116, %add3A_121 : vector<1664x128xf32>
    %slice3A_123 = vector.extract_strided_slice %concatenate3A {offsets = [19, 0], sizes = [1664, 128], strides = [1, 1]} : vector<1696x128xf32> to vector<1664x128xf32>
    %sub3A_124 = arith.subf %slice3A, %slice3A_123 : vector<1664x128xf32>
    %abs3A_125 = math.absf %sub3A_124 : vector<1664x128xf32>
    %mul3A_126 = arith.mulf %sub3A_124, %sub3A_124 : vector<1664x128xf32>
    %add3A_127 = arith.addf %abs3A_125, %mul3A_126 : vector<1664x128xf32>
    %min3A_128 = arith.minimumf %min3A_122, %add3A_127 : vector<1664x128xf32>
    %slice3A_129 = vector.extract_strided_slice %concatenate3A {offsets = [20, 0], sizes = [1664, 128], strides = [1, 1]} : vector<1696x128xf32> to vector<1664x128xf32>
    %sub3A_130 = arith.subf %slice3A, %slice3A_129 : vector<1664x128xf32>
    %abs3A_131 = math.absf %sub3A_130 : vector<1664x128xf32>
    %mul3A_132 = arith.mulf %sub3A_130, %sub3A_130 : vector<1664x128xf32>
    %add3A_133 = arith.addf %abs3A_131, %mul3A_132 : vector<1664x128xf32>
    %min3A_134 = arith.minimumf %min3A_128, %add3A_133 : vector<1664x128xf32>
    %slice3A_135 = vector.extract_strided_slice %concatenate3A {offsets = [21, 0], sizes = [1664, 128], strides = [1, 1]} : vector<1696x128xf32> to vector<1664x128xf32>
    %sub3A_136 = arith.subf %slice3A, %slice3A_135 : vector<1664x128xf32>
    %abs3A_137 = math.absf %sub3A_136 : vector<1664x128xf32>
    %mul3A_138 = arith.mulf %sub3A_136, %sub3A_136 : vector<1664x128xf32>
    %add3A_139 = arith.addf %abs3A_137, %mul3A_138 : vector<1664x128xf32>
    %min3A_140 = arith.minimumf %min3A_134, %add3A_139 : vector<1664x128xf32>
    %slice3A_141 = vector.extract_strided_slice %concatenate3A {offsets = [22, 0], sizes = [1664, 128], strides = [1, 1]} : vector<1696x128xf32> to vector<1664x128xf32>
    %sub3A_142 = arith.subf %slice3A, %slice3A_141 : vector<1664x128xf32>
    %abs3A_143 = math.absf %sub3A_142 : vector<1664x128xf32>
    %mul3A_144 = arith.mulf %sub3A_142, %sub3A_142 : vector<1664x128xf32>
    %add3A_145 = arith.addf %abs3A_143, %mul3A_144 : vector<1664x128xf32>
    %min3A_146 = arith.minimumf %min3A_140, %add3A_145 : vector<1664x128xf32>
    %slice3A_147 = vector.extract_strided_slice %concatenate3A {offsets = [23, 0], sizes = [1664, 128], strides = [1, 1]} : vector<1696x128xf32> to vector<1664x128xf32>
    %sub3A_148 = arith.subf %slice3A, %slice3A_147 : vector<1664x128xf32>
    %abs3A_149 = math.absf %sub3A_148 : vector<1664x128xf32>
    %mul3A_150 = arith.mulf %sub3A_148, %sub3A_148 : vector<1664x128xf32>
    %add3A_151 = arith.addf %abs3A_149, %mul3A_150 : vector<1664x128xf32>
    %min3A_152 = arith.minimumf %min3A_146, %add3A_151 : vector<1664x128xf32>
    %slice3A_153 = vector.extract_strided_slice %concatenate3A {offsets = [24, 0], sizes = [1664, 128], strides = [1, 1]} : vector<1696x128xf32> to vector<1664x128xf32>
    %sub3A_154 = arith.subf %slice3A, %slice3A_153 : vector<1664x128xf32>
    %abs3A_155 = math.absf %sub3A_154 : vector<1664x128xf32>
    %mul3A_156 = arith.mulf %sub3A_154, %sub3A_154 : vector<1664x128xf32>
    %add3A_157 = arith.addf %abs3A_155, %mul3A_156 : vector<1664x128xf32>
    %min3A_158 = arith.minimumf %min3A_152, %add3A_157 : vector<1664x128xf32>
    %slice3A_159 = vector.extract_strided_slice %concatenate3A {offsets = [25, 0], sizes = [1664, 128], strides = [1, 1]} : vector<1696x128xf32> to vector<1664x128xf32>
    %sub3A_160 = arith.subf %slice3A, %slice3A_159 : vector<1664x128xf32>
    %abs3A_161 = math.absf %sub3A_160 : vector<1664x128xf32>
    %mul3A_162 = arith.mulf %sub3A_160, %sub3A_160 : vector<1664x128xf32>
    %add3A_163 = arith.addf %abs3A_161, %mul3A_162 : vector<1664x128xf32>
    %min3A_164 = arith.minimumf %min3A_158, %add3A_163 : vector<1664x128xf32>
    %slice3A_165 = vector.extract_strided_slice %concatenate3A {offsets = [26, 0], sizes = [1664, 128], strides = [1, 1]} : vector<1696x128xf32> to vector<1664x128xf32>
    %sub3A_166 = arith.subf %slice3A, %slice3A_165 : vector<1664x128xf32>
    %abs3A_167 = math.absf %sub3A_166 : vector<1664x128xf32>
    %mul3A_168 = arith.mulf %sub3A_166, %sub3A_166 : vector<1664x128xf32>
    %add3A_169 = arith.addf %abs3A_167, %mul3A_168 : vector<1664x128xf32>
    %min3A_170 = arith.minimumf %min3A_164, %add3A_169 : vector<1664x128xf32>
    %slice3A_171 = vector.extract_strided_slice %concatenate3A {offsets = [27, 0], sizes = [1664, 128], strides = [1, 1]} : vector<1696x128xf32> to vector<1664x128xf32>
    %sub3A_172 = arith.subf %slice3A, %slice3A_171 : vector<1664x128xf32>
    %abs3A_173 = math.absf %sub3A_172 : vector<1664x128xf32>
    %mul3A_174 = arith.mulf %sub3A_172, %sub3A_172 : vector<1664x128xf32>
    %add3A_175 = arith.addf %abs3A_173, %mul3A_174 : vector<1664x128xf32>
    %min3A_176 = arith.minimumf %min3A_170, %add3A_175 : vector<1664x128xf32>
    %slice3A_177 = vector.extract_strided_slice %concatenate3A {offsets = [28, 0], sizes = [1664, 128], strides = [1, 1]} : vector<1696x128xf32> to vector<1664x128xf32>
    %sub3A_178 = arith.subf %slice3A, %slice3A_177 : vector<1664x128xf32>
    %abs3A_179 = math.absf %sub3A_178 : vector<1664x128xf32>
    %mul3A_180 = arith.mulf %sub3A_178, %sub3A_178 : vector<1664x128xf32>
    %add3A_181 = arith.addf %abs3A_179, %mul3A_180 : vector<1664x128xf32>
    %min3A_182 = arith.minimumf %min3A_176, %add3A_181 : vector<1664x128xf32>
    %slice3A_183 = vector.extract_strided_slice %concatenate3A {offsets = [29, 0], sizes = [1664, 128], strides = [1, 1]} : vector<1696x128xf32> to vector<1664x128xf32>
    %sub3A_184 = arith.subf %slice3A, %slice3A_183 : vector<1664x128xf32>
    %abs3A_185 = math.absf %sub3A_184 : vector<1664x128xf32>
    %mul3A_186 = arith.mulf %sub3A_184, %sub3A_184 : vector<1664x128xf32>
    %add3A_187 = arith.addf %abs3A_185, %mul3A_186 : vector<1664x128xf32>
    %min3A_188 = arith.minimumf %min3A_182, %add3A_187 : vector<1664x128xf32>
    %slice3A_189 = vector.extract_strided_slice %concatenate3A {offsets = [30, 0], sizes = [1664, 128], strides = [1, 1]} : vector<1696x128xf32> to vector<1664x128xf32>
    %sub3A_190 = arith.subf %slice3A, %slice3A_189 : vector<1664x128xf32>
    %abs3A_191 = math.absf %sub3A_190 : vector<1664x128xf32>
    %mul3A_192 = arith.mulf %sub3A_190, %sub3A_190 : vector<1664x128xf32>
    %add3A_193 = arith.addf %abs3A_191, %mul3A_192 : vector<1664x128xf32>
    %min3A_194 = arith.minimumf %min3A_188, %add3A_193 : vector<1664x128xf32>
    %slice3A_195 = vector.extract_strided_slice %concatenate3A {offsets = [31, 0], sizes = [1664, 128], strides = [1, 1]} : vector<1696x128xf32> to vector<1664x128xf32>
    %sub3A_196 = arith.subf %slice3A, %slice3A_195 : vector<1664x128xf32>
    %abs3A_197 = math.absf %sub3A_196 : vector<1664x128xf32>
    %mul3A_198 = arith.mulf %sub3A_196, %sub3A_196 : vector<1664x128xf32>
    %add3A_199 = arith.addf %abs3A_197, %mul3A_198 : vector<1664x128xf32>
    %min3A_200 = arith.minimumf %min3A_194, %add3A_199 : vector<1664x128xf32>
    %slice3A_201 = vector.extract_strided_slice %concatenate3A {offsets = [32, 0], sizes = [1664, 128], strides = [1, 1]} : vector<1696x128xf32> to vector<1664x128xf32>
    %sub3A_202 = arith.subf %slice3A, %slice3A_201 : vector<1664x128xf32>
    %abs3A_203 = math.absf %sub3A_202 : vector<1664x128xf32>
    %mul3A_204 = arith.mulf %sub3A_202, %sub3A_202 : vector<1664x128xf32>
    %add3A_205 = arith.addf %abs3A_203, %mul3A_204 : vector<1664x128xf32>
    %min3A_206 = arith.minimumf %min3A_200, %add3A_205 : vector<1664x128xf32>
    %broadcast_in_dim3A = arith.constant 0.000000e+00 : f32
    %broadcast_in_dim3A_207 = vector.broadcast %broadcast_in_dim3A : f32 to vector<1664x128xf32>
    %broadcast_in_dim3A_208 = arith.constant 0.000000e+00 : f32
    %broadcast_in_dim3A_209 = vector.broadcast %broadcast_in_dim3A_208 : f32 to vector<1664x128xf32>
    %slice3A_210 = vector.extract_strided_slice %concatenate3A {offsets = [0, 0], sizes = [1664, 128], strides = [1, 1]} : vector<1696x128xf32> to vector<1664x128xf32>
    %sub3A_211 = arith.subf %slice3A, %slice3A_210 : vector<1664x128xf32>
    %abs3A_212 = math.absf %sub3A_211 : vector<1664x128xf32>
    %mul3A_213 = arith.mulf %sub3A_211, %sub3A_211 : vector<1664x128xf32>
    %add3A_214 = arith.addf %abs3A_212, %mul3A_213 : vector<1664x128xf32>
    %sub3A_215 = arith.subf %add3A_214, %min3A_206 : vector<1664x128xf32>
    %mul3A_216 = arith.constant -7.21347522 : f32
    %mul3A_217 = vector.broadcast %mul3A_216 : f32 to vector<1664x128xf32>
    %mul3A_218 = arith.mulf %mul3A_217, %sub3A_215 : vector<1664x128xf32>
    %exp23A = math.exp2 %mul3A_218 : vector<1664x128xf32>
    %add3A_219 = arith.addf %broadcast_in_dim3A_209, %exp23A : vector<1664x128xf32>
    %mul3A_220 = arith.mulf %exp23A, %sub3A_211 : vector<1664x128xf32>
    %add3A_221 = arith.addf %broadcast_in_dim3A_207, %mul3A_220 : vector<1664x128xf32>
    %slice3A_222 = vector.extract_strided_slice %concatenate3A {offsets = [1, 0], sizes = [1664, 128], strides = [1, 1]} : vector<1696x128xf32> to vector<1664x128xf32>
    %sub3A_223 = arith.subf %slice3A, %slice3A_222 : vector<1664x128xf32>
    %abs3A_224 = math.absf %sub3A_223 : vector<1664x128xf32>
    %mul3A_225 = arith.mulf %sub3A_223, %sub3A_223 : vector<1664x128xf32>
    %add3A_226 = arith.addf %abs3A_224, %mul3A_225 : vector<1664x128xf32>
    %sub3A_227 = arith.subf %add3A_226, %min3A_206 : vector<1664x128xf32>
    %mul3A_228 = arith.constant -7.21347522 : f32
    %mul3A_229 = vector.broadcast %mul3A_228 : f32 to vector<1664x128xf32>
    %mul3A_230 = arith.mulf %mul3A_229, %sub3A_227 : vector<1664x128xf32>
    %exp23A_231 = math.exp2 %mul3A_230 : vector<1664x128xf32>
    %add3A_232 = arith.addf %add3A_219, %exp23A_231 : vector<1664x128xf32>
    %mul3A_233 = arith.mulf %exp23A_231, %sub3A_223 : vector<1664x128xf32>
    %add3A_234 = arith.addf %add3A_221, %mul3A_233 : vector<1664x128xf32>
    %slice3A_235 = vector.extract_strided_slice %concatenate3A {offsets = [2, 0], sizes = [1664, 128], strides = [1, 1]} : vector<1696x128xf32> to vector<1664x128xf32>
    %sub3A_236 = arith.subf %slice3A, %slice3A_235 : vector<1664x128xf32>
    %abs3A_237 = math.absf %sub3A_236 : vector<1664x128xf32>
    %mul3A_238 = arith.mulf %sub3A_236, %sub3A_236 : vector<1664x128xf32>
    %add3A_239 = arith.addf %abs3A_237, %mul3A_238 : vector<1664x128xf32>
    %sub3A_240 = arith.subf %add3A_239, %min3A_206 : vector<1664x128xf32>
    %mul3A_241 = arith.constant -7.21347522 : f32
    %mul3A_242 = vector.broadcast %mul3A_241 : f32 to vector<1664x128xf32>
    %mul3A_243 = arith.mulf %mul3A_242, %sub3A_240 : vector<1664x128xf32>
    %exp23A_244 = math.exp2 %mul3A_243 : vector<1664x128xf32>
    %add3A_245 = arith.addf %add3A_232, %exp23A_244 : vector<1664x128xf32>
    %mul3A_246 = arith.mulf %exp23A_244, %sub3A_236 : vector<1664x128xf32>
    %add3A_247 = arith.addf %add3A_234, %mul3A_246 : vector<1664x128xf32>
    %slice3A_248 = vector.extract_strided_slice %concatenate3A {offsets = [3, 0], sizes = [1664, 128], strides = [1, 1]} : vector<1696x128xf32> to vector<1664x128xf32>
    %sub3A_249 = arith.subf %slice3A, %slice3A_248 : vector<1664x128xf32>
    %abs3A_250 = math.absf %sub3A_249 : vector<1664x128xf32>
    %mul3A_251 = arith.mulf %sub3A_249, %sub3A_249 : vector<1664x128xf32>
    %add3A_252 = arith.addf %abs3A_250, %mul3A_251 : vector<1664x128xf32>
    %sub3A_253 = arith.subf %add3A_252, %min3A_206 : vector<1664x128xf32>
    %mul3A_254 = arith.constant -7.21347522 : f32
    %mul3A_255 = vector.broadcast %mul3A_254 : f32 to vector<1664x128xf32>
    %mul3A_256 = arith.mulf %mul3A_255, %sub3A_253 : vector<1664x128xf32>
    %exp23A_257 = math.exp2 %mul3A_256 : vector<1664x128xf32>
    %add3A_258 = arith.addf %add3A_245, %exp23A_257 : vector<1664x128xf32>
    %mul3A_259 = arith.mulf %exp23A_257, %sub3A_249 : vector<1664x128xf32>
    %add3A_260 = arith.addf %add3A_247, %mul3A_259 : vector<1664x128xf32>
    %slice3A_261 = vector.extract_strided_slice %concatenate3A {offsets = [4, 0], sizes = [1664, 128], strides = [1, 1]} : vector<1696x128xf32> to vector<1664x128xf32>
    %sub3A_262 = arith.subf %slice3A, %slice3A_261 : vector<1664x128xf32>
    %abs3A_263 = math.absf %sub3A_262 : vector<1664x128xf32>
    %mul3A_264 = arith.mulf %sub3A_262, %sub3A_262 : vector<1664x128xf32>
    %add3A_265 = arith.addf %abs3A_263, %mul3A_264 : vector<1664x128xf32>
    %sub3A_266 = arith.subf %add3A_265, %min3A_206 : vector<1664x128xf32>
    %mul3A_267 = arith.constant -7.21347522 : f32
    %mul3A_268 = vector.broadcast %mul3A_267 : f32 to vector<1664x128xf32>
    %mul3A_269 = arith.mulf %mul3A_268, %sub3A_266 : vector<1664x128xf32>
    %exp23A_270 = math.exp2 %mul3A_269 : vector<1664x128xf32>
    %add3A_271 = arith.addf %add3A_258, %exp23A_270 : vector<1664x128xf32>
    %mul3A_272 = arith.mulf %exp23A_270, %sub3A_262 : vector<1664x128xf32>
    %add3A_273 = arith.addf %add3A_260, %mul3A_272 : vector<1664x128xf32>
    %slice3A_274 = vector.extract_strided_slice %concatenate3A {offsets = [5, 0], sizes = [1664, 128], strides = [1, 1]} : vector<1696x128xf32> to vector<1664x128xf32>
    %sub3A_275 = arith.subf %slice3A, %slice3A_274 : vector<1664x128xf32>
    %abs3A_276 = math.absf %sub3A_275 : vector<1664x128xf32>
    %mul3A_277 = arith.mulf %sub3A_275, %sub3A_275 : vector<1664x128xf32>
    %add3A_278 = arith.addf %abs3A_276, %mul3A_277 : vector<1664x128xf32>
    %sub3A_279 = arith.subf %add3A_278, %min3A_206 : vector<1664x128xf32>
    %mul3A_280 = arith.constant -7.21347522 : f32
    %mul3A_281 = vector.broadcast %mul3A_280 : f32 to vector<1664x128xf32>
    %mul3A_282 = arith.mulf %mul3A_281, %sub3A_279 : vector<1664x128xf32>
    %exp23A_283 = math.exp2 %mul3A_282 : vector<1664x128xf32>
    %add3A_284 = arith.addf %add3A_271, %exp23A_283 : vector<1664x128xf32>
    %mul3A_285 = arith.mulf %exp23A_283, %sub3A_275 : vector<1664x128xf32>
    %add3A_286 = arith.addf %add3A_273, %mul3A_285 : vector<1664x128xf32>
    %slice3A_287 = vector.extract_strided_slice %concatenate3A {offsets = [6, 0], sizes = [1664, 128], strides = [1, 1]} : vector<1696x128xf32> to vector<1664x128xf32>
    %sub3A_288 = arith.subf %slice3A, %slice3A_287 : vector<1664x128xf32>
    %abs3A_289 = math.absf %sub3A_288 : vector<1664x128xf32>
    %mul3A_290 = arith.mulf %sub3A_288, %sub3A_288 : vector<1664x128xf32>
    %add3A_291 = arith.addf %abs3A_289, %mul3A_290 : vector<1664x128xf32>
    %sub3A_292 = arith.subf %add3A_291, %min3A_206 : vector<1664x128xf32>
    %mul3A_293 = arith.constant -7.21347522 : f32
    %mul3A_294 = vector.broadcast %mul3A_293 : f32 to vector<1664x128xf32>
    %mul3A_295 = arith.mulf %mul3A_294, %sub3A_292 : vector<1664x128xf32>
    %exp23A_296 = math.exp2 %mul3A_295 : vector<1664x128xf32>
    %add3A_297 = arith.addf %add3A_284, %exp23A_296 : vector<1664x128xf32>
    %mul3A_298 = arith.mulf %exp23A_296, %sub3A_288 : vector<1664x128xf32>
    %add3A_299 = arith.addf %add3A_286, %mul3A_298 : vector<1664x128xf32>
    %slice3A_300 = vector.extract_strided_slice %concatenate3A {offsets = [7, 0], sizes = [1664, 128], strides = [1, 1]} : vector<1696x128xf32> to vector<1664x128xf32>
    %sub3A_301 = arith.subf %slice3A, %slice3A_300 : vector<1664x128xf32>
    %abs3A_302 = math.absf %sub3A_301 : vector<1664x128xf32>
    %mul3A_303 = arith.mulf %sub3A_301, %sub3A_301 : vector<1664x128xf32>
    %add3A_304 = arith.addf %abs3A_302, %mul3A_303 : vector<1664x128xf32>
    %sub3A_305 = arith.subf %add3A_304, %min3A_206 : vector<1664x128xf32>
    %mul3A_306 = arith.constant -7.21347522 : f32
    %mul3A_307 = vector.broadcast %mul3A_306 : f32 to vector<1664x128xf32>
    %mul3A_308 = arith.mulf %mul3A_307, %sub3A_305 : vector<1664x128xf32>
    %exp23A_309 = math.exp2 %mul3A_308 : vector<1664x128xf32>
    %add3A_310 = arith.addf %add3A_297, %exp23A_309 : vector<1664x128xf32>
    %mul3A_311 = arith.mulf %exp23A_309, %sub3A_301 : vector<1664x128xf32>
    %add3A_312 = arith.addf %add3A_299, %mul3A_311 : vector<1664x128xf32>
    %slice3A_313 = vector.extract_strided_slice %concatenate3A {offsets = [8, 0], sizes = [1664, 128], strides = [1, 1]} : vector<1696x128xf32> to vector<1664x128xf32>
    %sub3A_314 = arith.subf %slice3A, %slice3A_313 : vector<1664x128xf32>
    %abs3A_315 = math.absf %sub3A_314 : vector<1664x128xf32>
    %mul3A_316 = arith.mulf %sub3A_314, %sub3A_314 : vector<1664x128xf32>
    %add3A_317 = arith.addf %abs3A_315, %mul3A_316 : vector<1664x128xf32>
    %sub3A_318 = arith.subf %add3A_317, %min3A_206 : vector<1664x128xf32>
    %mul3A_319 = arith.constant -7.21347522 : f32
    %mul3A_320 = vector.broadcast %mul3A_319 : f32 to vector<1664x128xf32>
    %mul3A_321 = arith.mulf %mul3A_320, %sub3A_318 : vector<1664x128xf32>
    %exp23A_322 = math.exp2 %mul3A_321 : vector<1664x128xf32>
    %add3A_323 = arith.addf %add3A_310, %exp23A_322 : vector<1664x128xf32>
    %mul3A_324 = arith.mulf %exp23A_322, %sub3A_314 : vector<1664x128xf32>
    %add3A_325 = arith.addf %add3A_312, %mul3A_324 : vector<1664x128xf32>
    %slice3A_326 = vector.extract_strided_slice %concatenate3A {offsets = [9, 0], sizes = [1664, 128], strides = [1, 1]} : vector<1696x128xf32> to vector<1664x128xf32>
    %sub3A_327 = arith.subf %slice3A, %slice3A_326 : vector<1664x128xf32>
    %abs3A_328 = math.absf %sub3A_327 : vector<1664x128xf32>
    %mul3A_329 = arith.mulf %sub3A_327, %sub3A_327 : vector<1664x128xf32>
    %add3A_330 = arith.addf %abs3A_328, %mul3A_329 : vector<1664x128xf32>
    %sub3A_331 = arith.subf %add3A_330, %min3A_206 : vector<1664x128xf32>
    %mul3A_332 = arith.constant -7.21347522 : f32
    %mul3A_333 = vector.broadcast %mul3A_332 : f32 to vector<1664x128xf32>
    %mul3A_334 = arith.mulf %mul3A_333, %sub3A_331 : vector<1664x128xf32>
    %exp23A_335 = math.exp2 %mul3A_334 : vector<1664x128xf32>
    %add3A_336 = arith.addf %add3A_323, %exp23A_335 : vector<1664x128xf32>
    %mul3A_337 = arith.mulf %exp23A_335, %sub3A_327 : vector<1664x128xf32>
    %add3A_338 = arith.addf %add3A_325, %mul3A_337 : vector<1664x128xf32>
    %slice3A_339 = vector.extract_strided_slice %concatenate3A {offsets = [10, 0], sizes = [1664, 128], strides = [1, 1]} : vector<1696x128xf32> to vector<1664x128xf32>
    %sub3A_340 = arith.subf %slice3A, %slice3A_339 : vector<1664x128xf32>
    %abs3A_341 = math.absf %sub3A_340 : vector<1664x128xf32>
    %mul3A_342 = arith.mulf %sub3A_340, %sub3A_340 : vector<1664x128xf32>
    %add3A_343 = arith.addf %abs3A_341, %mul3A_342 : vector<1664x128xf32>
    %sub3A_344 = arith.subf %add3A_343, %min3A_206 : vector<1664x128xf32>
    %mul3A_345 = arith.constant -7.21347522 : f32
    %mul3A_346 = vector.broadcast %mul3A_345 : f32 to vector<1664x128xf32>
    %mul3A_347 = arith.mulf %mul3A_346, %sub3A_344 : vector<1664x128xf32>
    %exp23A_348 = math.exp2 %mul3A_347 : vector<1664x128xf32>
    %add3A_349 = arith.addf %add3A_336, %exp23A_348 : vector<1664x128xf32>
    %mul3A_350 = arith.mulf %exp23A_348, %sub3A_340 : vector<1664x128xf32>
    %add3A_351 = arith.addf %add3A_338, %mul3A_350 : vector<1664x128xf32>
    %slice3A_352 = vector.extract_strided_slice %concatenate3A {offsets = [11, 0], sizes = [1664, 128], strides = [1, 1]} : vector<1696x128xf32> to vector<1664x128xf32>
    %sub3A_353 = arith.subf %slice3A, %slice3A_352 : vector<1664x128xf32>
    %abs3A_354 = math.absf %sub3A_353 : vector<1664x128xf32>
    %mul3A_355 = arith.mulf %sub3A_353, %sub3A_353 : vector<1664x128xf32>
    %add3A_356 = arith.addf %abs3A_354, %mul3A_355 : vector<1664x128xf32>
    %sub3A_357 = arith.subf %add3A_356, %min3A_206 : vector<1664x128xf32>
    %mul3A_358 = arith.constant -7.21347522 : f32
    %mul3A_359 = vector.broadcast %mul3A_358 : f32 to vector<1664x128xf32>
    %mul3A_360 = arith.mulf %mul3A_359, %sub3A_357 : vector<1664x128xf32>
    %exp23A_361 = math.exp2 %mul3A_360 : vector<1664x128xf32>
    %add3A_362 = arith.addf %add3A_349, %exp23A_361 : vector<1664x128xf32>
    %mul3A_363 = arith.mulf %exp23A_361, %sub3A_353 : vector<1664x128xf32>
    %add3A_364 = arith.addf %add3A_351, %mul3A_363 : vector<1664x128xf32>
    %slice3A_365 = vector.extract_strided_slice %concatenate3A {offsets = [12, 0], sizes = [1664, 128], strides = [1, 1]} : vector<1696x128xf32> to vector<1664x128xf32>
    %sub3A_366 = arith.subf %slice3A, %slice3A_365 : vector<1664x128xf32>
    %abs3A_367 = math.absf %sub3A_366 : vector<1664x128xf32>
    %mul3A_368 = arith.mulf %sub3A_366, %sub3A_366 : vector<1664x128xf32>
    %add3A_369 = arith.addf %abs3A_367, %mul3A_368 : vector<1664x128xf32>
    %sub3A_370 = arith.subf %add3A_369, %min3A_206 : vector<1664x128xf32>
    %mul3A_371 = arith.constant -7.21347522 : f32
    %mul3A_372 = vector.broadcast %mul3A_371 : f32 to vector<1664x128xf32>
    %mul3A_373 = arith.mulf %mul3A_372, %sub3A_370 : vector<1664x128xf32>
    %exp23A_374 = math.exp2 %mul3A_373 : vector<1664x128xf32>
    %add3A_375 = arith.addf %add3A_362, %exp23A_374 : vector<1664x128xf32>
    %mul3A_376 = arith.mulf %exp23A_374, %sub3A_366 : vector<1664x128xf32>
    %add3A_377 = arith.addf %add3A_364, %mul3A_376 : vector<1664x128xf32>
    %slice3A_378 = vector.extract_strided_slice %concatenate3A {offsets = [13, 0], sizes = [1664, 128], strides = [1, 1]} : vector<1696x128xf32> to vector<1664x128xf32>
    %sub3A_379 = arith.subf %slice3A, %slice3A_378 : vector<1664x128xf32>
    %abs3A_380 = math.absf %sub3A_379 : vector<1664x128xf32>
    %mul3A_381 = arith.mulf %sub3A_379, %sub3A_379 : vector<1664x128xf32>
    %add3A_382 = arith.addf %abs3A_380, %mul3A_381 : vector<1664x128xf32>
    %sub3A_383 = arith.subf %add3A_382, %min3A_206 : vector<1664x128xf32>
    %mul3A_384 = arith.constant -7.21347522 : f32
    %mul3A_385 = vector.broadcast %mul3A_384 : f32 to vector<1664x128xf32>
    %mul3A_386 = arith.mulf %mul3A_385, %sub3A_383 : vector<1664x128xf32>
    %exp23A_387 = math.exp2 %mul3A_386 : vector<1664x128xf32>
    %add3A_388 = arith.addf %add3A_375, %exp23A_387 : vector<1664x128xf32>
    %mul3A_389 = arith.mulf %exp23A_387, %sub3A_379 : vector<1664x128xf32>
    %add3A_390 = arith.addf %add3A_377, %mul3A_389 : vector<1664x128xf32>
    %slice3A_391 = vector.extract_strided_slice %concatenate3A {offsets = [14, 0], sizes = [1664, 128], strides = [1, 1]} : vector<1696x128xf32> to vector<1664x128xf32>
    %sub3A_392 = arith.subf %slice3A, %slice3A_391 : vector<1664x128xf32>
    %abs3A_393 = math.absf %sub3A_392 : vector<1664x128xf32>
    %mul3A_394 = arith.mulf %sub3A_392, %sub3A_392 : vector<1664x128xf32>
    %add3A_395 = arith.addf %abs3A_393, %mul3A_394 : vector<1664x128xf32>
    %sub3A_396 = arith.subf %add3A_395, %min3A_206 : vector<1664x128xf32>
    %mul3A_397 = arith.constant -7.21347522 : f32
    %mul3A_398 = vector.broadcast %mul3A_397 : f32 to vector<1664x128xf32>
    %mul3A_399 = arith.mulf %mul3A_398, %sub3A_396 : vector<1664x128xf32>
    %exp23A_400 = math.exp2 %mul3A_399 : vector<1664x128xf32>
    %add3A_401 = arith.addf %add3A_388, %exp23A_400 : vector<1664x128xf32>
    %mul3A_402 = arith.mulf %exp23A_400, %sub3A_392 : vector<1664x128xf32>
    %add3A_403 = arith.addf %add3A_390, %mul3A_402 : vector<1664x128xf32>
    %slice3A_404 = vector.extract_strided_slice %concatenate3A {offsets = [15, 0], sizes = [1664, 128], strides = [1, 1]} : vector<1696x128xf32> to vector<1664x128xf32>
    %sub3A_405 = arith.subf %slice3A, %slice3A_404 : vector<1664x128xf32>
    %abs3A_406 = math.absf %sub3A_405 : vector<1664x128xf32>
    %mul3A_407 = arith.mulf %sub3A_405, %sub3A_405 : vector<1664x128xf32>
    %add3A_408 = arith.addf %abs3A_406, %mul3A_407 : vector<1664x128xf32>
    %sub3A_409 = arith.subf %add3A_408, %min3A_206 : vector<1664x128xf32>
    %mul3A_410 = arith.constant -7.21347522 : f32
    %mul3A_411 = vector.broadcast %mul3A_410 : f32 to vector<1664x128xf32>
    %mul3A_412 = arith.mulf %mul3A_411, %sub3A_409 : vector<1664x128xf32>
    %exp23A_413 = math.exp2 %mul3A_412 : vector<1664x128xf32>
    %add3A_414 = arith.addf %add3A_401, %exp23A_413 : vector<1664x128xf32>
    %mul3A_415 = arith.mulf %exp23A_413, %sub3A_405 : vector<1664x128xf32>
    %add3A_416 = arith.addf %add3A_403, %mul3A_415 : vector<1664x128xf32>
    %slice3A_417 = vector.extract_strided_slice %concatenate3A {offsets = [16, 0], sizes = [1664, 128], strides = [1, 1]} : vector<1696x128xf32> to vector<1664x128xf32>
    %sub3A_418 = arith.subf %slice3A, %slice3A_417 : vector<1664x128xf32>
    %abs3A_419 = math.absf %sub3A_418 : vector<1664x128xf32>
    %mul3A_420 = arith.mulf %sub3A_418, %sub3A_418 : vector<1664x128xf32>
    %add3A_421 = arith.addf %abs3A_419, %mul3A_420 : vector<1664x128xf32>
    %sub3A_422 = arith.subf %add3A_421, %min3A_206 : vector<1664x128xf32>
    %mul3A_423 = arith.constant -7.21347522 : f32
    %mul3A_424 = vector.broadcast %mul3A_423 : f32 to vector<1664x128xf32>
    %mul3A_425 = arith.mulf %mul3A_424, %sub3A_422 : vector<1664x128xf32>
    %exp23A_426 = math.exp2 %mul3A_425 : vector<1664x128xf32>
    %add3A_427 = arith.addf %add3A_414, %exp23A_426 : vector<1664x128xf32>
    %mul3A_428 = arith.mulf %exp23A_426, %sub3A_418 : vector<1664x128xf32>
    %add3A_429 = arith.addf %add3A_416, %mul3A_428 : vector<1664x128xf32>
    %slice3A_430 = vector.extract_strided_slice %concatenate3A {offsets = [17, 0], sizes = [1664, 128], strides = [1, 1]} : vector<1696x128xf32> to vector<1664x128xf32>
    %sub3A_431 = arith.subf %slice3A, %slice3A_430 : vector<1664x128xf32>
    %abs3A_432 = math.absf %sub3A_431 : vector<1664x128xf32>
    %mul3A_433 = arith.mulf %sub3A_431, %sub3A_431 : vector<1664x128xf32>
    %add3A_434 = arith.addf %abs3A_432, %mul3A_433 : vector<1664x128xf32>
    %sub3A_435 = arith.subf %add3A_434, %min3A_206 : vector<1664x128xf32>
    %mul3A_436 = arith.constant -7.21347522 : f32
    %mul3A_437 = vector.broadcast %mul3A_436 : f32 to vector<1664x128xf32>
    %mul3A_438 = arith.mulf %mul3A_437, %sub3A_435 : vector<1664x128xf32>
    %exp23A_439 = math.exp2 %mul3A_438 : vector<1664x128xf32>
    %add3A_440 = arith.addf %add3A_427, %exp23A_439 : vector<1664x128xf32>
    %mul3A_441 = arith.mulf %exp23A_439, %sub3A_431 : vector<1664x128xf32>
    %add3A_442 = arith.addf %add3A_429, %mul3A_441 : vector<1664x128xf32>
    %slice3A_443 = vector.extract_strided_slice %concatenate3A {offsets = [18, 0], sizes = [1664, 128], strides = [1, 1]} : vector<1696x128xf32> to vector<1664x128xf32>
    %sub3A_444 = arith.subf %slice3A, %slice3A_443 : vector<1664x128xf32>
    %abs3A_445 = math.absf %sub3A_444 : vector<1664x128xf32>
    %mul3A_446 = arith.mulf %sub3A_444, %sub3A_444 : vector<1664x128xf32>
    %add3A_447 = arith.addf %abs3A_445, %mul3A_446 : vector<1664x128xf32>
    %sub3A_448 = arith.subf %add3A_447, %min3A_206 : vector<1664x128xf32>
    %mul3A_449 = arith.constant -7.21347522 : f32
    %mul3A_450 = vector.broadcast %mul3A_449 : f32 to vector<1664x128xf32>
    %mul3A_451 = arith.mulf %mul3A_450, %sub3A_448 : vector<1664x128xf32>
    %exp23A_452 = math.exp2 %mul3A_451 : vector<1664x128xf32>
    %add3A_453 = arith.addf %add3A_440, %exp23A_452 : vector<1664x128xf32>
    %mul3A_454 = arith.mulf %exp23A_452, %sub3A_444 : vector<1664x128xf32>
    %add3A_455 = arith.addf %add3A_442, %mul3A_454 : vector<1664x128xf32>
    %slice3A_456 = vector.extract_strided_slice %concatenate3A {offsets = [19, 0], sizes = [1664, 128], strides = [1, 1]} : vector<1696x128xf32> to vector<1664x128xf32>
    %sub3A_457 = arith.subf %slice3A, %slice3A_456 : vector<1664x128xf32>
    %abs3A_458 = math.absf %sub3A_457 : vector<1664x128xf32>
    %mul3A_459 = arith.mulf %sub3A_457, %sub3A_457 : vector<1664x128xf32>
    %add3A_460 = arith.addf %abs3A_458, %mul3A_459 : vector<1664x128xf32>
    %sub3A_461 = arith.subf %add3A_460, %min3A_206 : vector<1664x128xf32>
    %mul3A_462 = arith.constant -7.21347522 : f32
    %mul3A_463 = vector.broadcast %mul3A_462 : f32 to vector<1664x128xf32>
    %mul3A_464 = arith.mulf %mul3A_463, %sub3A_461 : vector<1664x128xf32>
    %exp23A_465 = math.exp2 %mul3A_464 : vector<1664x128xf32>
    %add3A_466 = arith.addf %add3A_453, %exp23A_465 : vector<1664x128xf32>
    %mul3A_467 = arith.mulf %exp23A_465, %sub3A_457 : vector<1664x128xf32>
    %add3A_468 = arith.addf %add3A_455, %mul3A_467 : vector<1664x128xf32>
    %slice3A_469 = vector.extract_strided_slice %concatenate3A {offsets = [20, 0], sizes = [1664, 128], strides = [1, 1]} : vector<1696x128xf32> to vector<1664x128xf32>
    %sub3A_470 = arith.subf %slice3A, %slice3A_469 : vector<1664x128xf32>
    %abs3A_471 = math.absf %sub3A_470 : vector<1664x128xf32>
    %mul3A_472 = arith.mulf %sub3A_470, %sub3A_470 : vector<1664x128xf32>
    %add3A_473 = arith.addf %abs3A_471, %mul3A_472 : vector<1664x128xf32>
    %sub3A_474 = arith.subf %add3A_473, %min3A_206 : vector<1664x128xf32>
    %mul3A_475 = arith.constant -7.21347522 : f32
    %mul3A_476 = vector.broadcast %mul3A_475 : f32 to vector<1664x128xf32>
    %mul3A_477 = arith.mulf %mul3A_476, %sub3A_474 : vector<1664x128xf32>
    %exp23A_478 = math.exp2 %mul3A_477 : vector<1664x128xf32>
    %add3A_479 = arith.addf %add3A_466, %exp23A_478 : vector<1664x128xf32>
    %mul3A_480 = arith.mulf %exp23A_478, %sub3A_470 : vector<1664x128xf32>
    %add3A_481 = arith.addf %add3A_468, %mul3A_480 : vector<1664x128xf32>
    %slice3A_482 = vector.extract_strided_slice %concatenate3A {offsets = [21, 0], sizes = [1664, 128], strides = [1, 1]} : vector<1696x128xf32> to vector<1664x128xf32>
    %sub3A_483 = arith.subf %slice3A, %slice3A_482 : vector<1664x128xf32>
    %abs3A_484 = math.absf %sub3A_483 : vector<1664x128xf32>
    %mul3A_485 = arith.mulf %sub3A_483, %sub3A_483 : vector<1664x128xf32>
    %add3A_486 = arith.addf %abs3A_484, %mul3A_485 : vector<1664x128xf32>
    %sub3A_487 = arith.subf %add3A_486, %min3A_206 : vector<1664x128xf32>
    %mul3A_488 = arith.constant -7.21347522 : f32
    %mul3A_489 = vector.broadcast %mul3A_488 : f32 to vector<1664x128xf32>
    %mul3A_490 = arith.mulf %mul3A_489, %sub3A_487 : vector<1664x128xf32>
    %exp23A_491 = math.exp2 %mul3A_490 : vector<1664x128xf32>
    %add3A_492 = arith.addf %add3A_479, %exp23A_491 : vector<1664x128xf32>
    %mul3A_493 = arith.mulf %exp23A_491, %sub3A_483 : vector<1664x128xf32>
    %add3A_494 = arith.addf %add3A_481, %mul3A_493 : vector<1664x128xf32>
    %slice3A_495 = vector.extract_strided_slice %concatenate3A {offsets = [22, 0], sizes = [1664, 128], strides = [1, 1]} : vector<1696x128xf32> to vector<1664x128xf32>
    %sub3A_496 = arith.subf %slice3A, %slice3A_495 : vector<1664x128xf32>
    %abs3A_497 = math.absf %sub3A_496 : vector<1664x128xf32>
    %mul3A_498 = arith.mulf %sub3A_496, %sub3A_496 : vector<1664x128xf32>
    %add3A_499 = arith.addf %abs3A_497, %mul3A_498 : vector<1664x128xf32>
    %sub3A_500 = arith.subf %add3A_499, %min3A_206 : vector<1664x128xf32>
    %mul3A_501 = arith.constant -7.21347522 : f32
    %mul3A_502 = vector.broadcast %mul3A_501 : f32 to vector<1664x128xf32>
    %mul3A_503 = arith.mulf %mul3A_502, %sub3A_500 : vector<1664x128xf32>
    %exp23A_504 = math.exp2 %mul3A_503 : vector<1664x128xf32>
    %add3A_505 = arith.addf %add3A_492, %exp23A_504 : vector<1664x128xf32>
    %mul3A_506 = arith.mulf %exp23A_504, %sub3A_496 : vector<1664x128xf32>
    %add3A_507 = arith.addf %add3A_494, %mul3A_506 : vector<1664x128xf32>
    %slice3A_508 = vector.extract_strided_slice %concatenate3A {offsets = [23, 0], sizes = [1664, 128], strides = [1, 1]} : vector<1696x128xf32> to vector<1664x128xf32>
    %sub3A_509 = arith.subf %slice3A, %slice3A_508 : vector<1664x128xf32>
    %abs3A_510 = math.absf %sub3A_509 : vector<1664x128xf32>
    %mul3A_511 = arith.mulf %sub3A_509, %sub3A_509 : vector<1664x128xf32>
    %add3A_512 = arith.addf %abs3A_510, %mul3A_511 : vector<1664x128xf32>
    %sub3A_513 = arith.subf %add3A_512, %min3A_206 : vector<1664x128xf32>
    %mul3A_514 = arith.constant -7.21347522 : f32
    %mul3A_515 = vector.broadcast %mul3A_514 : f32 to vector<1664x128xf32>
    %mul3A_516 = arith.mulf %mul3A_515, %sub3A_513 : vector<1664x128xf32>
    %exp23A_517 = math.exp2 %mul3A_516 : vector<1664x128xf32>
    %add3A_518 = arith.addf %add3A_505, %exp23A_517 : vector<1664x128xf32>
    %mul3A_519 = arith.mulf %exp23A_517, %sub3A_509 : vector<1664x128xf32>
    %add3A_520 = arith.addf %add3A_507, %mul3A_519 : vector<1664x128xf32>
    %slice3A_521 = vector.extract_strided_slice %concatenate3A {offsets = [24, 0], sizes = [1664, 128], strides = [1, 1]} : vector<1696x128xf32> to vector<1664x128xf32>
    %sub3A_522 = arith.subf %slice3A, %slice3A_521 : vector<1664x128xf32>
    %abs3A_523 = math.absf %sub3A_522 : vector<1664x128xf32>
    %mul3A_524 = arith.mulf %sub3A_522, %sub3A_522 : vector<1664x128xf32>
    %add3A_525 = arith.addf %abs3A_523, %mul3A_524 : vector<1664x128xf32>
    %sub3A_526 = arith.subf %add3A_525, %min3A_206 : vector<1664x128xf32>
    %mul3A_527 = arith.constant -7.21347522 : f32
    %mul3A_528 = vector.broadcast %mul3A_527 : f32 to vector<1664x128xf32>
    %mul3A_529 = arith.mulf %mul3A_528, %sub3A_526 : vector<1664x128xf32>
    %exp23A_530 = math.exp2 %mul3A_529 : vector<1664x128xf32>
    %add3A_531 = arith.addf %add3A_518, %exp23A_530 : vector<1664x128xf32>
    %mul3A_532 = arith.mulf %exp23A_530, %sub3A_522 : vector<1664x128xf32>
    %add3A_533 = arith.addf %add3A_520, %mul3A_532 : vector<1664x128xf32>
    %slice3A_534 = vector.extract_strided_slice %concatenate3A {offsets = [25, 0], sizes = [1664, 128], strides = [1, 1]} : vector<1696x128xf32> to vector<1664x128xf32>
    %sub3A_535 = arith.subf %slice3A, %slice3A_534 : vector<1664x128xf32>
    %abs3A_536 = math.absf %sub3A_535 : vector<1664x128xf32>
    %mul3A_537 = arith.mulf %sub3A_535, %sub3A_535 : vector<1664x128xf32>
    %add3A_538 = arith.addf %abs3A_536, %mul3A_537 : vector<1664x128xf32>
    %sub3A_539 = arith.subf %add3A_538, %min3A_206 : vector<1664x128xf32>
    %mul3A_540 = arith.constant -7.21347522 : f32
    %mul3A_541 = vector.broadcast %mul3A_540 : f32 to vector<1664x128xf32>
    %mul3A_542 = arith.mulf %mul3A_541, %sub3A_539 : vector<1664x128xf32>
    %exp23A_543 = math.exp2 %mul3A_542 : vector<1664x128xf32>
    %add3A_544 = arith.addf %add3A_531, %exp23A_543 : vector<1664x128xf32>
    %mul3A_545 = arith.mulf %exp23A_543, %sub3A_535 : vector<1664x128xf32>
    %add3A_546 = arith.addf %add3A_533, %mul3A_545 : vector<1664x128xf32>
    %slice3A_547 = vector.extract_strided_slice %concatenate3A {offsets = [26, 0], sizes = [1664, 128], strides = [1, 1]} : vector<1696x128xf32> to vector<1664x128xf32>
    %sub3A_548 = arith.subf %slice3A, %slice3A_547 : vector<1664x128xf32>
    %abs3A_549 = math.absf %sub3A_548 : vector<1664x128xf32>
    %mul3A_550 = arith.mulf %sub3A_548, %sub3A_548 : vector<1664x128xf32>
    %add3A_551 = arith.addf %abs3A_549, %mul3A_550 : vector<1664x128xf32>
    %sub3A_552 = arith.subf %add3A_551, %min3A_206 : vector<1664x128xf32>
    %mul3A_553 = arith.constant -7.21347522 : f32
    %mul3A_554 = vector.broadcast %mul3A_553 : f32 to vector<1664x128xf32>
    %mul3A_555 = arith.mulf %mul3A_554, %sub3A_552 : vector<1664x128xf32>
    %exp23A_556 = math.exp2 %mul3A_555 : vector<1664x128xf32>
    %add3A_557 = arith.addf %add3A_544, %exp23A_556 : vector<1664x128xf32>
    %mul3A_558 = arith.mulf %exp23A_556, %sub3A_548 : vector<1664x128xf32>
    %add3A_559 = arith.addf %add3A_546, %mul3A_558 : vector<1664x128xf32>
    %slice3A_560 = vector.extract_strided_slice %concatenate3A {offsets = [27, 0], sizes = [1664, 128], strides = [1, 1]} : vector<1696x128xf32> to vector<1664x128xf32>
    %sub3A_561 = arith.subf %slice3A, %slice3A_560 : vector<1664x128xf32>
    %abs3A_562 = math.absf %sub3A_561 : vector<1664x128xf32>
    %mul3A_563 = arith.mulf %sub3A_561, %sub3A_561 : vector<1664x128xf32>
    %add3A_564 = arith.addf %abs3A_562, %mul3A_563 : vector<1664x128xf32>
    %sub3A_565 = arith.subf %add3A_564, %min3A_206 : vector<1664x128xf32>
    %mul3A_566 = arith.constant -7.21347522 : f32
    %mul3A_567 = vector.broadcast %mul3A_566 : f32 to vector<1664x128xf32>
    %mul3A_568 = arith.mulf %mul3A_567, %sub3A_565 : vector<1664x128xf32>
    %exp23A_569 = math.exp2 %mul3A_568 : vector<1664x128xf32>
    %add3A_570 = arith.addf %add3A_557, %exp23A_569 : vector<1664x128xf32>
    %mul3A_571 = arith.mulf %exp23A_569, %sub3A_561 : vector<1664x128xf32>
    %add3A_572 = arith.addf %add3A_559, %mul3A_571 : vector<1664x128xf32>
    %slice3A_573 = vector.extract_strided_slice %concatenate3A {offsets = [28, 0], sizes = [1664, 128], strides = [1, 1]} : vector<1696x128xf32> to vector<1664x128xf32>
    %sub3A_574 = arith.subf %slice3A, %slice3A_573 : vector<1664x128xf32>
    %abs3A_575 = math.absf %sub3A_574 : vector<1664x128xf32>
    %mul3A_576 = arith.mulf %sub3A_574, %sub3A_574 : vector<1664x128xf32>
    %add3A_577 = arith.addf %abs3A_575, %mul3A_576 : vector<1664x128xf32>
    %sub3A_578 = arith.subf %add3A_577, %min3A_206 : vector<1664x128xf32>
    %mul3A_579 = arith.constant -7.21347522 : f32
    %mul3A_580 = vector.broadcast %mul3A_579 : f32 to vector<1664x128xf32>
    %mul3A_581 = arith.mulf %mul3A_580, %sub3A_578 : vector<1664x128xf32>
    %exp23A_582 = math.exp2 %mul3A_581 : vector<1664x128xf32>
    %add3A_583 = arith.addf %add3A_570, %exp23A_582 : vector<1664x128xf32>
    %mul3A_584 = arith.mulf %exp23A_582, %sub3A_574 : vector<1664x128xf32>
    %add3A_585 = arith.addf %add3A_572, %mul3A_584 : vector<1664x128xf32>
    %slice3A_586 = vector.extract_strided_slice %concatenate3A {offsets = [29, 0], sizes = [1664, 128], strides = [1, 1]} : vector<1696x128xf32> to vector<1664x128xf32>
    %sub3A_587 = arith.subf %slice3A, %slice3A_586 : vector<1664x128xf32>
    %abs3A_588 = math.absf %sub3A_587 : vector<1664x128xf32>
    %mul3A_589 = arith.mulf %sub3A_587, %sub3A_587 : vector<1664x128xf32>
    %add3A_590 = arith.addf %abs3A_588, %mul3A_589 : vector<1664x128xf32>
    %sub3A_591 = arith.subf %add3A_590, %min3A_206 : vector<1664x128xf32>
    %mul3A_592 = arith.constant -7.21347522 : f32
    %mul3A_593 = vector.broadcast %mul3A_592 : f32 to vector<1664x128xf32>
    %mul3A_594 = arith.mulf %mul3A_593, %sub3A_591 : vector<1664x128xf32>
    %exp23A_595 = math.exp2 %mul3A_594 : vector<1664x128xf32>
    %add3A_596 = arith.addf %add3A_583, %exp23A_595 : vector<1664x128xf32>
    %mul3A_597 = arith.mulf %exp23A_595, %sub3A_587 : vector<1664x128xf32>
    %add3A_598 = arith.addf %add3A_585, %mul3A_597 : vector<1664x128xf32>
    %slice3A_599 = vector.extract_strided_slice %concatenate3A {offsets = [30, 0], sizes = [1664, 128], strides = [1, 1]} : vector<1696x128xf32> to vector<1664x128xf32>
    %sub3A_600 = arith.subf %slice3A, %slice3A_599 : vector<1664x128xf32>
    %abs3A_601 = math.absf %sub3A_600 : vector<1664x128xf32>
    %mul3A_602 = arith.mulf %sub3A_600, %sub3A_600 : vector<1664x128xf32>
    %add3A_603 = arith.addf %abs3A_601, %mul3A_602 : vector<1664x128xf32>
    %sub3A_604 = arith.subf %add3A_603, %min3A_206 : vector<1664x128xf32>
    %mul3A_605 = arith.constant -7.21347522 : f32
    %mul3A_606 = vector.broadcast %mul3A_605 : f32 to vector<1664x128xf32>
    %mul3A_607 = arith.mulf %mul3A_606, %sub3A_604 : vector<1664x128xf32>
    %exp23A_608 = math.exp2 %mul3A_607 : vector<1664x128xf32>
    %add3A_609 = arith.addf %add3A_596, %exp23A_608 : vector<1664x128xf32>
    %mul3A_610 = arith.mulf %exp23A_608, %sub3A_600 : vector<1664x128xf32>
    %add3A_611 = arith.addf %add3A_598, %mul3A_610 : vector<1664x128xf32>
    %slice3A_612 = vector.extract_strided_slice %concatenate3A {offsets = [31, 0], sizes = [1664, 128], strides = [1, 1]} : vector<1696x128xf32> to vector<1664x128xf32>
    %sub3A_613 = arith.subf %slice3A, %slice3A_612 : vector<1664x128xf32>
    %abs3A_614 = math.absf %sub3A_613 : vector<1664x128xf32>
    %mul3A_615 = arith.mulf %sub3A_613, %sub3A_613 : vector<1664x128xf32>
    %add3A_616 = arith.addf %abs3A_614, %mul3A_615 : vector<1664x128xf32>
    %sub3A_617 = arith.subf %add3A_616, %min3A_206 : vector<1664x128xf32>
    %mul3A_618 = arith.constant -7.21347522 : f32
    %mul3A_619 = vector.broadcast %mul3A_618 : f32 to vector<1664x128xf32>
    %mul3A_620 = arith.mulf %mul3A_619, %sub3A_617 : vector<1664x128xf32>
    %exp23A_621 = math.exp2 %mul3A_620 : vector<1664x128xf32>
    %add3A_622 = arith.addf %add3A_609, %exp23A_621 : vector<1664x128xf32>
    %mul3A_623 = arith.mulf %exp23A_621, %sub3A_613 : vector<1664x128xf32>
    %add3A_624 = arith.addf %add3A_611, %mul3A_623 : vector<1664x128xf32>
    %slice3A_625 = vector.extract_strided_slice %concatenate3A {offsets = [32, 0], sizes = [1664, 128], strides = [1, 1]} : vector<1696x128xf32> to vector<1664x128xf32>
    %sub3A_626 = arith.subf %slice3A, %slice3A_625 : vector<1664x128xf32>
    %abs3A_627 = math.absf %sub3A_626 : vector<1664x128xf32>
    %mul3A_628 = arith.mulf %sub3A_626, %sub3A_626 : vector<1664x128xf32>
    %add3A_629 = arith.addf %abs3A_627, %mul3A_628 : vector<1664x128xf32>
    %sub3A_630 = arith.subf %add3A_629, %min3A_206 : vector<1664x128xf32>
    %mul3A_631 = arith.constant -7.21347522 : f32
    %mul3A_632 = vector.broadcast %mul3A_631 : f32 to vector<1664x128xf32>
    %mul3A_633 = arith.mulf %mul3A_632, %sub3A_630 : vector<1664x128xf32>
    %exp23A_634 = math.exp2 %mul3A_633 : vector<1664x128xf32>
    %add3A_635 = arith.addf %add3A_622, %exp23A_634 : vector<1664x128xf32>
    %mul3A_636 = arith.mulf %exp23A_634, %sub3A_626 : vector<1664x128xf32>
    %add3A_637 = arith.addf %add3A_624, %mul3A_636 : vector<1664x128xf32>
    %div3A = arith.divf %add3A_637, %add3A_635 : vector<1664x128xf32>
    %swap3A = arith.constant 0 : index
    %swap3A_638 = arith.constant 0 : index
    %swap3A_639 = arith.constant 0 : index
    %swap3A_640 = vector.load %arg4[%swap3A, %swap3A_638, %swap3A_639] : memref<1x1664x128xf32, #tpu.memory_space<vmem>>, vector<1x1664x128xf32>
    %swap3A_641 = vector.shape_cast %swap3A_640 : vector<1x1664x128xf32> to vector<1664x128xf32>
    %swap3A_642 = vector.shape_cast %div3A : vector<1664x128xf32> to vector<1x1664x128xf32>
    tpu.vector_store %arg4[%swap3A, %swap3A_638, %swap3A_639], %swap3A_642 {strides = array<i32>} : memref<1x1664x128xf32, #tpu.memory_space<vmem>>, vector<1x1664x128xf32>,
    return
  }
  func.func @transform_0(%arg0: i32) -> (i32, i32, i32) {
    %c0_i32 = arith.constant 0 : i32
    %c0_i32_0 = arith.constant 0 : i32
    %c0_i32_1 = arith.constant 0 : i32
    return %arg0, %c0_i32, %c0_i32_0 : i32, i32, i32
  }
  func.func @transform_1(%arg0: i32) -> (i32, i32, i32) {
    %c0_i32 = arith.constant 0 : i32
    %c0_i32_0 = arith.constant 0 : i32
    %c0_i32_1 = arith.constant 0 : i32
    return %arg0, %c0_i32, %c0_i32_0 : i32, i32, i32
  }
  func.func @transform_2(%arg0: i32) -> (i32, i32, i32) {
    %c0_i32 = arith.constant 0 : i32
    %c0_i32_0 = arith.constant 0 : i32
    %c0_i32_1 = arith.constant 0 : i32
    return %arg0, %c0_i32, %c0_i32_0 : i32, i32, i32
  }
  func.func @transform_3(%arg0: i32) -> (i32, i32, i32) {
    %c0_i32 = arith.constant 0 : i32
    %c0_i32_0 = arith.constant 0 : i32
    %c0_i32_1 = arith.constant 0 : i32
    return %arg0, %c0_i32, %c0_i32_0 : i32, i32, i32
  }
}

</mosaic_0001>

<sc_bundles>
// kernel: kernel.4.cloned.1.call-start
scs
__scs_entry_jumppad:
0x0: {  	(pc) =	sbr.rel $0x88, $3  }
0x1: {  	(tag) =	ssettag $0x0;
	lr =	simm.s32 $0x1  }
0x2: {  	[smem:$0x3F9F] =	sst lr;
	_ =	strace $0xD0000000  }
0x3: {  	_ = 	snop  }
0x4: {  	_ = 	snop  }
0x5: {  	_ = 	snop  }
0x6: {  	_ = 	snop  }
0x7: {  	_ = 	snop  }
__scs_overlays_trampoline_lowered:
0x8: {  	[smem:$0x3FAE] =	sst s0  }
0x9: {  	[smem:$0x3FAF] =	sst s1  }
0xa: {  	[smem:$0x3FB0] =	sst s2  }
0xb: {  	[smem:$0x3FB1] =	sst s3  }
0xc: {  	[smem:$0x3FB2] =	sst s4  }
0xd: {  	[smem:$0x3FB3] =	sst s5  }
0xe: {  	[smem:$0x3FB4] =	sst s6  }
0xf: {  	[smem:$0x3FB5] =	sst s7  }
0x10: {  	[smem:$0x3FB6] =	sst s8  }
0x11: {  	[smem:$0x3FB7] =	sst s9;
	s0 =	simm.s32 @!p0 $0x0  }
0x12: {  	s1 =	sld [smem:$0x3F9D];
	s0 =	simm.s32 @p0 $0x1  }
0x13: {  	[smem:$0x3FB8] =	sst s0;
	s0 =	simm.s32 @!p1 $0x0  }
0x14: {  	s2 =	sld [smem:$0x3F9C];
	s0 =	simm.s32 @p1 $0x1  }
0x15: {  	[smem:$0x3FB9] =	sst s0;
	s0 =	simm.s32 @!p2 $0x0  }
0x16: {  	s3 =	sld [smem:$0x3FDB];
	s0 =	simm.s32 @p2 $0x1  }
0x17: {  	s4 =	simm.s32 $0x1BF5;
	[smem:$0x3FBB] =	sst s0  }
0x18: {  	s0 =	sld [smem:$0x3F9E];
	_ =	swait.ge [sflag:s4], $0x0  }
0x19: {  	s7 =	sld [smem:$0x3F9F]  }
0x1a: {  	s8 =	sadd.s32 $0xFFFFE003, lr  }
0x1b: {  	s9 =	sadd.s32 $0xFFFFFEF7, lr;
	s5 =	simm.s32 $0xFFFFFFFF;
	p2 =	slt.u32 s8, $0xFFFFF086  }
0x1c: {  	p1 =	slt.u32 s9, $0xF7A;
	s5 =	simm.s32 @!p2 $0x0  }
0x1d: {  	s5 =	simm.s32 @p1 $0x1;
	p0 =	seq.s32 s7, s2  }
0x1e: {  	s7 =	smul.u32 @!p0 $0xF7A, s2;
	p2 =	seq.s32 @!p0 s5, $0x0  }
0x1f: {  	s9 =	smul.u32 $0xF7A, s1;
	s8 =	simm.s32 @!p0 $0x1BF5;
	p2 =	por !p2, p0  }
0x20: {  	[sflag:s8] =	ssyncset.s32 @!p0 $0xFFFFF086;
	s6 =	sadd.s32 @!p0 s3, s7;
	s7 =	simm.s32 @!p0 $0x108  }
0x21: {  	s3 =	sadd.s32 s3, s9;
	s6 =	sadd.s32 @!p0 $0x88, s6;
	s7 =	simm.s32 @p2 $0x1082  }
0x22: {  	[simem:s7], [sflag:s8] =	dma.local @!p0 [hbm:s6], $0xF7A  }
0x23: {  	s9 =	sor.u32 $0xD0000000, s2;
	s6 =	simm.s32 $0x108;
	_ =	swait.ge @!p0 [sflag:s8], $0x0  }
0x24: {  	s3 =	sadd.s32 $0x88, s3;
	s6 =	simm.s32 @!p1 $0x1082;
	[sflag:s4] =	ssyncset.s32 $0xFFFFF086  }
0x25: {  	[simem:s6], [sflag:s4] =	dma.local [hbm:s3], $0xF7A  }
0x26: {  	[smem:$0x3F9F] =	sst s1;
	(tag) =	ssettag s2;
	_ =	strace s9  }
0x27: {  	s1 =	sld [smem:$0x3FAF]  }
0x28: {  	s2 =	sld [smem:$0x3FB0]  }
0x29: {  	s4 =	sld [smem:$0x3FB2]  }
0x2a: {  	p0 =	seq.s32 s5, $0x0;
	s5 =	sld [smem:$0x3FB3]  }
0x2b: {  	s6 =	sld [smem:$0x3FB4]  }
0x2c: {  	s7 =	sld [smem:$0x3FB5]  }
0x2d: {  	s3 =	simm.s32 $0x108;
	s8 =	sld [smem:$0x3FB6]  }
0x2e: {  	s3 =	simm.s32 @!p0 $0x1082;
	s9 =	sld [smem:$0x3FB7]  }
0x2f: {  	lr =	sadd.s32 s0, s3;
	s0 =	sld [smem:$0x3FAE]  }
0x30: {  	s3 =	sld [smem:$0x3FB1]  }
0x31: {  	[smem:$0x3FBA] =	sst s10  }
0x32: {  	s10 =	sld [smem:$0x3FB8];
	_ =	sdelay $0x3  }
0x33: {  	p0 =	seq.s32 s10, $0x1;
	s10 =	sld [smem:$0x3FBA];
	_ =	sdelay $0x3  }
0x34: {  	[smem:$0x3FBA] =	sst s10  }
0x35: {  	s10 =	sld [smem:$0x3FB9];
	_ =	sdelay $0x3  }
0x36: {  	p1 =	seq.s32 s10, $0x1;
	s10 =	sld [smem:$0x3FBA];
	_ =	sdelay $0x3  }
0x37: {  	[smem:$0x3FBA] =	sst s10  }
0x38: {  	s10 =	sld [smem:$0x3FBB]  }
0x39: {  	_ = 	snop;
	(pc) =	sbr.ind lr, $3  }
0x3a: {  	_ = 	snop  }
0x3b: {  	_ = 	snop  }
0x3c: {  	p2 =	seq.s32 s10, $0x1;
	s10 =	sld [smem:$0x3FBA]  }
0x3d: {  	_ =	shalt  }
0x3e: {  	_ =	shalt  }
0x3f: {  	_ =	shalt  }
0x40: {  	_ =	shalt  }
0x41: {  	_ =	shalt  }
0x42: {  	_ =	shalt  }
0x43: {  	_ =	shalt  }
0x44: {  	_ =	shalt  }
0x45: {  	_ =	shalt  }
0x46: {  	_ =	shalt  }
0x47: {  	_ =	shalt  }
0x48: {  	_ =	shalt  }
0x49: {  	_ =	shalt  }
0x4a: {  	_ =	shalt  }
0x4b: {  	_ =	shalt  }
0x4c: {  	_ =	shalt  }
0x4d: {  	_ =	shalt  }
0x4e: {  	_ =	shalt  }
0x4f: {  	_ =	shalt  }
0x50: {  	_ =	shalt  }
0x51: {  	_ =	shalt  }
0x52: {  	_ =	shalt  }
0x53: {  	_ =	shalt  }
0x54: {  	_ =	shalt  }
0x55: {  	_ =	shalt  }
0x56: {  	_ =	shalt  }
0x57: {  	_ =	shalt  }
0x58: {  	_ =	shalt  }
0x59: {  	_ =	shalt  }
0x5a: {  	_ =	shalt  }
0x5b: {  	_ =	shalt  }
0x5c: {  	_ =	shalt  }
0x5d: {  	_ =	shalt  }
0x5e: {  	_ =	shalt  }
0x5f: {  	_ =	shalt  }
0x60: {  	_ =	shalt  }
0x61: {  	_ =	shalt  }
0x62: {  	_ =	shalt  }
0x63: {  	_ =	shalt  }
0x64: {  	_ =	shalt  }
0x65: {  	_ =	shalt  }
0x66: {  	_ =	shalt  }
0x67: {  	_ =	shalt  }
0x68: {  	_ =	shalt  }
0x69: {  	_ =	shalt  }
0x6a: {  	_ =	shalt  }
0x6b: {  	_ =	shalt  }
0x6c: {  	_ =	shalt  }
0x6d: {  	_ =	shalt  }
0x6e: {  	_ =	shalt  }
0x6f: {  	_ =	shalt  }
0x70: {  	_ =	shalt  }
0x71: {  	_ =	shalt  }
0x72: {  	_ =	shalt  }
0x73: {  	_ =	shalt  }
0x74: {  	_ =	shalt  }
0x75: {  	_ =	shalt  }
0x76: {  	_ =	shalt  }
0x77: {  	_ =	shalt  }
0x78: {  	_ =	shalt  }
0x79: {  	_ =	shalt  }
0x7a: {  	_ =	shalt  }
0x7b: {  	_ =	shalt  }
0x7c: {  	_ =	shalt  }
0x7d: {  	_ =	shalt  }
0x7e: {  	_ =	shalt  }
0x7f: {  	_ =	shalt  }
0x80: {  	_ =	shalt  }
0x81: {  	_ =	shalt  }
0x82: {  	_ =	shalt  }
0x83: {  	_ =	shalt  }
0x84: {  	_ =	shalt  }
0x85: {  	_ =	shalt  }
0x86: {  	_ =	shalt  }
0x87: {  	_ =	shalt  }
.Lfunc_end0:
.L_simem_size_0:
called_computation_lowered:
.L_overlay_start_0:
0x88: {  	s2 =	sld [smem:$0x3FD9]  }
0x89: {  	s3 =	sld [smem:$0x3FFE];
	_ =	sdelay $0x1  }
0x8a: {  	s1 =	srdreg.scid  }
0x8b: {  	s0 =	sand.u32 $0x1, s1  }
0x8c: {  	s17 =	sshll.u32 s0, $0xA;
	s2 =	sadd.s32 s3, s2  }
0x8d: {  	s2 =	sadd.s32 s2, s17  }
0x8e: {  	[smem:$0x3FC6] =	sst s2  }
0x8f: {  	_ = 	snop  }
0x90: {  	s2 =	sld [smem:$0x3FC9]  }
0x91: {  	s18 =	sld [smem:$0x3FC8];
	(tm) =	ssettm $0x1  }
0x92: {  	s4 =	sld [smem:$0x3FFB];
	_ =	sdelay $0x3  }
0x93: {  	_ =	strace s4  }
0x94: {  	s4 =	sld [smem:$0x3FFC];
	_ =	sdelay $0x3  }
0x95: {  	_ =	strace s4  }
0x96: {  	s4 =	sld [smem:$0x3FFD];
	_ =	sdelay $0x3  }
0x97: {  	_ =	strace s4  }
0x98: {  	_ =	strace $0x8FFFFFFF  }
0x99: {  	s19 =	sld [smem:$0x3FDB];
	_ =	sdelay $0x1  }
0x9a: {  	s5 =	simm.s32 $_scs_section_size  }
0x9b: {  	s6 =	simm.s32 $_size__tile_overlayer_lowered;
	s7 =	simm.s32 $_tile_overlayer_lowered  }
0x9c: {  	s22 =	simm.s32 $0x1BFF;
	s21 =	sshll.u32 s7, $0x1;
	s4 =	sadd.s32 s5, s19  }
0x9d: {  	s8 =	simm.s32 $0x0;
	s20 =	sshll.u32 s6, $0x1;
	s6 =	sadd.s32 s21, s4  }
0x9e: {  	[timem:s8], [sflag:s22] =	dma.local [hbm:s6], s20  }
0x9f: {  	_ =	swait.ge [sflag:s22], s20  }
0xa0: {  	s5 =	ssub.s32 $0x0, s20;
	[sflag:s22] =	ssyncset.done $0x0  }
0xa1: {  	[sflag:s22] =	ssyncadd.s32 s5;
	_ =	sdelay $0x1  }
0xa2: {  	s23 =	simm.s32 $0x1B8B  }
0xa3: {  	_ =	swait.ge [sflag:s23], $0x1  }
0xa4: {  	[sflag:s23] =	ssyncset.done $0x0  }
0xa5: {  	s25 =	simm.s32 $0x1B8E;
	s24 =	sld [smem:$0x3FFE];
	[sflag:s23] =	ssyncadd.s32 $0xFFFFFFFF  }
0xa6: {  	s26 =	simm.s32 $execute0_lowered;
	[smem:$0x3FD2] =	sst s25  }
0xa7: {  	s6 =	sshll.u32 s26, $0x1;
	_ =	strace $0x80000046;
	[dreg:$0x1] =	wrdreg $0xFFFFFFFF  }
0xa8: {  	s28 =	simm.s32 $_size_execute0_lowered;
	s4 =	sadd.s32 s4, s6;
	[dreg:$0x0] =	wrdreg $0x0  }
0xa9: {  	s6 =	sshll.u32 s28, $0x1;
	[dreg:$0x2] =	wrdreg s4  }
0xaa: {  	[dreg:$0x3] =	wrdreg s6  }
0xab: {  	[dreg:$0x4] =	wrdreg $0xC0  }
0xac: {  	_ =	task [dreg:s8], $0x5FFFF  }
0xad: {  	[dreg:$0x1] =	wrdreg $0xFFFFFFFF  }
0xae: {  	[dreg:$0x0] =	wrdreg $0x60  }
0xaf: {  	[dreg:$0x2] =	wrdreg s2  }
0xb0: {  	[dreg:$0x3] =	wrdreg s18  }
0xb1: {  	[dreg:$0x4] =	wrdreg s24  }
0xb2: {  	[dreg:$0x5] =	wrdreg $0x9  }
0xb3: {  	_ =	task.clear_ibuf [dreg:s8], $0x6FFFF;
	_ =	strace $0x90000046  }
0xb4: {  	s29 =	simm.s32 $0x9;
	_ =	strace $0x80000048  }
0xb5: {  	_ =	swait.ge [sflag:s29], $0x1  }
0xb6: {  	[sflag:s29] =	ssyncadd.s32 $0xFFFFFFFF  }
0xb7: {  	_ =	strace $0x90000048  }
0xb8: {  	_ =	sfence  }
0xb9: {  	s30 =	sld [smem:$0x0];
	_ =	sdelay $0x2  }
0xba: {  	s31 =	sshll.u32 s1, $0xD;
	s1 =	sshrl.u32 s1, $0x2  }
0xbb: {  	s3 =	sand.u32 $0x4000, s31;
	s1 =	sadd.s32 s1, s30  }
0xbc: {  	s0 =	sor.u32 s3, s0;
	s1 =	sshll.u32 s1, $0x11  }
0xbd: {  	s0 =	sor.u32 s1, s0  }
0xbe: {  	s0 =	sadd.s32 $0x8F2B, s0  }
0xbf: {  	[sflag:s0] =	ssyncadd.remote.s32 $0x1  }
0xc0: {  	_ =	sfence.sel $0xFFFF  }
0xc1: {  	[dreg:$0x0] =	wrdreg $0xFFFFFFFF;
	(pc) =	sbr.abs _section_cstart, $3  }
0xc2: {  	[dreg:$0x1] =	wrdreg $0xFFFFFFFF  }
0xc3: {  	_ =	task.clear_ibuf [dreg:s8], $0x2FFFF;
	_ =	strace $0x9FFFFFFF  }
0xc4: {  	(tm) =	ssettm $0x7FFFFFFF  }
0xc5: {  	_ =	shalt  }
tec
execute0_lowered:
.L_overlay_start_1:
0x0: {  	(tag) =	ssettag $0x1  }
0x1: {  	s3 =	rddreg [dreg:$0x0]  }
0x2: {  	s0 =	stileid.u32;
	s5 =	rddreg [dreg:$0x1]  }
0x3: {  	s1 =	srdreg.scid;
	s6 =	rddreg [dreg:$0x2];
	s12 =	simm.s32 $0x0  }
0x4: {  	s2 =	sshll.u32 s0, $0x1;
	s4 =	sand.u32 $0x1, s1;
	s7 =	sshrl.u32 s0, $0x2  }
0x5: {  	s1 =	rddreg [dreg:$0x3];
	s28 =	sand.u32 $0x6, s2;
	s2 =	simm.s32 $0x0  }
0x6: {  	s10 =	smul.u32 $0xC000, s7;
	s11 =	sshll.u32 s7, $0x12;
	s8 =	sor.u32 s4, s28  }
0x7: {  	[smem:$0x7FF] =	sst s2;
	s4 =	ssub.s32 $0x2, s4;
	s9 =	smul.u32 $0x1800, s8  }
0x8: {  	s7 =	sshll.u32 s7, $0xF;
	_ =	strace $0x80000047;
	s29 =	sshrl.u32 s4, $0x1  }
0x9: {  	p0 =	seq.s32 s8, $0x0;
	s10 =	sadd.s32 s10, s9;
	s9 =	sor.u32 s11, s9  }
0xa: {  	s8 =	simm.s32 $0x1;
	s10 =	sshrl.u32 s10, $0x3;
	s11 =	sadd.s32 $0xFFFFF800, s9  }
0xb: {  	s30 =	sshrl.u32 s9, $0x3;
	s9 =	simm.s32 $0x2000;
	s6 =	sadd.s32 s10, s6  }
0xc: {  	s10 =	ssub.s32 s4, s29;
	s31 =	sshrl.u32 s11, $0x3;
	s3 =	sadd.s32 s3, s30  }
0xd: {  	s11 =	simm.s32 $0x1800;
	s4 =	sadd.s32 s5, s31;
	s5 =	sadd.s32 s5, s7  }
0xe: {  	s6 =	sadd.s32 $0x800, s6;
	s7 =	smax.u32 s10, $0x1;
	s10 =	simm.s32 $0x4000  }
.LBB2_1:
.Ltmp0:
0xf: {  	(pc) =	sbr.rel @p0 .LBB2_3-.Ltmp0, $4  }
0x10: {  	[tilespmem:s2], [sflag:$0x1] =	stream.linear.gather [hbm4b:s3+s2], $0x1800, $0x38;
	[tilespmem:$0x5800] =	vst v63  }
0x11: {  	_ =	swait.ge [sflag:s8], $0x1800  }
0x12: {  	[sflag:s8] =	ssyncset.done $0x0  }
0x13: {  	[sflag:s8] =	ssyncadd.s32 $0xFFFFE800  }
.Ltmp1:
0x14: {  	(pc) =	sbr.rel .LBB2_4-.Ltmp1, $4  }
0x15: {  	[tilespmem:s11], [sflag:$0x1] =	stream.linear.gather [hbm4b:s4+s2], $0x2800, $0x38;
	[tilespmem:$0x5800] =	vst v63  }
0x16: {  	_ =	swait.ge [sflag:s8], $0x2800  }
0x17: {  	[sflag:s8] =	ssyncset.done $0x0  }
0x18: {  	[sflag:s8] =	ssyncadd.s32 $0xFFFFD800  }
.LBB2_3:
0x19: {  	[tilespmem:s9], [sflag:$0x1] =	stream.linear.gather [hbm4b:s5+s2], $0x2000, $0x38;
	[tilespmem:$0x5800] =	vst v63  }
0x1a: {  	_ =	swait.ge [sflag:s8], $0x2000  }
0x1b: {  	[sflag:s8] =	ssyncset.done $0x0  }
0x1c: {  	[sflag:s8] =	ssyncadd.s32 $0xFFFFE000  }
0x1d: {  	v0 =	vld [tilespmem:$0x2800]  }
0x1e: {  	v1 =	vld [tilespmem:$0x2810]  }
0x1f: {  	v2 =	vld [tilespmem:$0x2820]  }
0x20: {  	v3 =	vld [tilespmem:$0x2830]  }
0x21: {  	v4 =	vld [tilespmem:$0x2840]  }
0x22: {  	v53 =	vld [tilespmem:$0x2850];
	[tilespmem:$0x1800] =	vst v0  }
0x23: {  	v54 =	vld [tilespmem:$0x2860];
	[tilespmem:$0x1810] =	vst v1  }
0x24: {  	v55 =	vld [tilespmem:$0x2870];
	[tilespmem:$0x1820] =	vst v2  }
0x25: {  	v56 =	vld [tilespmem:$0x2780];
	[tilespmem:$0x1830] =	vst v3  }
0x26: {  	v57 =	vld [tilespmem:$0x2790];
	[tilespmem:$0x1840] =	vst v4  }
0x27: {  	v58 =	vld [tilespmem:$0x27A0];
	[tilespmem:$0x1850] =	vst v53  }
0x28: {  	v59 =	vld [tilespmem:$0x27B0];
	[tilespmem:$0x1860] =	vst v54  }
0x29: {  	v60 =	vld [tilespmem:$0x27C0];
	[tilespmem:$0x1870] =	vst v55  }
0x2a: {  	v61 =	vld [tilespmem:$0x27D0];
	[tilespmem:$0x1880] =	vst v56  }
0x2b: {  	v62 =	vld [tilespmem:$0x27E0];
	[tilespmem:$0x1890] =	vst v57  }
0x2c: {  	v63 =	vld [tilespmem:$0x27F0];
	[tilespmem:$0x18A0] =	vst v58  }
0x2d: {  	v8 =	vld [tilespmem:$0x2700];
	[tilespmem:$0x18B0] =	vst v59  }
0x2e: {  	v9 =	vld [tilespmem:$0x2710];
	[tilespmem:$0x18C0] =	vst v60  }
0x2f: {  	v10 =	vld [tilespmem:$0x2720];
	[tilespmem:$0x18D0] =	vst v61  }
0x30: {  	v11 =	vld [tilespmem:$0x2730];
	[tilespmem:$0x18E0] =	vst v62  }
0x31: {  	v12 =	vld [tilespmem:$0x2740];
	[tilespmem:$0x18F0] =	vst v63  }
0x32: {  	v13 =	vld [tilespmem:$0x2750];
	[tilespmem:$0x1900] =	vst v8  }
0x33: {  	v14 =	vld [tilespmem:$0x2760];
	[tilespmem:$0x1910] =	vst v9  }
0x34: {  	v15 =	vld [tilespmem:$0x2770];
	[tilespmem:$0x1920] =	vst v10  }
0x35: {  	v16 =	vld [tilespmem:$0x2680];
	[tilespmem:$0x1930] =	vst v11  }
0x36: {  	v17 =	vld [tilespmem:$0x2690];
	[tilespmem:$0x1940] =	vst v12  }
0x37: {  	v18 =	vld [tilespmem:$0x26A0];
	[tilespmem:$0x1950] =	vst v13  }
0x38: {  	v19 =	vld [tilespmem:$0x26B0];
	[tilespmem:$0x1960] =	vst v14  }
0x39: {  	v20 =	vld [tilespmem:$0x26C0];
	[tilespmem:$0x1970] =	vst v15  }
0x3a: {  	v21 =	vld [tilespmem:$0x26D0];
	[tilespmem:$0x1980] =	vst v16  }
0x3b: {  	v22 =	vld [tilespmem:$0x26E0];
	[tilespmem:$0x1990] =	vst v17  }
0x3c: {  	v23 =	vld [tilespmem:$0x26F0];
	[tilespmem:$0x19A0] =	vst v18  }
0x3d: {  	v24 =	vld [tilespmem:$0x2600];
	[tilespmem:$0x19B0] =	vst v19  }
0x3e: {  	v25 =	vld [tilespmem:$0x2610];
	[tilespmem:$0x19C0] =	vst v20  }
0x3f: {  	v26 =	vld [tilespmem:$0x2620];
	[tilespmem:$0x19D0] =	vst v21  }
0x40: {  	v27 =	vld [tilespmem:$0x2630];
	[tilespmem:$0x19E0] =	vst v22  }
0x41: {  	v28 =	vld [tilespmem:$0x2640];
	[tilespmem:$0x19F0] =	vst v23  }
0x42: {  	v29 =	vld [tilespmem:$0x2650];
	[tilespmem:$0x1A00] =	vst v24  }
0x43: {  	v30 =	vld [tilespmem:$0x2660];
	[tilespmem:$0x1A10] =	vst v25  }
0x44: {  	v31 =	vld [tilespmem:$0x2670];
	[tilespmem:$0x1A20] =	vst v26  }
0x45: {  	v32 =	vld [tilespmem:$0x2580];
	[tilespmem:$0x1A30] =	vst v27  }
0x46: {  	v33 =	vld [tilespmem:$0x2590];
	[tilespmem:$0x1A40] =	vst v28  }
0x47: {  	v34 =	vld [tilespmem:$0x25A0];
	[tilespmem:$0x1A50] =	vst v29  }
0x48: {  	v35 =	vld [tilespmem:$0x25B0];
	[tilespmem:$0x1A60] =	vst v30  }
0x49: {  	v36 =	vld [tilespmem:$0x25C0];
	[tilespmem:$0x1A70] =	vst v31  }
0x4a: {  	v37 =	vld [tilespmem:$0x25D0];
	[tilespmem:$0x1A80] =	vst v32  }
0x4b: {  	v38 =	vld [tilespmem:$0x25E0];
	[tilespmem:$0x1A90] =	vst v33  }
0x4c: {  	v39 =	vld [tilespmem:$0x25F0];
	[tilespmem:$0x1AA0] =	vst v34  }
0x4d: {  	v40 =	vld [tilespmem:$0x2500];
	[tilespmem:$0x1AB0] =	vst v35  }
0x4e: {  	v41 =	vld [tilespmem:$0x2510];
	[tilespmem:$0x1AC0] =	vst v36  }
0x4f: {  	v42 =	vld [tilespmem:$0x2520];
	[tilespmem:$0x1AD0] =	vst v37  }
0x50: {  	v43 =	vld [tilespmem:$0x2530];
	[tilespmem:$0x1AE0] =	vst v38  }
0x51: {  	v44 =	vld [tilespmem:$0x2540];
	[tilespmem:$0x1AF0] =	vst v39  }
0x52: {  	v45 =	vld [tilespmem:$0x2550];
	[tilespmem:$0x1B00] =	vst v40  }
0x53: {  	v46 =	vld [tilespmem:$0x2560];
	[tilespmem:$0x1B10] =	vst v41  }
0x54: {  	v47 =	vld [tilespmem:$0x2570];
	[tilespmem:$0x1B20] =	vst v42  }
0x55: {  	v48 =	vld [tilespmem:$0x2480];
	[tilespmem:$0x1B30] =	vst v43  }
0x56: {  	v49 =	vld [tilespmem:$0x2490];
	[tilespmem:$0x1B40] =	vst v44  }
0x57: {  	v50 =	vld [tilespmem:$0x24A0];
	[tilespmem:$0x1B50] =	vst v45  }
0x58: {  	v51 =	vld [tilespmem:$0x24B0];
	[tilespmem:$0x1B60] =	vst v46  }
0x59: {  	v52 =	vld [tilespmem:$0x24C0];
	[tilespmem:$0x1B70] =	vst v47  }
0x5a: {  	[tilespmem:$0x1B80] =	vst v48;
	v53 =	vld [tilespmem:$0x24D0]  }
0x5b: {  	[tilespmem:$0x1B90] =	vst v49;
	v54 =	vld [tilespmem:$0x24E0]  }
0x5c: {  	[tilespmem:$0x1BA0] =	vst v50;
	v55 =	vld [tilespmem:$0x24F0]  }
0x5d: {  	[tilespmem:$0x1BB0] =	vst v51;
	v56 =	vld [tilespmem:$0x2400]  }
0x5e: {  	[tilespmem:$0x1BC0] =	vst v52;
	v57 =	vld [tilespmem:$0x2410]  }
0x5f: {  	v58 =	vld [tilespmem:$0x2420];
	[tilespmem:$0x1BD0] =	vst v53  }
0x60: {  	v59 =	vld [tilespmem:$0x2430];
	[tilespmem:$0x1BE0] =	vst v54  }
0x61: {  	v60 =	vld [tilespmem:$0x2440];
	[tilespmem:$0x1BF0] =	vst v55  }
0x62: {  	v61 =	vld [tilespmem:$0x2450];
	[tilespmem:$0x1C00] =	vst v56  }
0x63: {  	v62 =	vld [tilespmem:$0x2460];
	[tilespmem:$0x1C10] =	vst v57  }
0x64: {  	v63 =	vld [tilespmem:$0x2470];
	[tilespmem:$0x1C20] =	vst v58  }
0x65: {  	v8 =	vld [tilespmem:$0x2380];
	[tilespmem:$0x1C30] =	vst v59  }
0x66: {  	v9 =	vld [tilespmem:$0x2390];
	[tilespmem:$0x1C40] =	vst v60  }
0x67: {  	v10 =	vld [tilespmem:$0x23A0];
	[tilespmem:$0x1C50] =	vst v61  }
0x68: {  	v11 =	vld [tilespmem:$0x23B0];
	[tilespmem:$0x1C60] =	vst v62  }
0x69: {  	v12 =	vld [tilespmem:$0x23C0];
	[tilespmem:$0x1C70] =	vst v63  }
0x6a: {  	v13 =	vld [tilespmem:$0x23D0];
	[tilespmem:$0x1C80] =	vst v8  }
0x6b: {  	v14 =	vld [tilespmem:$0x23E0];
	[tilespmem:$0x1C90] =	vst v9  }
0x6c: {  	v15 =	vld [tilespmem:$0x23F0];
	[tilespmem:$0x1CA0] =	vst v10  }
0x6d: {  	v16 =	vld [tilespmem:$0x2300];
	[tilespmem:$0x1CB0] =	vst v11  }
0x6e: {  	v17 =	vld [tilespmem:$0x2310];
	[tilespmem:$0x1CC0] =	vst v12  }
0x6f: {  	v18 =	vld [tilespmem:$0x2320];
	[tilespmem:$0x1CD0] =	vst v13  }
0x70: {  	v19 =	vld [tilespmem:$0x2330];
	[tilespmem:$0x1CE0] =	vst v14  }
0x71: {  	v20 =	vld [tilespmem:$0x2340];
	[tilespmem:$0x1CF0] =	vst v15  }
0x72: {  	v21 =	vld [tilespmem:$0x2350];
	[tilespmem:$0x1D00] =	vst v16  }
0x73: {  	v22 =	vld [tilespmem:$0x2360];
	[tilespmem:$0x1D10] =	vst v17  }
0x74: {  	v23 =	vld [tilespmem:$0x2370];
	[tilespmem:$0x1D20] =	vst v18  }
0x75: {  	v24 =	vld [tilespmem:$0x2280];
	[tilespmem:$0x1D30] =	vst v19  }
0x76: {  	v25 =	vld [tilespmem:$0x2290];
	[tilespmem:$0x1D40] =	vst v20  }
0x77: {  	v26 =	vld [tilespmem:$0x22A0];
	[tilespmem:$0x1D50] =	vst v21  }
0x78: {  	v27 =	vld [tilespmem:$0x22B0];
	[tilespmem:$0x1D60] =	vst v22  }
0x79: {  	v28 =	vld [tilespmem:$0x22C0];
	[tilespmem:$0x1D70] =	vst v23  }
0x7a: {  	v29 =	vld [tilespmem:$0x22D0];
	[tilespmem:$0x1D80] =	vst v24  }
0x7b: {  	v30 =	vld [tilespmem:$0x22E0];
	[tilespmem:$0x1D90] =	vst v25  }
0x7c: {  	v31 =	vld [tilespmem:$0x22F0];
	[tilespmem:$0x1DA0] =	vst v26  }
0x7d: {  	v32 =	vld [tilespmem:$0x2200];
	[tilespmem:$0x1DB0] =	vst v27  }
0x7e: {  	v33 =	vld [tilespmem:$0x2210];
	[tilespmem:$0x1DC0] =	vst v28  }
0x7f: {  	v34 =	vld [tilespmem:$0x2220];
	[tilespmem:$0x1DD0] =	vst v29  }
0x80: {  	v35 =	vld [tilespmem:$0x2230];
	[tilespmem:$0x1DE0] =	vst v30  }
0x81: {  	v36 =	vld [tilespmem:$0x2240];
	[tilespmem:$0x1DF0] =	vst v31  }
0x82: {  	v37 =	vld [tilespmem:$0x2250];
	[tilespmem:$0x1E00] =	vst v32  }
0x83: {  	v38 =	vld [tilespmem:$0x2260];
	[tilespmem:$0x1E10] =	vst v33  }
0x84: {  	v39 =	vld [tilespmem:$0x2270];
	[tilespmem:$0x1E20] =	vst v34  }
0x85: {  	v40 =	vld [tilespmem:$0x2180];
	[tilespmem:$0x1E30] =	vst v35  }
0x86: {  	v41 =	vld [tilespmem:$0x2190];
	[tilespmem:$0x1E40] =	vst v36  }
0x87: {  	v42 =	vld [tilespmem:$0x21A0];
	[tilespmem:$0x1E50] =	vst v37  }
0x88: {  	v43 =	vld [tilespmem:$0x21B0];
	[tilespmem:$0x1E60] =	vst v38  }
0x89: {  	v44 =	vld [tilespmem:$0x21C0];
	[tilespmem:$0x1E70] =	vst v39  }
0x8a: {  	v45 =	vld [tilespmem:$0x21D0];
	[tilespmem:$0x1E80] =	vst v40  }
0x8b: {  	v46 =	vld [tilespmem:$0x21E0];
	[tilespmem:$0x1E90] =	vst v41  }
0x8c: {  	v47 =	vld [tilespmem:$0x21F0];
	[tilespmem:$0x1EA0] =	vst v42  }
0x8d: {  	v48 =	vld [tilespmem:$0x2100];
	[tilespmem:$0x1EB0] =	vst v43  }
0x8e: {  	v49 =	vld [tilespmem:$0x2110];
	[tilespmem:$0x1EC0] =	vst v44  }
0x8f: {  	v50 =	vld [tilespmem:$0x2120];
	[tilespmem:$0x1ED0] =	vst v45  }
0x90: {  	v51 =	vld [tilespmem:$0x2130];
	[tilespmem:$0x1EE0] =	vst v46  }
0x91: {  	v52 =	vld [tilespmem:$0x2140];
	[tilespmem:$0x1EF0] =	vst v47  }
0x92: {  	[tilespmem:$0x1F00] =	vst v48;
	v53 =	vld [tilespmem:$0x2150]  }
0x93: {  	[tilespmem:$0x1F10] =	vst v49;
	v54 =	vld [tilespmem:$0x2160]  }
0x94: {  	[tilespmem:$0x1F20] =	vst v50;
	v55 =	vld [tilespmem:$0x2170]  }
0x95: {  	[tilespmem:$0x1F30] =	vst v51;
	v56 =	vld [tilespmem:$0x2080]  }
0x96: {  	[tilespmem:$0x1F40] =	vst v52;
	v57 =	vld [tilespmem:$0x2090]  }
0x97: {  	v58 =	vld [tilespmem:$0x20A0];
	[tilespmem:$0x1F50] =	vst v53  }
0x98: {  	v59 =	vld [tilespmem:$0x20B0];
	[tilespmem:$0x1F60] =	vst v54  }
0x99: {  	v60 =	vld [tilespmem:$0x20C0];
	[tilespmem:$0x1F70] =	vst v55  }
0x9a: {  	v61 =	vld [tilespmem:$0x20D0];
	[tilespmem:$0x1F80] =	vst v56  }
0x9b: {  	v62 =	vld [tilespmem:$0x20E0];
	[tilespmem:$0x1F90] =	vst v57  }
0x9c: {  	v63 =	vld [tilespmem:$0x20F0];
	[tilespmem:$0x1FA0] =	vst v58  }
0x9d: {  	[tilespmem:$0x1FB0] =	vst v59  }
0x9e: {  	[tilespmem:$0x1FC0] =	vst v60  }
0x9f: {  	[tilespmem:$0x1FD0] =	vst v61  }
0xa0: {  	[tilespmem:$0x1FE0] =	vst v62  }
0xa1: {  	[tilespmem:$0x1FF0] =	vst v63  }
.LBB2_4:
0xa2: {  	s13 =	simm.s32 $0x0;
	s14 =	simm.s32 $0x0  }
.LBB2_5:
0xa3: {  	s16 =	sshll.u32 s14, $0x4  }
0xa4: {  	s17 =	sand.u32 $0x70, s13;
	s15 =	sand.u32 $0xFFFFFF80, s16  }
0xa5: {  	s15 =	sor.u32 s17, s15  }
0xa6: {  	s16 =	sand.u32 $0x3FFFFF80, s16;
	v12 =	vld [tilespmem:s15+$0x0]  }
0xa7: {  	s16 =	sor.u32 s17, s16;
	v0 =	vld [tilespmem:s15+$0x1800]  }
0xa8: {  	v1 =	vld [tilespmem:s16+$0x1880]  }
0xa9: {  	v2 =	vld [tilespmem:s16+$0x1900]  }
0xaa: {  	v47 =	vld [tilespmem:s16+$0x1980]  }
0xab: {  	v48 =	vld [tilespmem:s16+$0x1A00]  }
0xac: {  	v49 =	vld [tilespmem:s16+$0x1A80]  }
0xad: {  	v58 =	vld [tilespmem:s16+$0x1B00]  }
0xae: {  	v59 =	vld [tilespmem:s16+$0x1B80]  }
0xaf: {  	v9 =	vld [tilespmem:s16+$0x1C00]  }
0xb0: {  	v19 =	vld [tilespmem:s16+$0x1D80]  }
0xb1: {  	v36 =	vld [tilespmem:s16+$0x1E00]  }
0xb2: {  	v37 =	vld [tilespmem:s16+$0x1E80];
	v32 =	vsub.f32 v12, v0;
	v31 =	vsub.f32 v12, v1  }
0xb3: {  	v29 =	vsub.f32 v12, v2;
	v30 =	vsub.f32 v12, v47  }
0xb4: {  	v28 =	vsub.f32 v12, v48;
	v26 =	vsub.f32 v12, v49  }
0xb5: {  	v27 =	vsub.f32 v12, v58;
	v24 =	vsub.f32 v12, v59  }
0xb6: {  	v21 =	vsub.f32 v12, v9;
	v20 =	vsub.f32 v12, v19  }
0xb7: {  	v22 =	vsub.f32 v12, v36;
	v19 =	vsub.f32 v12, v37  }
0xb8: {  	v3 =	vmul.f32 v32, v32;
	v4 =	vand.u32 $0x7FFFFFFF, v32;
	v5 =	vmul.f32 v31, v31  }
0xb9: {  	v50 =	vand.u32 $0x7FFFFFFF, v31;
	v51 =	vmul.f32 v29, v29;
	v57 =	vand.u32 $0x7FFFFFFF, v29  }
0xba: {  	v63 =	vmul.f32 v30, v30;
	v10 =	vand.u32 $0x7FFFFFFF, v30;
	v6 =	vmul.f32 v28, v28  }
0xbb: {  	v11 =	vand.u32 $0x7FFFFFFF, v28;
	v7 =	vmul.f32 v26, v26;
	v14 =	vand.u32 $0x7FFFFFFF, v26  }
0xbc: {  	v15 =	vld [tilespmem:s16+$0x1C80];
	v18 =	vmul.f32 v27, v27;
	v25 =	vand.u32 $0x7FFFFFFF, v27;
	v33 =	vmul.f32 v24, v24  }
0xbd: {  	v34 =	vand.u32 $0x7FFFFFFF, v24;
	v8 =	vmul.f32 v21, v21;
	v35 =	vand.u32 $0x7FFFFFFF, v21  }
0xbe: {  	v46 =	vld [tilespmem:s16+$0x1F80];
	v9 =	vmul.f32 v20, v20;
	v52 =	vadd.f32 v3, v4;
	v54 =	vadd.f32 v5, v50  }
0xbf: {  	v47 =	vld [tilespmem:s16+$0x2000];
	v45 =	vand.u32 $0x7FFFFFFF, v20;
	v55 =	vadd.f32 v51, v57;
	v13 =	vadd.f32 v63, v10  }
0xc0: {  	v36 =	vmul.f32 v19, v19;
	v60 =	vadd.f32 v6, v11;
	v10 =	vadd.f32 v18, v25  }
0xc1: {  	v37 =	vand.u32 $0x7FFFFFFF, v19;
	v61 =	vadd.f32 v33, v34;
	v25 =	vsub.f32 v12, v15  }
0xc2: {  	v63 =	vadd.f32 v8, v35;
	v56 =	vadd.f32 v9, v45;
	v33 =	vmul.f32 v22, v22  }
0xc3: {  	v34 =	vld [tilespmem:s16+$0x2080];
	v35 =	vand.u32 $0x7FFFFFFF, v22;
	v57 =	vadd.f32 v36, v37;
	v18 =	vsub.f32 v12, v46  }
0xc4: {  	v17 =	vld [tilespmem:s16+$0x1D00];
	v15 =	vsub.f32 v12, v47;
	v62 =	vmin.f32 v52, v54;
	v39 =	vmul.f32 v25, v25  }
0xc5: {  	v40 =	vld [tilespmem:s16+$0x1F00];
	v42 =	vand.u32 $0x7FFFFFFF, v25;
	v58 =	vadd.f32 v33, v35;
	v3 =	vmin.f32 v62, v55  }
0xc6: {  	v53 =	vand.u32 $0x7FFFFFFF, v18;
	v62 =	vadd.f32 v7, v14;
	v16 =	vmin.f32 v3, v13  }
0xc7: {  	v35 =	vld [tilespmem:s16+$0x2300];
	v1 =	vand.u32 $0x7FFFFFFF, v15;
	v14 =	vadd.f32 v39, v42;
	v0 =	vmin.f32 v16, v60  }
0xc8: {  	v42 =	vmul.f32 v18, v18;
	v33 =	vsub.f32 v12, v34;
	v23 =	vmin.f32 v0, v62  }
0xc9: {  	v6 =	vld [tilespmem:s16+$0x2280];
	v0 =	vmul.f32 v15, v15;
	v5 =	vmin.f32 v23, v10;
	v23 =	vsub.f32 v12, v17  }
0xca: {  	v53 =	vadd.f32 v42, v53;
	v17 =	vsub.f32 v12, v40;
	v40 =	vld [tilespmem:s16+$0x2100];
	v38 =	vmin.f32 v5, v61  }
0xcb: {  	v2 =	vmul.f32 v33, v33;
	v41 =	vmin.f32 v38, v63;
	v43 =	vmul.f32 v23, v23  }
0xcc: {  	v50 =	vsub.f32 v12, v35;
	v44 =	vand.u32 $0x7FFFFFFF, v23;
	v7 =	vmin.f32 v41, v14;
	v41 =	vld [tilespmem:s16+$0x2180]  }
0xcd: {  	v34 =	vand.u32 $0x7FFFFFFF, v33;
	v47 =	vadd.f32 v0, v1;
	v59 =	vadd.f32 v43, v44;
	v43 =	vld [tilespmem:s16+$0x2200]  }
0xce: {  	v37 =	vld [tilespmem:s16+$0x2380];
	v38 =	vmul.f32 v17, v17;
	v39 =	vand.u32 $0x7FFFFFFF, v17;
	v44 =	vsub.f32 v12, v6  }
0xcf: {  	v48 =	vadd.f32 v2, v34;
	v16 =	vsub.f32 v12, v40;
	v11 =	vmin.f32 v7, v59  }
0xd0: {  	v51 =	vadd.f32 v38, v39;
	v35 =	vmul.f32 v44, v44;
	v5 =	vmin.f32 v11, v56  }
0xd1: {  	v36 =	vmul.f32 v16, v16;
	v38 =	vand.u32 $0x7FFFFFFF, v16;
	v5 =	vmin.f32 v5, v58  }
0xd2: {  	v34 =	vsub.f32 v12, v41;
	v5 =	vmin.f32 v5, v57;
	v40 =	vsub.f32 v12, v43  }
0xd3: {  	v49 =	vadd.f32 v36, v38;
	v36 =	vsub.f32 v12, v37;
	v5 =	vmin.f32 v5, v51  }
0xd4: {  	v6 =	vld [tilespmem:s16+$0x2400];
	v38 =	vand.u32 $0x7FFFFFFF, v44;
	v39 =	vmul.f32 v34, v34;
	v5 =	vmin.f32 v5, v53  }
0xd5: {  	v41 =	vand.u32 $0x7FFFFFFF, v34;
	v42 =	vmul.f32 v40, v40;
	v5 =	vmin.f32 v5, v47  }
0xd6: {  	v9 =	vld [tilespmem:s16+$0x2500];
	v43 =	vand.u32 $0x7FFFFFFF, v40;
	v46 =	vadd.f32 v39, v41;
	v5 =	vmin.f32 v5, v48  }
0xd7: {  	v37 =	vld [tilespmem:s16+$0x2480];
	v39 =	vmul.f32 v50, v50;
	v45 =	vadd.f32 v42, v43;
	v5 =	vmin.f32 v5, v49  }
0xd8: {  	v41 =	vand.u32 $0x7FFFFFFF, v50;
	v43 =	vadd.f32 v35, v38;
	v35 =	vld [tilespmem:s16+$0x2600];
	v11 =	vmin.f32 v5, v46  }
0xd9: {  	[tilespmem:$0x1FFD0] =	vst v50;
	v50 =	vsub.f32 v12, v6;
	v42 =	vmul.f32 v36, v36;
	v7 =	vmin.f32 v11, v45;
	v11 =	vld [tilespmem:s16+$0x2580]  }
0xda: {  	[tilespmem:$0x1FFC0] =	vst v44;
	v44 =	vand.u32 $0x7FFFFFFF, v36;
	v5 =	vld [tilespmem:s16+$0x2680]  }
0xdb: {  	[tilespmem:$0x1FF90] =	vst v45;
	v45 =	vadd.f32 v39, v41;
	v41 =	vadd.f32 v42, v44;
	v42 =	vmul.f32 v50, v50  }
0xdc: {  	v44 =	vand.u32 $0x7FFFFFFF, v50;
	v38 =	vmin.f32 v7, v43;
	v7 =	vsub.f32 v12, v37  }
0xdd: {  	v6 =	vmin.f32 v38, v45;
	v42 =	vadd.f32 v42, v44;
	v8 =	vsub.f32 v12, v35  }
0xde: {  	[tilespmem:$0x1FFE0] =	vst v36;
	v37 =	vmin.f32 v6, v41;
	v6 =	vsub.f32 v12, v9;
	v4 =	vsub.f32 v12, v11;
	v11 =	vld [tilespmem:s16+$0x2700]  }
0xdf: {  	[tilespmem:$0x1FFF0] =	vst v50;
	v50 =	vand.u32 $0x7FFFFFFF, v7;
	v36 =	vmul.f32 v7, v7;
	v5 =	vsub.f32 v12, v5  }
0xe0: {  	v35 =	vld [tilespmem:s16+$0x2780];
	v37 =	vmin.f32 v37, v42;
	v38 =	vand.u32 $0x7FFFFFFF, v6;
	v39 =	vmul.f32 v6, v6  }
0xe1: {  	v50 =	vadd.f32 v36, v50;
	v36 =	vld [tilespmem:s16+$0x2800];
	v1 =	vmul.f32 v5, v5;
	v0 =	vmul.f32 v4, v4  }
0xe2: {  	v44 =	vadd.f32 v39, v38;
	v3 =	vand.u32 $0x7FFFFFFF, v4;
	v38 =	vmul.f32 v8, v8  }
0xe3: {  	v39 =	vadd.f32 v0, v3;
	v0 =	vand.u32 $0x7FFFFFFF, v5;
	v9 =	vsub.f32 v12, v11  }
0xe4: {  	v11 =	vand.u32 $0x7FFFFFFF, v8;
	v0 =	vadd.f32 v1, v0;
	v1 =	vmin.f32 v37, v50  }
0xe5: {  	v38 =	vadd.f32 v38, v11;
	v11 =	vsub.f32 v12, v35;
	v35 =	vmul.f32 v9, v9  }
0xe6: {  	v12 =	vsub.f32 v12, v36;
	v1 =	vmin.f32 v1, v44;
	v3 =	vand.u32 $0x7FFFFFFF, v9  }
0xe7: {  	v1 =	vmin.f32 v1, v39;
	v37 =	vadd.f32 v35, v3;
	v35 =	vmul.f32 v11, v11  }
0xe8: {  	v2 =	vmin.f32 v1, v38;
	v36 =	vand.u32 $0x7FFFFFFF, v11;
	v3 =	vmul.f32 v12, v12  }
0xe9: {  	v2 =	vmin.f32 v2, v0;
	v1 =	vadd.f32 v35, v36;
	v36 =	vand.u32 $0x7FFFFFFF, v12  }
0xea: {  	[tilespmem:$0x1FFA0] =	vst v0;
	v0 =	vmin.f32 v2, v37;
	v35 =	vadd.f32 v3, v36  }
0xeb: {  	v0 =	vmin.f32 v0, v1  }
0xec: {  	[tilespmem:$0x1FFB0] =	vst v35;
	v35 =	vmin.f32 v0, v35  }
0xed: {  	v0 =	vsub.f32 v52, v35  }
0xee: {  	v52 =	vsub.f32 v54, v35  }
0xef: {  	v54 =	vsub.f32 v55, v35;
	v0 =	vmul.f32 $-5.000000000e+00, v0  }
0xf0: {  	v3 =	vmov v1;
	v13 =	vsub.f32 v13, v35;
	v1 =	vmul.f32 $-5.000000000e+00, v52  }
0xf1: {  	v36 =	vmul.f32 $-5.000000000e+00, v54;
	v0 =	vmul.f32 $1.442695020e+00, v0  }
0xf2: {  	v54 =	vmul.f32 $-5.000000000e+00, v13;
	v55 =	vmul.f32 $1.442695020e+00, v1  }
0xf3: {  	v52 =	vmul.f32 $1.442695020e+00, v36;
	(erf) = vpow2.f32 v0  }
0xf4: {  	(erf) = vpow2.f32 v55  }
0xf5: {  	v55 =	vmul.f32 $1.442695020e+00, v54;
	(erf) = vpow2.f32 v52  }
0xf6: {  	v13 =	vsub.f32 v60, v35  }
0xf7: {  	v52 =	vsub.f32 v62, v35;
	(erf) = vpow2.f32 v55  }
0xf8: {  	v36 =	vmul.f32 $-5.000000000e+00, v13;
	v55 =	vsub.f32 v10, v35  }
0xf9: {  	v1 =	vmul.f32 $-5.000000000e+00, v52  }
0xfa: {  	v0 =	vmul.f32 $1.442695020e+00, v36;
	v2 =	vmul.f32 $-5.000000000e+00, v55  }
0xfb: {  	v1 =	vmul.f32 $1.442695020e+00, v1  }
0xfc: {  	v10 =	vsub.f32 v61, v35;
	v2 =	vmul.f32 $1.442695020e+00, v2;
	v54 =	vpop (erf);
	(erf) = vpow2.f32 v0  }
0xfd: {  	v60 =	vadd.f32 $0.0e+00, v54;
	v13 =	vmul.f32 v54, v32;
	v62 =	vpop (erf);
	(erf) = vpow2.f32 v1  }
0xfe: {  	v54 =	vsub.f32 v63, v35;
	v63 =	vsub.f32 v14, v35;
	v0 =	vmul.f32 v62, v31;
	v52 =	vpop (erf)  }
0xff: {  	(erf) = vpow2.f32 v2;
	v13 =	vadd.f32 $0.0e+00, v13;
	v55 =	vmul.f32 v52, v29  }
0x100: {  	v32 =	vadd.f32 v60, v62;
	v60 =	vmul.f32 $-5.000000000e+00, v10;
	v61 =	vpop (erf);
	v62 =	vmul.f32 $-5.000000000e+00, v54  }
0x101: {  	v10 =	vmul.f32 $-5.000000000e+00, v63;
	v30 =	vmul.f32 v61, v30;
	v0 =	vadd.f32 v13, v0  }
0x102: {  	v1 =	vadd.f32 v32, v52;
	v29 =	vmul.f32 $1.442695020e+00, v60;
	v32 =	vsub.f32 v59, v35  }
0x103: {  	v31 =	vmul.f32 $1.442695020e+00, v62;
	v52 =	vsub.f32 v56, v35;
	v56 =	vsub.f32 v58, v35  }
0x104: {  	v10 =	vmul.f32 $1.442695020e+00, v10;
	v59 =	vsub.f32 v57, v35;
	v57 =	vsub.f32 v47, v35  }
0x105: {  	v0 =	vadd.f32 v0, v55;
	(erf) = vpow2.f32 v29;
	v2 =	vmul.f32 $-5.000000000e+00, v32  }
0x106: {  	v1 =	vadd.f32 v1, v61;
	v55 =	vmul.f32 $-5.000000000e+00, v52;
	(erf) = vpow2.f32 v31  }
0x107: {  	v61 =	vmul.f32 $-5.000000000e+00, v59;
	v31 =	vsub.f32 v53, v35;
	v36 =	vpop (erf);
	(erf) = vpow2.f32 v10  }
0x108: {  	v59 =	vsub.f32 v48, v35;
	v2 =	vmul.f32 $1.442695020e+00, v2;
	v13 =	vmul.f32 $1.442695020e+00, v55  }
0x109: {  	v0 =	vadd.f32 v0, v30;
	v28 =	vmul.f32 v36, v28;
	v54 =	vpop (erf);
	v52 =	vmul.f32 $-5.000000000e+00, v31  }
0x10a: {  	v1 =	vadd.f32 v1, v36;
	v10 =	vmul.f32 v54, v26;
	(erf) = vpow2.f32 v2  }
0x10b: {  	v26 =	vmul.f32 $-5.000000000e+00, v56;
	v2 =	vmul.f32 $1.442695020e+00, v61;
	v0 =	vadd.f32 v0, v28  }
0x10c: {  	v58 =	vpop (erf);
	v61 =	vmul.f32 $-5.000000000e+00, v57;
	v1 =	vadd.f32 v1, v54;
	v28 =	vsub.f32 v51, v35  }
0x10d: {  	v60 =	vmul.f32 v58, v27;
	(erf) = vpow2.f32 v13;
	v27 =	vsub.f32 v46, v35  }
0x10e: {  	v57 =	vsub.f32 v41, v35;
	v63 =	vmul.f32 $1.442695020e+00, v26;
	v30 =	vmul.f32 $-5.000000000e+00, v28  }
0x10f: {  	v55 =	vmul.f32 $1.442695020e+00, v52;
	v1 =	vadd.f32 v1, v58;
	v31 =	vmul.f32 $-5.000000000e+00, v27  }
0x110: {  	v0 =	vadd.f32 v0, v10;
	v62 =	vpop (erf);
	(erf) = vpow2.f32 v63;
	v51 =	vmul.f32 $1.442695020e+00, v30  }
0x111: {  	v47 =	vmul.f32 $1.442695020e+00, v31;
	v1 =	vadd.f32 v1, v62;
	v10 =	vmul.f32 v62, v24  }
0x112: {  	v0 =	vadd.f32 v0, v60;
	v29 =	vpop (erf);
	(erf) = vpow2.f32 v2;
	v62 =	vmul.f32 $-5.000000000e+00, v59  }
0x113: {  	v24 =	vmul.f32 $1.442695020e+00, v61;
	v59 =	vmul.f32 $-5.000000000e+00, v57;
	v1 =	vadd.f32 v1, v29  }
0x114: {  	v32 =	vmul.f32 v29, v21;
	v36 =	vpop (erf);
	(erf) = vpow2.f32 v51;
	v51 =	vsub.f32 v43, v35  }
0x115: {  	v0 =	vadd.f32 v0, v10;
	v53 =	vmul.f32 v36, v25;
	v1 =	vadd.f32 v1, v36  }
0x116: {  	v25 =	vsub.f32 v49, v35;
	v10 =	vmul.f32 $1.442695020e+00, v62;
	v54 =	vpop (erf);
	(erf) = vpow2.f32 v55;
	v36 =	vld [tilespmem:$0x1FF90]  }
0x117: {  	v62 =	vsub.f32 v50, v35;
	v56 =	vmul.f32 v54, v23;
	v58 =	vpop (erf);
	v1 =	vadd.f32 v1, v54  }
0x118: {  	v21 =	vsub.f32 v44, v35;
	v60 =	vmul.f32 v58, v20;
	v20 =	vmul.f32 $-5.000000000e+00, v25  }
0x119: {  	(erf) = vpow2.f32 v24;
	v14 =	vmul.f32 $-5.000000000e+00, v62;
	v1 =	vadd.f32 v1, v58  }
0x11a: {  	v0 =	vadd.f32 v0, v32;
	v24 =	vmul.f32 $-5.000000000e+00, v21;
	v30 =	vmul.f32 $1.442695020e+00, v20;
	v63 =	vpop (erf)  }
0x11b: {  	(erf) = vpow2.f32 v10;
	v46 =	vsub.f32 v36, v35;
	v1 =	vadd.f32 v1, v63  }
0x11c: {  	v0 =	vadd.f32 v0, v53;
	v53 =	vsub.f32 v45, v35;
	v14 =	vmul.f32 $1.442695020e+00, v14;
	v26 =	vpop (erf)  }
0x11d: {  	v29 =	vpop (erf);
	(erf) = vpow2.f32 v30;
	v49 =	vmul.f32 $-5.000000000e+00, v46;
	v1 =	vadd.f32 v1, v26  }
0x11e: {  	v0 =	vadd.f32 v0, v56;
	v32 =	vmul.f32 v29, v17;
	v17 =	vmul.f32 $-5.000000000e+00, v51  }
0x11f: {  	v48 =	vpop (erf);
	(erf) = vpow2.f32 v47;
	v13 =	vmul.f32 $1.442695020e+00, v49;
	v1 =	vadd.f32 v1, v29  }
0x120: {  	v54 =	vmul.f32 $-5.000000000e+00, v53;
	v2 =	vmul.f32 v63, v22;
	v0 =	vadd.f32 v0, v60  }
0x121: {  	v56 =	vmul.f32 $1.442695020e+00, v17;
	(erf) = vpow2.f32 v13;
	v1 =	vadd.f32 v1, v48  }
0x122: {  	v28 =	vmul.f32 v26, v19;
	v60 =	vsub.f32 v42, v35;
	v0 =	vadd.f32 v0, v2;
	v55 =	vpop (erf)  }
0x123: {  	v2 =	vmul.f32 $1.442695020e+00, v54;
	(erf) = vpow2.f32 v56;
	v1 =	vadd.f32 v1, v55  }
0x124: {  	v25 =	vsub.f32 v39, v35;
	v30 =	vld [tilespmem:$0x1FFA0];
	v17 =	vmul.f32 $-5.000000000e+00, v60;
	v10 =	vmul.f32 v55, v15;
	v58 =	vpop (erf)  }
0x125: {  	v15 =	vmul.f32 $1.442695020e+00, v59;
	(erf) = vpow2.f32 v2;
	v1 =	vadd.f32 v1, v58  }
0x126: {  	v52 =	vmul.f32 v48, v18;
	v0 =	vadd.f32 v0, v28;
	v28 =	vsub.f32 v38, v35;
	v63 =	vpop (erf)  }
0x127: {  	v22 =	vmul.f32 $1.442695020e+00, v17;
	(erf) = vpow2.f32 v15;
	v1 =	vadd.f32 v1, v63  }
0x128: {  	v38 =	vsub.f32 v3, v35;
	v13 =	vmul.f32 $-5.000000000e+00, v25;
	v0 =	vadd.f32 v0, v32;
	v23 =	vpop (erf)  }
0x129: {  	v17 =	vsub.f32 v30, v35;
	(erf) = vpow2.f32 v22;
	v1 =	vadd.f32 v1, v23  }
0x12a: {  	v27 =	vmul.f32 $1.442695020e+00, v24;
	v32 =	vsub.f32 v37, v35;
	v0 =	vadd.f32 v0, v52;
	v26 =	vpop (erf)  }
0x12b: {  	v13 =	vmul.f32 $1.442695020e+00, v13;
	(erf) = vpow2.f32 v14;
	v1 =	vadd.f32 v1, v26  }
0x12c: {  	v41 =	vld [tilespmem:$0x1FFB0];
	v17 =	vmul.f32 $-5.000000000e+00, v17;
	v61 =	vmul.f32 v58, v33;
	v0 =	vadd.f32 v0, v10;
	v29 =	vpop (erf)  }
0x12d: {  	v15 =	vmul.f32 $-5.000000000e+00, v28;
	(erf) = vpow2.f32 v27;
	v1 =	vadd.f32 v1, v29  }
0x12e: {  	v37 =	vmul.f32 $-5.000000000e+00, v32;
	v16 =	vmul.f32 v63, v16;
	v0 =	vadd.f32 v0, v61;
	v31 =	vpop (erf)  }
0x12f: {  	v42 =	vld [tilespmem:$0x1FFC0];
	v33 =	vmul.f32 $1.442695020e+00, v15;
	(erf) = vpow2.f32 v13;
	v1 =	vadd.f32 v1, v31  }
0x130: {  	v36 =	vmul.f32 $1.442695020e+00, v17;
	v10 =	vmul.f32 v23, v34;
	v0 =	vadd.f32 v0, v16;
	v34 =	vpop (erf)  }
0x131: {  	v17 =	vsub.f32 v41, v35;
	(erf) = vpow2.f32 v33;
	v1 =	vadd.f32 v1, v34  }
0x132: {  	v45 =	vld [tilespmem:$0x1FFD0];
	v2 =	vmul.f32 v26, v40;
	v40 =	vmul.f32 $1.442695020e+00, v37;
	v0 =	vadd.f32 v0, v10;
	v39 =	vpop (erf)  }
0x133: {  	v49 =	vld [tilespmem:$0x1FFE0];
	v13 =	vmul.f32 $-5.000000000e+00, v38;
	(erf) = vpow2.f32 v36;
	v1 =	vadd.f32 v1, v39  }
0x134: {  	v44 =	vmul.f32 $-5.000000000e+00, v17;
	v0 =	vadd.f32 v0, v2;
	v2 =	vmul.f32 v29, v42;
	v43 =	vpop (erf)  }
0x135: {  	v13 =	vmul.f32 $1.442695020e+00, v13;
	(erf) = vpow2.f32 v40;
	v1 =	vadd.f32 v1, v43  }
0x136: {  	v51 =	vld [tilespmem:$0x1FFF0];
	v47 =	vmul.f32 $1.442695020e+00, v44;
	v0 =	vadd.f32 v0, v2;
	v46 =	vpop (erf)  }
0x137: {  	v2 =	vmul.f32 v31, v45;
	(erf) = vpow2.f32 v13;
	v1 =	vadd.f32 v1, v46  }
0x138: {  	v15 =	vmul.f32 v34, v49;
	v48 =	vpop (erf)  }
0x139: {  	v0 =	vadd.f32 v0, v2;
	(erf) = vpow2.f32 v47;
	v1 =	vadd.f32 v1, v48  }
0x13a: {  	v50 =	vpop (erf)  }
0x13b: {  	v3 =	vmul.f32 v39, v51;
	v0 =	vadd.f32 v0, v15;
	v1 =	vadd.f32 v1, v50  }
0x13c: {  	v52 =	vpop (erf)  }
0x13d: {  	v53 =	vmul.f32 v43, v7;
	v0 =	vadd.f32 v0, v3;
	v1 =	vadd.f32 v1, v52  }
0x13e: {  	v54 =	vpop (erf)  }
0x13f: {  	v55 =	vmul.f32 v46, v6;
	v0 =	vadd.f32 v0, v53;
	v1 =	vadd.f32 v1, v54  }
0x140: {  	v56 =	vpop (erf)  }
0x141: {  	v2 =	vmul.f32 v48, v4;
	v0 =	vadd.f32 v0, v55;
	v1 =	vadd.f32 v1, v56  }
0x142: {  	v57 =	vpop (erf)  }
0x143: {  	v58 =	vmul.f32 v50, v8;
	v0 =	vadd.f32 v0, v2;
	v1 =	vadd.f32 v1, v57;
	_ =	sdelay $0x1  }
0x144: {  	v59 =	vmul.f32 v52, v5;
	v0 =	vadd.f32 v0, v58;
	(erf) = vrcp.f32 v1;
	_ =	sdelay $0x1  }
0x145: {  	v60 =	vmul.f32 v54, v9;
	v0 =	vadd.f32 v0, v59;
	_ =	sdelay $0x1  }
0x146: {  	v61 =	vmul.f32 v56, v11;
	v0 =	vadd.f32 v0, v60;
	_ =	sdelay $0x1  }
0x147: {  	v62 =	vmul.f32 v57, v12;
	v0 =	vadd.f32 v0, v61  }
0x148: {  	p1 =	sne.s32 s14, $0x17F  }
.Ltmp2:
0x149: {  	v0 =	vadd.f32 v0, v62;
	(pc) =	sbr.rel @p1 .LBB2_5-.Ltmp2, $3  }
0x14a: {  	v63 =	vpop (erf)  }
0x14b: {  	v0 =	vmul.f32 v63, v0;
	_ =	sdelay $0x1  }
0x14c: {  	s13 =	sadd.s32 $0x10, s13;
	s14 =	sadd.s32 $0x1, s14;
	[tilespmem:s15+$0x4000] =	vst v0  }
0x14d: {  	s12 =	sadd.s32 $0x1, s12  }
0x14e: {  	p1 =	sne.s32 s12, s7  }
.Ltmp3:
0x14f: {  	_ = 	snop;
	(pc) =	sbr.rel @p1 .LBB2_1-.Ltmp3, $4  }
0x150: {  	[hbm4b:s6+s2] =	stream.linear.scatter [tilespmem:s10], [sflag:$0x1], $0x1800, $0x38;
	[tilespmem:$0x5800] =	vst v63  }
0x151: {  	_ =	swait.ge [sflag:s8], $0x1800  }
0x152: {  	[sflag:s8] =	ssyncset.done $0x0  }
0x153: {  	[sflag:s8] =	ssyncadd.s32 $0xFFFFE800  }
0x154: {  	_ =	sfence.sel $0x180000  }
0x155: {  	[bflag:$0x0] =	sbarrier.arrive $0xFFFF  }
0x156: {  	p0 =	sne.s32 s0, $0x0;
	_ =	strace $0x90000047  }
0x157: {  	s0 =	sadd.s32 @!p0 $0x100000, s1;
	[bflag:$0x2] =	sbarrier.arrive $0xFFFF  }
0x158: {  	[sflag:s0] =	ssyncadd.tile.s32 @!p0 $0x1;
	_ =	shalt  }
.Lfunc_end2:
_tile_overlayer_lowered:
.L_overlay_start_2:
0x159: {  	(tag) =	ssettag $0x2  }
0x15a: {  	s0 =	rddreg [dreg:$0x0];
	s2 =	stileid.u32  }
0x15b: {  	s1 =	rddreg [dreg:$0x1];
	p0 =	sne.s32 s2, $0x0  }
0x15c: {  	s3 =	rddreg [dreg:$0x2];
	[bflag:$0x3] =	sbarrier.arrive $0xFFFF;
	s2 =	simm.s32 @!p0 $0x1C01  }
0x15d: {  	[timem:s3], [sflag:s2] =	dma.local @!p0 [hbm:s0], s1  }
0x15e: {  	s0 =	simm.s32 @!p0 $0x1  }
0x15f: {  	_ =	swait.ge @!p0 [sflag:s0], s1  }
0x160: {  	s1 =	ssub.s32 @!p0 $0x0, s1;
	[sflag:s0] =	ssyncset.done @!p0 $0x0  }
0x161: {  	[sflag:s0] =	ssyncadd.s32 @!p0 s1  }
0x162: {  	[bflag:$0x3] =	sbarrier.arrive $0xFFFF  }
0x163: {  	_ =	shalt  }

</sc_bundles>
